<compile_context>
chip_gen: v7x
topology: tpu7x:2x2x1
jax: 0.10.2.dev20260603
libtpu: 0.0.44.dev20260713+nightly
codegen_flags: <defaults>
</compile_context>

<pallas_src>
import functools

import jax
import jax.numpy as jnp
from jax import lax
from jax.experimental import pallas as pl
from jax.experimental.pallas import tpu as pltpu
from jax.experimental.pallas import tpu_sc as plsc

N_NODES = 10000
N_PAD = 10240
E_EDGES = 320000
NFEAT = 128
NHID = 64
NHEADS = 4
NCLASS = 16
ALPHA = 0.2

NC = 2
NS = 16
LANES = 16

HPW = 2 * NHID
W2ROW = 2 * NCLASS

TCB = 1024
NBLK = N_PAD // TCB

CH = 80



def _tc1_body(x_ref, wc_ref, lrm_ref, h_ref, lrtab_ref):
    h = jnp.dot(x_ref[...], wc_ref[0], preferred_element_type=jnp.float32)
    h_ref[...] = h
    lrtab_ref[...] = jnp.dot(h, lrm_ref[0], preferred_element_type=jnp.float32)


def _tc1(xp, Wc, LRm):
    return pl.pallas_call(
        _tc1_body,
        grid=(NC, NBLK),
        in_specs=[
            pl.BlockSpec((TCB, NFEAT), lambda c, i: (i, 0)),
            pl.BlockSpec((1, NFEAT, HPW), lambda c, i: (c, 0, 0)),
            pl.BlockSpec((1, HPW, 16), lambda c, i: (c, 0, 0)),
        ],
        out_specs=[
            pl.BlockSpec((TCB, HPW), lambda c, i: (c * NBLK + i, 0)),
            pl.BlockSpec((TCB, 16), lambda c, i: (c * NBLK + i, 0)),
        ],
        out_shape=[
            jax.ShapeDtypeStruct((NC * N_PAD, HPW), jnp.float32),
            jax.ShapeDtypeStruct((NC * N_PAD, 16), jnp.float32),
        ],
    )(xp, Wc, LRm)



EPT1 = E_EDGES // NS
NCH1 = EPT1 // CH
GRP = CH // LANES
N_ACC = 10112
RPT = N_ACC // NS


def _sc1_body(htab, lrtab, srcs, dsts, zd, zw, outd, outw,
              sct, obuf, wtbuf,
              sbuf0, dbuf0, sobuf0, abuf0, bbuf0, rbuf0,
              sbuf1, dbuf1, sobuf1, abuf1, bbuf1, rbuf1,
              accd, accw, semg0, semg1, semi0, semi1):
    cid = lax.axis_index("c")
    sid = lax.axis_index("s")
    pltpu.sync_copy(zd, accd.at[pl.ds(sid * RPT, RPT)])
    pltpu.sync_copy(zw, accw.at[pl.ds(sid * RPT, RPT)])
    noff = cid * N_PAD
    iota = lax.iota(jnp.int32, LANES)
    zeros16 = jnp.zeros((LANES,), jnp.int32)
    ones16 = jnp.ones((LANES,), jnp.int32)
    shidx = jnp.bitwise_and(iota + 2, 15)
    sbufs = (sbuf0, sbuf1)
    dbufs = (dbuf0, dbuf1)
    sobufs = (sobuf0, sobuf1)
    abufs = (abuf0, abuf1)
    bbufs = (bbuf0, bbuf1)
    rbufs = (rbuf0, rbuf1)
    semgs = (semg0, semg1)
    semis = (semi0, semi1)
    eb = sid * EPT1
    plsc.subcore_barrier()

    def issue_idx(k, b):
        sl = pl.ds(eb + k * CH, CH)
        pltpu.async_copy(srcs.at[sl], sbufs[b], semis[b])
        pltpu.async_copy(dsts.at[sl], dbufs[b], semis[b])

    def wait_idx(k, b):
        sl = pl.ds(eb + k * CH, CH)
        pltpu.make_async_copy(srcs.at[sl], sbufs[b], semis[b]).wait()
        pltpu.make_async_copy(dsts.at[sl], dbufs[b], semis[b]).wait()

    def offsets(b):
        for g in range(GRP):
            sl = pl.ds(g * LANES, LANES)
            sobufs[b][sl] = sbufs[b][sl] + noff
            dbufs[b][sl] = dbufs[b][sl] + noff

    def issue_gather(b):
        pltpu.async_copy(htab.at[dbufs[b]], abufs[b], semgs[b])
        pltpu.async_copy(lrtab.at[sobufs[b]], bbufs[b], semgs[b])
        pltpu.async_copy(lrtab.at[dbufs[b]], rbufs[b], semgs[b])

    def wait_gather(b):
        pltpu.make_async_copy(htab.at[dbufs[b]], abufs[b], semgs[b]).wait()
        pltpu.make_async_copy(lrtab.at[sobufs[b]], bbufs[b], semgs[b]).wait()
        pltpu.make_async_copy(lrtab.at[dbufs[b]], rbufs[b], semgs[b]).wait()

    def compute(b):
        abuf, bbuf, rbuf = abufs[b], bbufs[b], rbufs[b]

        @plsc.parallel_loop(0, CH, 1, unroll=2)
        def _(c):
            lrow = bbuf[c, pl.ds(0, LANES)]
            rrow = rbuf[c, pl.ds(0, LANES)]
            rsh = rrow.at[shidx].get(mode="promise_in_bounds")
            e = lrow + rsh
            w = jnp.exp(-jnp.maximum(e, ALPHA * e))
            s0 = w.at[zeros16].get(mode="promise_in_bounds")
            s1 = w.at[ones16].get(mode="promise_in_bounds")
            for kk in range(4):
                obuf[c, pl.ds(kk * LANES, LANES)] = (
                    abuf[c, pl.ds(kk * LANES, LANES)] * s0)
            for kk in range(4, 8):
                obuf[c, pl.ds(kk * LANES, LANES)] = (
                    abuf[c, pl.ds(kk * LANES, LANES)] * s1)
            wtbuf[c, pl.ds(0, LANES)] = jnp.where(
                iota < 2, w, jnp.zeros_like(w))

    def scatter(b):
        pltpu.sync_copy(obuf, accd.at[sct], add=True)
        pltpu.sync_copy(wtbuf, accw.at[sct], add=True)

    issue_idx(0, 0)
    issue_idx(1, 1)
    wait_idx(0, 0)
    offsets(0)
    issue_gather(0)

    def pair_body(kk, carry):
        for b in range(2):
            k = 2 * kk + b
            bn = 1 - b
            if b == 0:
                wait_idx(k + 1, bn)
                offsets(bn)
                issue_gather(bn)
            else:
                @pl.when(kk < NCH1 // 2 - 1)
                def _():
                    wait_idx(k + 1, bn)
                    offsets(bn)
                    issue_gather(bn)
            wait_gather(b)
            for g in range(GRP):
                sl = pl.ds(g * LANES, LANES)
                sct[sl] = sbufs[b][sl]

            @pl.when(k + 2 < NCH1)
            def _():
                issue_idx(k + 2, b)
            compute(b)
            scatter(b)
        return carry
    lax.fori_loop(0, NCH1 // 2, pair_body, 0)
    plsc.subcore_barrier()
    pltpu.sync_copy(accd.at[pl.ds(sid * RPT, RPT)],
                    outd.at[pl.ds(cid * N_ACC + sid * RPT, RPT)])
    pltpu.sync_copy(accw.at[pl.ds(sid * RPT, RPT)],
                    outw.at[pl.ds(cid * N_ACC + sid * RPT, RPT)])


def _sc1(htab, lrtab, srcs, dsts, zd, zw):
    mesh = plsc.VectorSubcoreMesh(core_axis_name="c", subcore_axis_name="s")
    fn = functools.partial(
        pl.kernel,
        compiler_params=pltpu.CompilerParams(use_tc_tiling_on_sc=False),
        out_type=[
            jax.ShapeDtypeStruct((NC * N_ACC, HPW), jnp.float32),
            jax.ShapeDtypeStruct((NC * N_ACC, 16), jnp.float32),
        ],
        mesh=mesh,
        scratch_types=[
            pltpu.VMEM((CH,), jnp.int32),
            pltpu.VMEM((CH, HPW), jnp.float32),
            pltpu.VMEM((CH, 16), jnp.float32),
            pltpu.VMEM((CH,), jnp.int32),
            pltpu.VMEM((CH,), jnp.int32),
            pltpu.VMEM((CH,), jnp.int32),
            pltpu.VMEM((CH, HPW), jnp.float32),
            pltpu.VMEM((CH, 16), jnp.float32),
            pltpu.VMEM((CH, 16), jnp.float32),
            pltpu.VMEM((CH,), jnp.int32),
            pltpu.VMEM((CH,), jnp.int32),
            pltpu.VMEM((CH,), jnp.int32),
            pltpu.VMEM((CH, HPW), jnp.float32),
            pltpu.VMEM((CH, 16), jnp.float32),
            pltpu.VMEM((CH, 16), jnp.float32),
            pltpu.VMEM_SHARED((N_ACC, HPW), jnp.float32),
            pltpu.VMEM_SHARED((N_ACC, 16), jnp.float32),
            pltpu.SemaphoreType.DMA,
            pltpu.SemaphoreType.DMA,
            pltpu.SemaphoreType.DMA,
            pltpu.SemaphoreType.DMA,
        ],
    )(_sc1_body)
    return fn(htab, lrtab, srcs, dsts, zd, zw)



def _tc2_body(dt_ref, db_ref, wt_ref, wb_ref, wout_ref, aor_ref, aol_ref,
              g_ref, l2_ref):
    def halves(d, wsum):
        s0 = wsum[:, 0:1] + 1e-16
        s1 = wsum[:, 1:2] + 1e-16
        return jnp.concatenate([d[:, :NHID] / s0, d[:, NHID:] / s1], axis=1)
    h2 = jnp.concatenate([halves(dt_ref[...], wt_ref[...]),
                          halves(db_ref[...], wb_ref[...])], axis=1)
    h2 = jnp.where(h2 > 0, h2, jnp.exp(h2) - 1.0)
    hout = jnp.dot(h2, wout_ref[...], preferred_element_type=jnp.float32)
    g_ref[:, :NCLASS] = hout
    g_ref[:, NCLASS:] = jnp.dot(hout, aor_ref[...],
                                preferred_element_type=jnp.float32)
    l2_ref[...] = jnp.dot(hout, aol_ref[...], preferred_element_type=jnp.float32)


def _tc2(accd, accw, Wout, AorM, AolM):
    return pl.pallas_call(
        _tc2_body,
        grid=(NS,),
        in_specs=[
            pl.BlockSpec((RPT, HPW), lambda i: (i, 0)),
            pl.BlockSpec((RPT, HPW), lambda i: (NS + i, 0)),
            pl.BlockSpec((RPT, 16), lambda i: (i, 0)),
            pl.BlockSpec((RPT, 16), lambda i: (NS + i, 0)),
            pl.BlockSpec((NHEADS * NHID, NCLASS), lambda i: (0, 0)),
            pl.BlockSpec((NCLASS, 16), lambda i: (0, 0)),
            pl.BlockSpec((NCLASS, 16), lambda i: (0, 0)),
        ],
        out_specs=[
            pl.BlockSpec((RPT, W2ROW), lambda i: (i, 0)),
            pl.BlockSpec((RPT, 16), lambda i: (i, 0)),
        ],
        out_shape=[
            jax.ShapeDtypeStruct((N_ACC, W2ROW), jnp.float32),
            jax.ShapeDtypeStruct((N_ACC, 16), jnp.float32),
        ],
    )(accd, accd, accw, accw, Wout, AorM, AolM)



NW = NC * NS
EPT2 = E_EDGES // NW
NCH2 = EPT2 // CH


def _sc2_body(gtab, ltab2, srcs, dsts, zrows, out,
              sct, obuf,
              sbuf0, dbuf0, abuf0, bbuf0,
              sbuf1, dbuf1, abuf1, bbuf1,
              acc, semg0, semg1, semi0, semi1):
    cid = lax.axis_index("c")
    sid = lax.axis_index("s")
    wid = sid * NC + cid
    pltpu.sync_copy(zrows, acc.at[pl.ds(sid * RPT, RPT)])
    iota = lax.iota(jnp.int32, LANES)
    zeros16 = jnp.zeros((LANES,), jnp.int32)
    sbufs = (sbuf0, sbuf1)
    dbufs = (dbuf0, dbuf1)
    abufs = (abuf0, abuf1)
    bbufs = (bbuf0, bbuf1)
    semgs = (semg0, semg1)
    semis = (semi0, semi1)
    eb = wid * EPT2
    plsc.subcore_barrier()

    def issue_idx(k, b):
        sl = pl.ds(eb + k * CH, CH)
        pltpu.async_copy(srcs.at[sl], sbufs[b], semis[b])
        pltpu.async_copy(dsts.at[sl], dbufs[b], semis[b])

    def wait_idx(k, b):
        sl = pl.ds(eb + k * CH, CH)
        pltpu.make_async_copy(srcs.at[sl], sbufs[b], semis[b]).wait()
        pltpu.make_async_copy(dsts.at[sl], dbufs[b], semis[b]).wait()

    def issue_gather(b):
        pltpu.async_copy(gtab.at[dbufs[b]], abufs[b], semgs[b])
        pltpu.async_copy(ltab2.at[sbufs[b]], bbufs[b], semgs[b])

    def wait_gather(b):
        pltpu.make_async_copy(gtab.at[dbufs[b]], abufs[b], semgs[b]).wait()
        pltpu.make_async_copy(ltab2.at[sbufs[b]], bbufs[b], semgs[b]).wait()

    def compute(b):
        abuf, bbuf = abufs[b], bbufs[b]

        @plsc.parallel_loop(0, CH, 1, unroll=2)
        def _(c):
            lrow = bbuf[c, pl.ds(0, LANES)]
            rvec = abuf[c, pl.ds(NCLASS, LANES)]
            e = lrow + rvec
            w = jnp.exp(-jnp.maximum(e, ALPHA * e))
            s = w.at[zeros16].get(mode="promise_in_bounds")
            obuf[c, pl.ds(0, LANES)] = abuf[c, pl.ds(0, LANES)] * s
            obuf[c, pl.ds(NCLASS, LANES)] = jnp.where(
                iota < 1, w, jnp.zeros_like(w))

    def scatter(b):
        pltpu.sync_copy(obuf, acc.at[sct], add=True)

    issue_idx(0, 0)
    issue_idx(1, 1)
    wait_idx(0, 0)
    issue_gather(0)

    def pair_body(kk, carry):
        for b in range(2):
            k = 2 * kk + b
            bn = 1 - b

            @pl.when(k + 1 < NCH2)
            def _():
                wait_idx(k + 1, bn)
                issue_gather(bn)

            @pl.when(k < NCH2)
            def _():
                wait_gather(b)
                for g in range(GRP):
                    sl = pl.ds(g * LANES, LANES)
                    sct[sl] = sbufs[b][sl]

            @pl.when(k + 2 < NCH2)
            def _():
                issue_idx(k + 2, b)

            @pl.when(k < NCH2)
            def _():
                compute(b)
                scatter(b)
        return carry
    lax.fori_loop(0, (NCH2 + 1) // 2, pair_body, 0)
    plsc.subcore_barrier()
    pltpu.sync_copy(acc.at[pl.ds(sid * RPT, RPT)],
                    out.at[pl.ds(cid * N_ACC + sid * RPT, RPT)])


def _sc2(gtab, ltab2, srcs, dsts, zrows):
    mesh = plsc.VectorSubcoreMesh(core_axis_name="c", subcore_axis_name="s")
    fn = functools.partial(
        pl.kernel,
        compiler_params=pltpu.CompilerParams(use_tc_tiling_on_sc=False),
        out_type=jax.ShapeDtypeStruct((NC * N_ACC, W2ROW), jnp.float32),
        mesh=mesh,
        scratch_types=[
            pltpu.VMEM((CH,), jnp.int32),
            pltpu.VMEM((CH, W2ROW), jnp.float32),
            pltpu.VMEM((CH,), jnp.int32),
            pltpu.VMEM((CH,), jnp.int32),
            pltpu.VMEM((CH, W2ROW), jnp.float32),
            pltpu.VMEM((CH, 16), jnp.float32),
            pltpu.VMEM((CH,), jnp.int32),
            pltpu.VMEM((CH,), jnp.int32),
            pltpu.VMEM((CH, W2ROW), jnp.float32),
            pltpu.VMEM((CH, 16), jnp.float32),
            pltpu.VMEM_SHARED((N_ACC, W2ROW), jnp.float32),
            pltpu.SemaphoreType.DMA,
            pltpu.SemaphoreType.DMA,
            pltpu.SemaphoreType.DMA,
            pltpu.SemaphoreType.DMA,
        ],
    )(_sc2_body)
    return fn(gtab, ltab2, srcs, dsts, zrows)



def _tc3_body(top_ref, bot_ref, out_ref):
    s = top_ref[...] + bot_ref[...]
    hp = s[:, :NCLASS] / (s[:, NCLASS:NCLASS + 1] + 1e-16)
    o = jnp.where(hp > 0, hp, jnp.exp(hp) - 1.0)
    m = jnp.max(o, axis=1, keepdims=True)
    lse = jnp.log(jnp.sum(jnp.exp(o - m), axis=1, keepdims=True)) + m
    out_ref[...] = o - lse


def _tc3(acc2):
    return pl.pallas_call(
        _tc3_body,
        grid=(NS,),
        in_specs=[
            pl.BlockSpec((RPT, W2ROW), lambda i: (i, 0)),
            pl.BlockSpec((RPT, W2ROW), lambda i: (NS + i, 0)),
        ],
        out_specs=pl.BlockSpec((RPT, NCLASS), lambda i: (i, 0)),
        out_shape=jax.ShapeDtypeStruct((N_ACC, NCLASS), jnp.float32),
    )(acc2, acc2)



def kernel(x, adj, W0, a0, W1, a1, W2, a2, W3, a3, W_out, a_out):
    xp = jnp.pad(x, ((0, N_PAD - N_NODES), (0, 0)))
    src = adj[0]
    dst = adj[1]

    Wc = jnp.stack([jnp.concatenate([W0, W1], axis=1),
                    jnp.concatenate([W2, W3], axis=1)])
    als = [a[0, :NHID] for a in (a0, a1, a2, a3)]
    ars = [a[0, NHID:] for a in (a0, a1, a2, a3)]
    LRm = jnp.zeros((NC, HPW, 16), jnp.float32)
    for c in range(NC):
        LRm = LRm.at[c, :NHID, 0].set(als[2 * c])
        LRm = LRm.at[c, NHID:, 1].set(als[2 * c + 1])
        LRm = LRm.at[c, :NHID, 2].set(ars[2 * c])
        LRm = LRm.at[c, NHID:, 3].set(ars[2 * c + 1])
    AolM = jnp.zeros((NCLASS, 16), jnp.float32).at[:, 0].set(a_out[0, :NCLASS])
    AorM = jnp.zeros((NCLASS, 16), jnp.float32).at[:, 0].set(a_out[0, NCLASS:])

    zd = jnp.zeros((RPT, HPW), jnp.float32)
    zw = jnp.zeros((RPT, 16), jnp.float32)
    zr2 = jnp.zeros((RPT, W2ROW), jnp.float32)

    htab, lrtab = _tc1(xp, Wc, LRm)
    accd, accw = _sc1(htab, lrtab, src, dst, zd, zw)
    gtab, ltab2 = _tc2(accd, accw, W_out, AorM, AolM)
    acc2 = _sc2(gtab, ltab2, src, dst, zr2)
    outp = _tc3(acc2)
    return outp[:N_NODES]

# --- scband reference (transcript-rebuilt; emitter-appended) ---
"""Pipeline reference for scband-sp-gat-609885356263 (READ-ONLY COPY).

The authoritative reference and input builder live on the scoring server;
editing this copy changes nothing except your own understanding.
"""

import jax, jax.numpy as jnp
import numpy as np

N = 10000
E = 320000
NFEAT = 128
NHID = 64
NCLASS = 16
NHEADS = 4
ALPHA = 0.2


def setup_inputs(seed: int = 0) -> dict:
    key = jax.random.key(seed)
    ks = jax.random.split(key, 4 + 2 * NHEADS)
    inp = {}
    inp["x"] = jax.random.normal(ks[0], (N, NFEAT), dtype=jnp.float32)
    inp["adj"] = jax.random.randint(ks[1], (2, E), 0, N, dtype=jnp.int32)
    for i in range(NHEADS):
        inp[f"W{i}"] = jax.random.normal(ks[2 + 2 * i], (NFEAT, NHID), dtype=jnp.float32) * (1.0 / np.sqrt(NFEAT))
        inp[f"a{i}"] = jax.random.normal(ks[3 + 2 * i], (1, 2 * NHID), dtype=jnp.float32) * 0.1
    inp["W_out"] = jax.random.normal(ks[2 + 2 * NHEADS], (NHID * NHEADS, NCLASS), dtype=jnp.float32) * (1.0 / np.sqrt(NHID * NHEADS))
    inp["a_out"] = jax.random.normal(ks[3 + 2 * NHEADS], (1, 2 * NCLASS), dtype=jnp.float32) * 0.1
    return inp


def sp_attention(x, edge, W, a, concat):
    # Faithful SpGraphAttentionLayer (pyGAT sparse version), eval mode (dropout = identity).
    Nn = x.shape[0]
    h = x @ W                                   # [N, out]
    src = edge[0]
    dst = edge[1]
    edge_h = jnp.concatenate([h[src], h[dst]], axis=1)          # [E, 2*out]
    e = jnp.squeeze(edge_h @ a.T, axis=-1)                      # [E]  (== a.mm(edge_h.T))
    edge_e = jnp.exp(-jax.nn.leaky_relu(e, negative_slope=ALPHA))
    # SpecialSpmm(edge, edge_e, [N,N]) @ ones(N,1): row-sums of attention values
    e_rowsum = jax.ops.segment_sum(edge_e, src, num_segments=Nn)  # [N]
    # SpecialSpmm(edge, edge_e, [N,N]) @ h
    h_prime = jax.ops.segment_sum(edge_e[:, None] * h[dst], src, num_segments=Nn)  # [N, out]
    h_prime = h_prime / (e_rowsum[:, None] + 1e-16)
    if concat:
        return jax.nn.elu(h_prime)
    return h_prime


def reference(x, adj, W0, a0, W1, a1, W2, a2, W3, a3, W_out, a_out):
    # eval mode: F.dropout is identity
    heads = [sp_attention(x, adj, W, a, True) for (W, a) in ((W0, a0), (W1, a1), (W2, a2), (W3, a3))]
    h = jnp.concatenate(heads, axis=1)           # [N, nhid*nheads]
    out = jax.nn.elu(sp_attention(h, adj, W_out, a_out, False))
    return jax.nn.log_softmax(out, axis=1)

if __name__ == "__main__":
    import jax
    _d = setup_inputs()
    print(jax.jit(kernel)(*tuple(_d.values())))

</pallas_src>

<mosaic_0001>
#map = affine_map<(d0, d1) -> (0, 0)>
#map1 = affine_map<(d0, d1) -> (0)>
module attributes {stable_mosaic.version = 14 : i64} {
  func.func @_sc2_body(%arg0: i32, %arg1: i32, %arg2: memref<10112x32xf32, #tpu.memory_space<hbm>>, %arg3: memref<10112x16xf32, #tpu.memory_space<hbm>>, %arg4: memref<320000xi32, #tpu.memory_space<hbm>>, %arg5: memref<320000xi32, #tpu.memory_space<hbm>>, %arg6: memref<632x32xf32, #tpu.memory_space<hbm>>, %arg7: memref<20224x32xf32, #tpu.memory_space<hbm>>, %arg8: memref<80xi32, #tpu.memory_space<vmem>>, %arg9: memref<80x32xf32, #tpu.memory_space<vmem>>, %arg10: memref<80xi32, #tpu.memory_space<vmem>>, %arg11: memref<80xi32, #tpu.memory_space<vmem>>, %arg12: memref<80x32xf32, #tpu.memory_space<vmem>>, %arg13: memref<80x16xf32, #tpu.memory_space<vmem>>, %arg14: memref<80xi32, #tpu.memory_space<vmem>>, %arg15: memref<80xi32, #tpu.memory_space<vmem>>, %arg16: memref<80x32xf32, #tpu.memory_space<vmem>>, %arg17: memref<80x16xf32, #tpu.memory_space<vmem>>, %arg18: memref<10112x32xf32, #tpu.memory_space<vmem_shared>>, %arg19: memref<!tpu.dma_semaphore, #tpu.memory_space<semaphore_mem>>, %arg20: memref<!tpu.dma_semaphore, #tpu.memory_space<semaphore_mem>>, %arg21: memref<!tpu.dma_semaphore, #tpu.memory_space<semaphore_mem>>, %arg22: memref<!tpu.dma_semaphore, #tpu.memory_space<semaphore_mem>>) attributes {dimension_semantics = [#tpu.dimension_semantics<core_parallel>, #tpu.dimension_semantics<subcore_parallel>], iteration_bounds = array<i64: 2, 16>, scalar_prefetch = 0 : i64, scratch_operands = 15 : i64, tpu.core_type = #tpu.core_type<sc_vector_subcore>, window_params = [{transform_indices = #map}, {transform_indices = #map}, {transform_indices = #map1}, {transform_indices = #map1}, {transform_indices = #map}, {transform_indices = #map}]} {
    %mul3A = arith.constant 2 : i32
    %mul3A_0 = arith.muli %arg1, %mul3A : i32
    %add3A = arith.addi %mul3A_0, %arg0 : i32
    %mul3A_1 = arith.constant 632 : i32
    %mul3A_2 = arith.muli %arg1, %mul3A_1 : i32
    "tpu.region"() ({
      %run_scoped3A = tpu.sem_alloc : memref<!tpu.dma_semaphore, #tpu.memory_space<semaphore_mem>>
      %dma_start3A_41 = arith.constant 0 : i32
      %dma_start3A_42 = tpu.memref_slice %arg18[%mul3A_2, %dma_start3A_41] : memref<10112x32xf32, #tpu.memory_space<vmem_shared>> -> memref<632x32xf32, #tpu.memory_space<vmem_shared>>
      tpu.enqueue_dma source(%arg6 : memref<632x32xf32, #tpu.memory_space<hbm>>) target(%dma_start3A_42 : memref<632x32xf32, #tpu.memory_space<vmem_shared>>) target_semaphore(%run_scoped3A : memref<!tpu.dma_semaphore, #tpu.memory_space<semaphore_mem>>)
      %dma_wait3A_43 = arith.constant 0 : i32
      %dma_wait3A_44 = tpu.memref_slice %arg18[%mul3A_2, %dma_wait3A_43] : memref<10112x32xf32, #tpu.memory_space<vmem_shared>> -> memref<632x32xf32, #tpu.memory_space<vmem_shared>>
      tpu.wait_dma2 semaphore(%run_scoped3A : memref<!tpu.dma_semaphore, #tpu.memory_space<semaphore_mem>>) src(%arg6 : memref<632x32xf32, #tpu.memory_space<hbm>>) dst(%dma_wait3A_44 : memref<632x32xf32, #tpu.memory_space<vmem_shared>>)
      tpu.yield
    }) : () -> ()
    %iota3A = tpu.iota {dimensions = array<i32: 0>} : vector<16xi32>
    %broadcast_in_dim3A = arith.constant 0 : i32
    %broadcast_in_dim3A_3 = vector.broadcast %broadcast_in_dim3A : i32 to vector<16xi32>
    %mul3A_4 = arith.constant 10000 : i32
    %mul3A_5 = arith.muli %add3A, %mul3A_4 : i32
    %barrier3A = arith.constant 0 : index
    tpu.barrier barrier_id(%barrier3A)
    %add3A_6 = arith.constant 0 : i32
    %add3A_7 = arith.addi %mul3A_5, %add3A_6 : i32
    %dma_start3A = tpu.memref_slice %arg4[%add3A_7] : memref<320000xi32, #tpu.memory_space<hbm>> -> memref<80xi32, #tpu.memory_space<hbm>>
    %dma_start3A_8 = tpu.memref_slice %arg4[%add3A_7] : memref<320000xi32, #tpu.memory_space<hbm>> -> memref<80xi32, #tpu.memory_space<hbm>>
    tpu.enqueue_dma source(%dma_start3A_8 : memref<80xi32, #tpu.memory_space<hbm>>) target(%arg10 : memref<80xi32, #tpu.memory_space<vmem>>) target_semaphore(%arg21 : memref<!tpu.dma_semaphore, #tpu.memory_space<semaphore_mem>>)
    %dma_start3A_9 = tpu.memref_slice %arg5[%add3A_7] : memref<320000xi32, #tpu.memory_space<hbm>> -> memref<80xi32, #tpu.memory_space<hbm>>
    %dma_start3A_10 = tpu.memref_slice %arg5[%add3A_7] : memref<320000xi32, #tpu.memory_space<hbm>> -> memref<80xi32, #tpu.memory_space<hbm>>
    tpu.enqueue_dma source(%dma_start3A_10 : memref<80xi32, #tpu.memory_space<hbm>>) target(%arg11 : memref<80xi32, #tpu.memory_space<vmem>>) target_semaphore(%arg21 : memref<!tpu.dma_semaphore, #tpu.memory_space<semaphore_mem>>)
    %add3A_11 = arith.constant 80 : i32
    %add3A_12 = arith.addi %mul3A_5, %add3A_11 : i32
    %dma_start3A_13 = tpu.memref_slice %arg4[%add3A_12] : memref<320000xi32, #tpu.memory_space<hbm>> -> memref<80xi32, #tpu.memory_space<hbm>>
    %dma_start3A_14 = tpu.memref_slice %arg4[%add3A_12] : memref<320000xi32, #tpu.memory_space<hbm>> -> memref<80xi32, #tpu.memory_space<hbm>>
    tpu.enqueue_dma source(%dma_start3A_14 : memref<80xi32, #tpu.memory_space<hbm>>) target(%arg14 : memref<80xi32, #tpu.memory_space<vmem>>) target_semaphore(%arg22 : memref<!tpu.dma_semaphore, #tpu.memory_space<semaphore_mem>>)
    %dma_start3A_15 = tpu.memref_slice %arg5[%add3A_12] : memref<320000xi32, #tpu.memory_space<hbm>> -> memref<80xi32, #tpu.memory_space<hbm>>
    %dma_start3A_16 = tpu.memref_slice %arg5[%add3A_12] : memref<320000xi32, #tpu.memory_space<hbm>> -> memref<80xi32, #tpu.memory_space<hbm>>
    tpu.enqueue_dma source(%dma_start3A_16 : memref<80xi32, #tpu.memory_space<hbm>>) target(%arg15 : memref<80xi32, #tpu.memory_space<vmem>>) target_semaphore(%arg22 : memref<!tpu.dma_semaphore, #tpu.memory_space<semaphore_mem>>)
    %add3A_17 = arith.constant 0 : i32
    %add3A_18 = arith.addi %mul3A_5, %add3A_17 : i32
    %dma_wait3A = tpu.memref_slice %arg4[%add3A_18] : memref<320000xi32, #tpu.memory_space<hbm>> -> memref<80xi32, #tpu.memory_space<hbm>>
    %dma_wait3A_19 = tpu.memref_slice %arg4[%add3A_18] : memref<320000xi32, #tpu.memory_space<hbm>> -> memref<80xi32, #tpu.memory_space<hbm>>
    tpu.wait_dma2 semaphore(%arg21 : memref<!tpu.dma_semaphore, #tpu.memory_space<semaphore_mem>>) src(%dma_wait3A_19 : memref<80xi32, #tpu.memory_space<hbm>>) dst(%arg10 : memref<80xi32, #tpu.memory_space<vmem>>)
    %dma_wait3A_20 = tpu.memref_slice %arg5[%add3A_18] : memref<320000xi32, #tpu.memory_space<hbm>> -> memref<80xi32, #tpu.memory_space<hbm>>
    %dma_wait3A_21 = tpu.memref_slice %arg5[%add3A_18] : memref<320000xi32, #tpu.memory_space<hbm>> -> memref<80xi32, #tpu.memory_space<hbm>>
    tpu.wait_dma2 semaphore(%arg21 : memref<!tpu.dma_semaphore, #tpu.memory_space<semaphore_mem>>) src(%dma_wait3A_21 : memref<80xi32, #tpu.memory_space<hbm>>) dst(%arg11 : memref<80xi32, #tpu.memory_space<vmem>>)
    %dma_start3A_22 = arith.constant 0 : i32
    %dma_start3A_23 = arith.constant 0 : i32
    %dma_start3A_24 = tpu.memref_slice %arg2[%dma_start3A_22, %dma_start3A_23] : memref<10112x32xf32, #tpu.memory_space<hbm>> -> memref<10112x32xf32, #tpu.memory_space<hbm>>
    tpu.enqueue_indirect_dma source(%dma_start3A_24 : memref<10112x32xf32, #tpu.memory_space<hbm>>) target(%arg12 : memref<80x32xf32, #tpu.memory_space<vmem>>) offsets(%arg11 : memref<80xi32, #tpu.memory_space<vmem>>) semaphore(%arg19 : memref<!tpu.dma_semaphore, #tpu.memory_space<semaphore_mem>>)
    %dma_start3A_25 = arith.constant 0 : i32
    %dma_start3A_26 = arith.constant 0 : i32
    %dma_start3A_27 = tpu.memref_slice %arg3[%dma_start3A_25, %dma_start3A_26] : memref<10112x16xf32, #tpu.memory_space<hbm>> -> memref<10112x16xf32, #tpu.memory_space<hbm>>
    tpu.enqueue_indirect_dma source(%dma_start3A_27 : memref<10112x16xf32, #tpu.memory_space<hbm>>) target(%arg13 : memref<80x16xf32, #tpu.memory_space<vmem>>) offsets(%arg10 : memref<80xi32, #tpu.memory_space<vmem>>) semaphore(%arg19 : memref<!tpu.dma_semaphore, #tpu.memory_space<semaphore_mem>>)
    %scan3A = arith.constant 0 : i32
    %scan3A_28 = arith.constant 0 : i32
    %scan3A_29 = arith.constant 63 : i32
    %scan3A_30 = arith.addi %scan3A_28, %scan3A_29 : i32
    %scan3A_31 = arith.constant 1 : i32
    scf.for %scan3A_41 = %scan3A_28 to %scan3A_30 step %scan3A_31  : i32 {
      %mul3A_42 = arith.constant 2 : i32
      %mul3A_43 = arith.muli %mul3A_42, %scan3A_41 : i32
      %add3A_44 = arith.constant 0 : i32
      %add3A_45 = arith.addi %mul3A_43, %add3A_44 : i32
      %add3A_46 = arith.constant 1 : i32
      %add3A_47 = arith.addi %add3A_45, %add3A_46 : i32
      %lt3A = arith.constant 125 : i32
      %lt3A_48 = arith.cmpi slt, %add3A_47, %lt3A : i32
      %convert_element_type3A = arith.extui %lt3A_48 : i1 to i32
      %cond3A = arith.constant 0 : i32
      %cond3A_49 = arith.cmpi ne, %convert_element_type3A, %cond3A : i32
      scf.if %cond3A_49 {
        %add3A_95 = arith.constant 1 : i32
        %add3A_96 = arith.addi %add3A_45, %add3A_95 : i32
        %mul3A_97 = arith.constant 80 : i32
        %mul3A_98 = arith.muli %add3A_96, %mul3A_97 : i32
        %add3A_99 = arith.addi %mul3A_5, %mul3A_98 : i32
        %dma_wait3A_100 = tpu.memref_slice %arg4[%add3A_99] : memref<320000xi32, #tpu.memory_space<hbm>> -> memref<80xi32, #tpu.memory_space<hbm>>
        %dma_wait3A_101 = tpu.memref_slice %arg4[%add3A_99] : memref<320000xi32, #tpu.memory_space<hbm>> -> memref<80xi32, #tpu.memory_space<hbm>>
        tpu.wait_dma2 semaphore(%arg22 : memref<!tpu.dma_semaphore, #tpu.memory_space<semaphore_mem>>) src(%dma_wait3A_101 : memref<80xi32, #tpu.memory_space<hbm>>) dst(%arg14 : memref<80xi32, #tpu.memory_space<vmem>>)
        %dma_wait3A_102 = tpu.memref_slice %arg5[%add3A_99] : memref<320000xi32, #tpu.memory_space<hbm>> -> memref<80xi32, #tpu.memory_space<hbm>>
        %dma_wait3A_103 = tpu.memref_slice %arg5[%add3A_99] : memref<320000xi32, #tpu.memory_space<hbm>> -> memref<80xi32, #tpu.memory_space<hbm>>
        tpu.wait_dma2 semaphore(%arg22 : memref<!tpu.dma_semaphore, #tpu.memory_space<semaphore_mem>>) src(%dma_wait3A_103 : memref<80xi32, #tpu.memory_space<hbm>>) dst(%arg15 : memref<80xi32, #tpu.memory_space<vmem>>)
        %dma_start3A_104 = arith.constant 0 : i32
        %dma_start3A_105 = arith.constant 0 : i32
        %dma_start3A_106 = tpu.memref_slice %arg2[%dma_start3A_104, %dma_start3A_105] : memref<10112x32xf32, #tpu.memory_space<hbm>> -> memref<10112x32xf32, #tpu.memory_space<hbm>>
        tpu.enqueue_indirect_dma source(%dma_start3A_106 : memref<10112x32xf32, #tpu.memory_space<hbm>>) target(%arg16 : memref<80x32xf32, #tpu.memory_space<vmem>>) offsets(%arg15 : memref<80xi32, #tpu.memory_space<vmem>>) semaphore(%arg20 : memref<!tpu.dma_semaphore, #tpu.memory_space<semaphore_mem>>)
        %dma_start3A_107 = arith.constant 0 : i32
        %dma_start3A_108 = arith.constant 0 : i32
        %dma_start3A_109 = tpu.memref_slice %arg3[%dma_start3A_107, %dma_start3A_108] : memref<10112x16xf32, #tpu.memory_space<hbm>> -> memref<10112x16xf32, #tpu.memory_space<hbm>>
        tpu.enqueue_indirect_dma source(%dma_start3A_109 : memref<10112x16xf32, #tpu.memory_space<hbm>>) target(%arg17 : memref<80x16xf32, #tpu.memory_space<vmem>>) offsets(%arg14 : memref<80xi32, #tpu.memory_space<vmem>>) semaphore(%arg20 : memref<!tpu.dma_semaphore, #tpu.memory_space<semaphore_mem>>)
      } else {
      }
      %lt3A_50 = arith.constant 125 : i32
      %lt3A_51 = arith.cmpi slt, %add3A_45, %lt3A_50 : i32
      %convert_element_type3A_52 = arith.extui %lt3A_51 : i1 to i32
      %cond3A_53 = arith.constant 0 : i32
      %cond3A_54 = arith.cmpi ne, %convert_element_type3A_52, %cond3A_53 : i32
      scf.if %cond3A_54 {
        %dma_wait3A_95 = arith.constant 0 : i32
        %dma_wait3A_96 = arith.constant 0 : i32
        %dma_wait3A_97 = tpu.memref_slice %arg2[%dma_wait3A_95, %dma_wait3A_96] : memref<10112x32xf32, #tpu.memory_space<hbm>> -> memref<10112x32xf32, #tpu.memory_space<hbm>>
        tpu.wait_indirect_dma semaphore(%arg19 : memref<!tpu.dma_semaphore, #tpu.memory_space<semaphore_mem>>) src(%dma_wait3A_97 : memref<10112x32xf32, #tpu.memory_space<hbm>>) dst(%arg12 : memref<80x32xf32, #tpu.memory_space<vmem>>)
        %dma_wait3A_98 = arith.constant 0 : i32
        %dma_wait3A_99 = arith.constant 0 : i32
        %dma_wait3A_100 = tpu.memref_slice %arg3[%dma_wait3A_98, %dma_wait3A_99] : memref<10112x16xf32, #tpu.memory_space<hbm>> -> memref<10112x16xf32, #tpu.memory_space<hbm>>
        tpu.wait_indirect_dma semaphore(%arg19 : memref<!tpu.dma_semaphore, #tpu.memory_space<semaphore_mem>>) src(%dma_wait3A_100 : memref<10112x16xf32, #tpu.memory_space<hbm>>) dst(%arg13 : memref<80x16xf32, #tpu.memory_space<vmem>>)
        %get3A = arith.constant 0 : index
        %get3A_101 = tpu.vector_load %arg10[%get3A] {strides = array<i32>} : memref<80xi32, #tpu.memory_space<vmem>>, vector<16xi32>,
        %get3A_102 = vector.shape_cast %get3A_101 : vector<16xi32> to vector<16xi32>
        %swap3A = arith.constant 0 : index
        %swap3A_103 = tpu.vector_load %arg8[%swap3A] {strides = array<i32>} : memref<80xi32, #tpu.memory_space<vmem>>, vector<16xi32>,
        %swap3A_104 = vector.shape_cast %swap3A_103 : vector<16xi32> to vector<16xi32>
        %swap3A_105 = vector.shape_cast %get3A_102 : vector<16xi32> to vector<16xi32>
        tpu.vector_store %arg8[%swap3A], %swap3A_105 {strides = array<i32>} : memref<80xi32, #tpu.memory_space<vmem>>, vector<16xi32>,
        %get3A_106 = arith.constant 16 : index
        %get3A_107 = tpu.vector_load %arg10[%get3A_106] {strides = array<i32>} : memref<80xi32, #tpu.memory_space<vmem>>, vector<16xi32>,
        %get3A_108 = vector.shape_cast %get3A_107 : vector<16xi32> to vector<16xi32>
        %swap3A_109 = arith.constant 16 : index
        %swap3A_110 = tpu.vector_load %arg8[%swap3A_109] {strides = array<i32>} : memref<80xi32, #tpu.memory_space<vmem>>, vector<16xi32>,
        %swap3A_111 = vector.shape_cast %swap3A_110 : vector<16xi32> to vector<16xi32>
        %swap3A_112 = vector.shape_cast %get3A_108 : vector<16xi32> to vector<16xi32>
        tpu.vector_store %arg8[%swap3A_109], %swap3A_112 {strides = array<i32>} : memref<80xi32, #tpu.memory_space<vmem>>, vector<16xi32>,
        %get3A_113 = arith.constant 32 : index
        %get3A_114 = tpu.vector_load %arg10[%get3A_113] {strides = array<i32>} : memref<80xi32, #tpu.memory_space<vmem>>, vector<16xi32>,
        %get3A_115 = vector.shape_cast %get3A_114 : vector<16xi32> to vector<16xi32>
        %swap3A_116 = arith.constant 32 : index
        %swap3A_117 = tpu.vector_load %arg8[%swap3A_116] {strides = array<i32>} : memref<80xi32, #tpu.memory_space<vmem>>, vector<16xi32>,
        %swap3A_118 = vector.shape_cast %swap3A_117 : vector<16xi32> to vector<16xi32>
        %swap3A_119 = vector.shape_cast %get3A_115 : vector<16xi32> to vector<16xi32>
        tpu.vector_store %arg8[%swap3A_116], %swap3A_119 {strides = array<i32>} : memref<80xi32, #tpu.memory_space<vmem>>, vector<16xi32>,
        %get3A_120 = arith.constant 48 : index
        %get3A_121 = tpu.vector_load %arg10[%get3A_120] {strides = array<i32>} : memref<80xi32, #tpu.memory_space<vmem>>, vector<16xi32>,
        %get3A_122 = vector.shape_cast %get3A_121 : vector<16xi32> to vector<16xi32>
        %swap3A_123 = arith.constant 48 : index
        %swap3A_124 = tpu.vector_load %arg8[%swap3A_123] {strides = array<i32>} : memref<80xi32, #tpu.memory_space<vmem>>, vector<16xi32>,
        %swap3A_125 = vector.shape_cast %swap3A_124 : vector<16xi32> to vector<16xi32>
        %swap3A_126 = vector.shape_cast %get3A_122 : vector<16xi32> to vector<16xi32>
        tpu.vector_store %arg8[%swap3A_123], %swap3A_126 {strides = array<i32>} : memref<80xi32, #tpu.memory_space<vmem>>, vector<16xi32>,
        %get3A_127 = arith.constant 64 : index
        %get3A_128 = tpu.vector_load %arg10[%get3A_127] {strides = array<i32>} : memref<80xi32, #tpu.memory_space<vmem>>, vector<16xi32>,
        %get3A_129 = vector.shape_cast %get3A_128 : vector<16xi32> to vector<16xi32>
        %swap3A_130 = arith.constant 64 : index
        %swap3A_131 = tpu.vector_load %arg8[%swap3A_130] {strides = array<i32>} : memref<80xi32, #tpu.memory_space<vmem>>, vector<16xi32>,
        %swap3A_132 = vector.shape_cast %swap3A_131 : vector<16xi32> to vector<16xi32>
        %swap3A_133 = vector.shape_cast %get3A_129 : vector<16xi32> to vector<16xi32>
        tpu.vector_store %arg8[%swap3A_130], %swap3A_133 {strides = array<i32>} : memref<80xi32, #tpu.memory_space<vmem>>, vector<16xi32>,
      } else {
      }
      %add3A_55 = arith.constant 2 : i32
      %add3A_56 = arith.addi %add3A_45, %add3A_55 : i32
      %lt3A_57 = arith.constant 125 : i32
      %lt3A_58 = arith.cmpi slt, %add3A_56, %lt3A_57 : i32
      %convert_element_type3A_59 = arith.extui %lt3A_58 : i1 to i32
      %cond3A_60 = arith.constant 0 : i32
      %cond3A_61 = arith.cmpi ne, %convert_element_type3A_59, %cond3A_60 : i32
      scf.if %cond3A_61 {
        %add3A_95 = arith.constant 2 : i32
        %add3A_96 = arith.addi %add3A_45, %add3A_95 : i32
        %mul3A_97 = arith.constant 80 : i32
        %mul3A_98 = arith.muli %add3A_96, %mul3A_97 : i32
        %add3A_99 = arith.addi %mul3A_5, %mul3A_98 : i32
        %dma_start3A_100 = tpu.memref_slice %arg4[%add3A_99] : memref<320000xi32, #tpu.memory_space<hbm>> -> memref<80xi32, #tpu.memory_space<hbm>>
        %dma_start3A_101 = tpu.memref_slice %arg4[%add3A_99] : memref<320000xi32, #tpu.memory_space<hbm>> -> memref<80xi32, #tpu.memory_space<hbm>>
        tpu.enqueue_dma source(%dma_start3A_101 : memref<80xi32, #tpu.memory_space<hbm>>) target(%arg10 : memref<80xi32, #tpu.memory_space<vmem>>) target_semaphore(%arg21 : memref<!tpu.dma_semaphore, #tpu.memory_space<semaphore_mem>>)
        %dma_start3A_102 = tpu.memref_slice %arg5[%add3A_99] : memref<320000xi32, #tpu.memory_space<hbm>> -> memref<80xi32, #tpu.memory_space<hbm>>
        %dma_start3A_103 = tpu.memref_slice %arg5[%add3A_99] : memref<320000xi32, #tpu.memory_space<hbm>> -> memref<80xi32, #tpu.memory_space<hbm>>
        tpu.enqueue_dma source(%dma_start3A_103 : memref<80xi32, #tpu.memory_space<hbm>>) target(%arg11 : memref<80xi32, #tpu.memory_space<vmem>>) target_semaphore(%arg21 : memref<!tpu.dma_semaphore, #tpu.memory_space<semaphore_mem>>)
      } else {
      }
      %lt3A_62 = arith.constant 125 : i32
      %lt3A_63 = arith.cmpi slt, %add3A_45, %lt3A_62 : i32
      %convert_element_type3A_64 = arith.extui %lt3A_63 : i1 to i32
      %cond3A_65 = arith.constant 0 : i32
      %cond3A_66 = arith.cmpi ne, %convert_element_type3A_64, %cond3A_65 : i32
      scf.if %cond3A_66 {
        %parallel_loop3A = arith.constant 0 : i32
        %parallel_loop3A_95 = arith.constant 80 : i32
        %parallel_loop3A_96 = arith.constant 1 : i32
        scf.for %parallel_loop3A_97 = %parallel_loop3A to %parallel_loop3A_95 step %parallel_loop3A_96  : i32 {
          %parallel_loop3A_98 = arith.index_cast %parallel_loop3A_97 : i32 to index
          %parallel_loop3A_99 = arith.constant 0 : index
          %parallel_loop3A_100 = tpu.vector_load %arg13[%parallel_loop3A_98, %parallel_loop3A_99] {strides = array<i32>} : memref<80x16xf32, #tpu.memory_space<vmem>>, vector<1x16xf32>,
          %parallel_loop3A_101 = vector.shape_cast %parallel_loop3A_100 : vector<1x16xf32> to vector<16xf32>
          %parallel_loop3A_102 = arith.index_cast %parallel_loop3A_97 : i32 to index
          %parallel_loop3A_103 = arith.constant 16 : index
          %parallel_loop3A_104 = tpu.vector_load %arg12[%parallel_loop3A_102, %parallel_loop3A_103] {strides = array<i32>} : memref<80x32xf32, #tpu.memory_space<vmem>>, vector<1x16xf32>,
          %parallel_loop3A_105 = vector.shape_cast %parallel_loop3A_104 : vector<1x16xf32> to vector<16xf32>
          %parallel_loop3A_106 = arith.addf %parallel_loop3A_101, %parallel_loop3A_105 : vector<16xf32>
          %parallel_loop3A_107 = arith.constant 2.000000e-01 : f32
          %parallel_loop3A_108 = vector.broadcast %parallel_loop3A_107 : f32 to vector<16xf32>
          %parallel_loop3A_109 = arith.mulf %parallel_loop3A_108, %parallel_loop3A_106 : vector<16xf32>
          %parallel_loop3A_110 = arith.maximumf %parallel_loop3A_106, %parallel_loop3A_109 : vector<16xf32>
          %parallel_loop3A_111 = arith.constant 0.000000e+00 : f32
          %parallel_loop3A_112 = vector.broadcast %parallel_loop3A_111 : f32 to vector<16xf32>
          %parallel_loop3A_113 = arith.subf %parallel_loop3A_112, %parallel_loop3A_110 : vector<16xf32>
          %parallel_loop3A_114 = math.exp %parallel_loop3A_113 : vector<16xf32>
          %parallel_loop3A_115 = arith.constant 0 : i32
          %parallel_loop3A_116 = vector.broadcast %parallel_loop3A_115 : i32 to vector<16xi32>
          %parallel_loop3A_117 = arith.cmpi slt, %broadcast_in_dim3A_3, %parallel_loop3A_116 : vector<16xi32>
          %parallel_loop3A_118 = arith.constant 16 : i32
          %parallel_loop3A_119 = vector.broadcast %parallel_loop3A_118 : i32 to vector<16xi32>
          %parallel_loop3A_120 = arith.addi %broadcast_in_dim3A_3, %parallel_loop3A_119 : vector<16xi32>
          %parallel_loop3A_121 = arith.select %parallel_loop3A_117, %parallel_loop3A_120, %broadcast_in_dim3A_3 : vector<16xi1>, vector<16xi32>
          %parallel_loop3A_122 = vector.shape_cast %parallel_loop3A_121 : vector<16xi32> to vector<16x1xi32>
          %parallel_loop3A_123 = vector.shape_cast %parallel_loop3A_122 : vector<16x1xi32> to vector<16xi32>
          %parallel_loop3A_124 = tpu.dynamic_gather %parallel_loop3A_114[%parallel_loop3A_123] in [0] : vector<16xf32>, vector<16xi32> -> vector<16xf32>
          %parallel_loop3A_125 = arith.index_cast %parallel_loop3A_97 : i32 to index
          %parallel_loop3A_126 = arith.constant 0 : index
          %parallel_loop3A_127 = tpu.vector_load %arg12[%parallel_loop3A_125, %parallel_loop3A_126] {strides = array<i32>} : memref<80x32xf32, #tpu.memory_space<vmem>>, vector<1x16xf32>,
          %parallel_loop3A_128 = vector.shape_cast %parallel_loop3A_127 : vector<1x16xf32> to vector<16xf32>
          %parallel_loop3A_129 = arith.mulf %parallel_loop3A_128, %parallel_loop3A_124 : vector<16xf32>
          %parallel_loop3A_130 = arith.index_cast %parallel_loop3A_97 : i32 to index
          %parallel_loop3A_131 = arith.constant 0 : index
          %parallel_loop3A_132 = tpu.vector_load %arg9[%parallel_loop3A_130, %parallel_loop3A_131] {strides = array<i32>} : memref<80x32xf32, #tpu.memory_space<vmem>>, vector<1x16xf32>,
          %parallel_loop3A_133 = vector.shape_cast %parallel_loop3A_132 : vector<1x16xf32> to vector<16xf32>
          %parallel_loop3A_134 = vector.shape_cast %parallel_loop3A_129 : vector<16xf32> to vector<1x16xf32>
          tpu.vector_store %arg9[%parallel_loop3A_130, %parallel_loop3A_131], %parallel_loop3A_134 {strides = array<i32>} : memref<80x32xf32, #tpu.memory_space<vmem>>, vector<1x16xf32>,
          %parallel_loop3A_135 = arith.constant 1 : i32
          %parallel_loop3A_136 = vector.broadcast %parallel_loop3A_135 : i32 to vector<16xi32>
          %parallel_loop3A_137 = arith.cmpi slt, %iota3A, %parallel_loop3A_136 : vector<16xi32>
          %parallel_loop3A_138 = arith.constant 0.000000e+00 : f32
          %parallel_loop3A_139 = vector.broadcast %parallel_loop3A_138 : f32 to vector<16xf32>
          %parallel_loop3A_140 = arith.select %parallel_loop3A_137, %parallel_loop3A_114, %parallel_loop3A_139 : vector<16xi1>, vector<16xf32>
          %parallel_loop3A_141 = arith.index_cast %parallel_loop3A_97 : i32 to index
          %parallel_loop3A_142 = arith.constant 16 : index
          %parallel_loop3A_143 = tpu.vector_load %arg9[%parallel_loop3A_141, %parallel_loop3A_142] {strides = array<i32>} : memref<80x32xf32, #tpu.memory_space<vmem>>, vector<1x16xf32>,
          %parallel_loop3A_144 = vector.shape_cast %parallel_loop3A_143 : vector<1x16xf32> to vector<16xf32>
          %parallel_loop3A_145 = vector.shape_cast %parallel_loop3A_140 : vector<16xf32> to vector<1x16xf32>
          tpu.vector_store %arg9[%parallel_loop3A_141, %parallel_loop3A_142], %parallel_loop3A_145 {strides = array<i32>} : memref<80x32xf32, #tpu.memory_space<vmem>>, vector<1x16xf32>,
        } {sc.loop_unroll_factor = 2 : i64, sc.parallel_access}
        "tpu.region"() ({
          %run_scoped3A = tpu.sem_alloc : memref<!tpu.dma_semaphore, #tpu.memory_space<semaphore_mem>>
          %dma_start3A_97 = arith.constant 0 : i32
          %dma_start3A_98 = arith.constant 0 : i32
          %dma_start3A_99 = tpu.memref_slice %arg18[%dma_start3A_97, %dma_start3A_98] : memref<10112x32xf32, #tpu.memory_space<vmem_shared>> -> memref<10112x32xf32, #tpu.memory_space<vmem_shared>>
          tpu.enqueue_indirect_dma source(%arg9 : memref<80x32xf32, #tpu.memory_space<vmem>>) target(%dma_start3A_99 : memref<10112x32xf32, #tpu.memory_space<vmem_shared>>) offsets(%arg8 : memref<80xi32, #tpu.memory_space<vmem>>) semaphore(%run_scoped3A : memref<!tpu.dma_semaphore, #tpu.memory_space<semaphore_mem>>) {add = true}
          %dma_wait3A_100 = arith.constant 0 : i32
          %dma_wait3A_101 = arith.constant 0 : i32
          %dma_wait3A_102 = tpu.memref_slice %arg18[%dma_wait3A_100, %dma_wait3A_101] : memref<10112x32xf32, #tpu.memory_space<vmem_shared>> -> memref<10112x32xf32, #tpu.memory_space<vmem_shared>>
          tpu.wait_indirect_dma semaphore(%run_scoped3A : memref<!tpu.dma_semaphore, #tpu.memory_space<semaphore_mem>>) src(%arg9 : memref<80x32xf32, #tpu.memory_space<vmem>>) dst(%dma_wait3A_102 : memref<10112x32xf32, #tpu.memory_space<vmem_shared>>)
          tpu.yield
        }) : () -> ()
      } else {
      }
      %mul3A_67 = arith.constant 2 : i32
      %mul3A_68 = arith.muli %mul3A_67, %scan3A_41 : i32
      %add3A_69 = arith.constant 1 : i32
      %add3A_70 = arith.addi %mul3A_68, %add3A_69 : i32
      %add3A_71 = arith.constant 1 : i32
      %add3A_72 = arith.addi %add3A_70, %add3A_71 : i32
      %lt3A_73 = arith.constant 125 : i32
      %lt3A_74 = arith.cmpi slt, %add3A_72, %lt3A_73 : i32
      %convert_element_type3A_75 = arith.extui %lt3A_74 : i1 to i32
      %cond3A_76 = arith.constant 0 : i32
      %cond3A_77 = arith.cmpi ne, %convert_element_type3A_75, %cond3A_76 : i32
      scf.if %cond3A_77 {
        %add3A_95 = arith.constant 1 : i32
        %add3A_96 = arith.addi %add3A_70, %add3A_95 : i32
        %mul3A_97 = arith.constant 80 : i32
        %mul3A_98 = arith.muli %add3A_96, %mul3A_97 : i32
        %add3A_99 = arith.addi %mul3A_5, %mul3A_98 : i32
        %dma_wait3A_100 = tpu.memref_slice %arg4[%add3A_99] : memref<320000xi32, #tpu.memory_space<hbm>> -> memref<80xi32, #tpu.memory_space<hbm>>
        %dma_wait3A_101 = tpu.memref_slice %arg4[%add3A_99] : memref<320000xi32, #tpu.memory_space<hbm>> -> memref<80xi32, #tpu.memory_space<hbm>>
        tpu.wait_dma2 semaphore(%arg21 : memref<!tpu.dma_semaphore, #tpu.memory_space<semaphore_mem>>) src(%dma_wait3A_101 : memref<80xi32, #tpu.memory_space<hbm>>) dst(%arg10 : memref<80xi32, #tpu.memory_space<vmem>>)
        %dma_wait3A_102 = tpu.memref_slice %arg5[%add3A_99] : memref<320000xi32, #tpu.memory_space<hbm>> -> memref<80xi32, #tpu.memory_space<hbm>>
        %dma_wait3A_103 = tpu.memref_slice %arg5[%add3A_99] : memref<320000xi32, #tpu.memory_space<hbm>> -> memref<80xi32, #tpu.memory_space<hbm>>
        tpu.wait_dma2 semaphore(%arg21 : memref<!tpu.dma_semaphore, #tpu.memory_space<semaphore_mem>>) src(%dma_wait3A_103 : memref<80xi32, #tpu.memory_space<hbm>>) dst(%arg11 : memref<80xi32, #tpu.memory_space<vmem>>)
        %dma_start3A_104 = arith.constant 0 : i32
        %dma_start3A_105 = arith.constant 0 : i32
        %dma_start3A_106 = tpu.memref_slice %arg2[%dma_start3A_104, %dma_start3A_105] : memref<10112x32xf32, #tpu.memory_space<hbm>> -> memref<10112x32xf32, #tpu.memory_space<hbm>>
        tpu.enqueue_indirect_dma source(%dma_start3A_106 : memref<10112x32xf32, #tpu.memory_space<hbm>>) target(%arg12 : memref<80x32xf32, #tpu.memory_space<vmem>>) offsets(%arg11 : memref<80xi32, #tpu.memory_space<vmem>>) semaphore(%arg19 : memref<!tpu.dma_semaphore, #tpu.memory_space<semaphore_mem>>)
        %dma_start3A_107 = arith.constant 0 : i32
        %dma_start3A_108 = arith.constant 0 : i32
        %dma_start3A_109 = tpu.memref_slice %arg3[%dma_start3A_107, %dma_start3A_108] : memref<10112x16xf32, #tpu.memory_space<hbm>> -> memref<10112x16xf32, #tpu.memory_space<hbm>>
        tpu.enqueue_indirect_dma source(%dma_start3A_109 : memref<10112x16xf32, #tpu.memory_space<hbm>>) target(%arg13 : memref<80x16xf32, #tpu.memory_space<vmem>>) offsets(%arg10 : memref<80xi32, #tpu.memory_space<vmem>>) semaphore(%arg19 : memref<!tpu.dma_semaphore, #tpu.memory_space<semaphore_mem>>)
      } else {
      }
      %lt3A_78 = arith.constant 125 : i32
      %lt3A_79 = arith.cmpi slt, %add3A_70, %lt3A_78 : i32
      %convert_element_type3A_80 = arith.extui %lt3A_79 : i1 to i32
      %cond3A_81 = arith.constant 0 : i32
      %cond3A_82 = arith.cmpi ne, %convert_element_type3A_80, %cond3A_81 : i32
      scf.if %cond3A_82 {
        %dma_wait3A_95 = arith.constant 0 : i32
        %dma_wait3A_96 = arith.constant 0 : i32
        %dma_wait3A_97 = tpu.memref_slice %arg2[%dma_wait3A_95, %dma_wait3A_96] : memref<10112x32xf32, #tpu.memory_space<hbm>> -> memref<10112x32xf32, #tpu.memory_space<hbm>>
        tpu.wait_indirect_dma semaphore(%arg20 : memref<!tpu.dma_semaphore, #tpu.memory_space<semaphore_mem>>) src(%dma_wait3A_97 : memref<10112x32xf32, #tpu.memory_space<hbm>>) dst(%arg16 : memref<80x32xf32, #tpu.memory_space<vmem>>)
        %dma_wait3A_98 = arith.constant 0 : i32
        %dma_wait3A_99 = arith.constant 0 : i32
        %dma_wait3A_100 = tpu.memref_slice %arg3[%dma_wait3A_98, %dma_wait3A_99] : memref<10112x16xf32, #tpu.memory_space<hbm>> -> memref<10112x16xf32, #tpu.memory_space<hbm>>
        tpu.wait_indirect_dma semaphore(%arg20 : memref<!tpu.dma_semaphore, #tpu.memory_space<semaphore_mem>>) src(%dma_wait3A_100 : memref<10112x16xf32, #tpu.memory_space<hbm>>) dst(%arg17 : memref<80x16xf32, #tpu.memory_space<vmem>>)
        %get3A = arith.constant 0 : index
        %get3A_101 = tpu.vector_load %arg14[%get3A] {strides = array<i32>} : memref<80xi32, #tpu.memory_space<vmem>>, vector<16xi32>,
        %get3A_102 = vector.shape_cast %get3A_101 : vector<16xi32> to vector<16xi32>
        %swap3A = arith.constant 0 : index
        %swap3A_103 = tpu.vector_load %arg8[%swap3A] {strides = array<i32>} : memref<80xi32, #tpu.memory_space<vmem>>, vector<16xi32>,
        %swap3A_104 = vector.shape_cast %swap3A_103 : vector<16xi32> to vector<16xi32>
        %swap3A_105 = vector.shape_cast %get3A_102 : vector<16xi32> to vector<16xi32>
        tpu.vector_store %arg8[%swap3A], %swap3A_105 {strides = array<i32>} : memref<80xi32, #tpu.memory_space<vmem>>, vector<16xi32>,
        %get3A_106 = arith.constant 16 : index
        %get3A_107 = tpu.vector_load %arg14[%get3A_106] {strides = array<i32>} : memref<80xi32, #tpu.memory_space<vmem>>, vector<16xi32>,
        %get3A_108 = vector.shape_cast %get3A_107 : vector<16xi32> to vector<16xi32>
        %swap3A_109 = arith.constant 16 : index
        %swap3A_110 = tpu.vector_load %arg8[%swap3A_109] {strides = array<i32>} : memref<80xi32, #tpu.memory_space<vmem>>, vector<16xi32>,
        %swap3A_111 = vector.shape_cast %swap3A_110 : vector<16xi32> to vector<16xi32>
        %swap3A_112 = vector.shape_cast %get3A_108 : vector<16xi32> to vector<16xi32>
        tpu.vector_store %arg8[%swap3A_109], %swap3A_112 {strides = array<i32>} : memref<80xi32, #tpu.memory_space<vmem>>, vector<16xi32>,
        %get3A_113 = arith.constant 32 : index
        %get3A_114 = tpu.vector_load %arg14[%get3A_113] {strides = array<i32>} : memref<80xi32, #tpu.memory_space<vmem>>, vector<16xi32>,
        %get3A_115 = vector.shape_cast %get3A_114 : vector<16xi32> to vector<16xi32>
        %swap3A_116 = arith.constant 32 : index
        %swap3A_117 = tpu.vector_load %arg8[%swap3A_116] {strides = array<i32>} : memref<80xi32, #tpu.memory_space<vmem>>, vector<16xi32>,
        %swap3A_118 = vector.shape_cast %swap3A_117 : vector<16xi32> to vector<16xi32>
        %swap3A_119 = vector.shape_cast %get3A_115 : vector<16xi32> to vector<16xi32>
        tpu.vector_store %arg8[%swap3A_116], %swap3A_119 {strides = array<i32>} : memref<80xi32, #tpu.memory_space<vmem>>, vector<16xi32>,
        %get3A_120 = arith.constant 48 : index
        %get3A_121 = tpu.vector_load %arg14[%get3A_120] {strides = array<i32>} : memref<80xi32, #tpu.memory_space<vmem>>, vector<16xi32>,
        %get3A_122 = vector.shape_cast %get3A_121 : vector<16xi32> to vector<16xi32>
        %swap3A_123 = arith.constant 48 : index
        %swap3A_124 = tpu.vector_load %arg8[%swap3A_123] {strides = array<i32>} : memref<80xi32, #tpu.memory_space<vmem>>, vector<16xi32>,
        %swap3A_125 = vector.shape_cast %swap3A_124 : vector<16xi32> to vector<16xi32>
        %swap3A_126 = vector.shape_cast %get3A_122 : vector<16xi32> to vector<16xi32>
        tpu.vector_store %arg8[%swap3A_123], %swap3A_126 {strides = array<i32>} : memref<80xi32, #tpu.memory_space<vmem>>, vector<16xi32>,
        %get3A_127 = arith.constant 64 : index
        %get3A_128 = tpu.vector_load %arg14[%get3A_127] {strides = array<i32>} : memref<80xi32, #tpu.memory_space<vmem>>, vector<16xi32>,
        %get3A_129 = vector.shape_cast %get3A_128 : vector<16xi32> to vector<16xi32>
        %swap3A_130 = arith.constant 64 : index
        %swap3A_131 = tpu.vector_load %arg8[%swap3A_130] {strides = array<i32>} : memref<80xi32, #tpu.memory_space<vmem>>, vector<16xi32>,
        %swap3A_132 = vector.shape_cast %swap3A_131 : vector<16xi32> to vector<16xi32>
        %swap3A_133 = vector.shape_cast %get3A_129 : vector<16xi32> to vector<16xi32>
        tpu.vector_store %arg8[%swap3A_130], %swap3A_133 {strides = array<i32>} : memref<80xi32, #tpu.memory_space<vmem>>, vector<16xi32>,
      } else {
      }
      %add3A_83 = arith.constant 2 : i32
      %add3A_84 = arith.addi %add3A_70, %add3A_83 : i32
      %lt3A_85 = arith.constant 125 : i32
      %lt3A_86 = arith.cmpi slt, %add3A_84, %lt3A_85 : i32
      %convert_element_type3A_87 = arith.extui %lt3A_86 : i1 to i32
      %cond3A_88 = arith.constant 0 : i32
      %cond3A_89 = arith.cmpi ne, %convert_element_type3A_87, %cond3A_88 : i32
      scf.if %cond3A_89 {
        %add3A_95 = arith.constant 2 : i32
        %add3A_96 = arith.addi %add3A_70, %add3A_95 : i32
        %mul3A_97 = arith.constant 80 : i32
        %mul3A_98 = arith.muli %add3A_96, %mul3A_97 : i32
        %add3A_99 = arith.addi %mul3A_5, %mul3A_98 : i32
        %dma_start3A_100 = tpu.memref_slice %arg4[%add3A_99] : memref<320000xi32, #tpu.memory_space<hbm>> -> memref<80xi32, #tpu.memory_space<hbm>>
        %dma_start3A_101 = tpu.memref_slice %arg4[%add3A_99] : memref<320000xi32, #tpu.memory_space<hbm>> -> memref<80xi32, #tpu.memory_space<hbm>>
        tpu.enqueue_dma source(%dma_start3A_101 : memref<80xi32, #tpu.memory_space<hbm>>) target(%arg14 : memref<80xi32, #tpu.memory_space<vmem>>) target_semaphore(%arg22 : memref<!tpu.dma_semaphore, #tpu.memory_space<semaphore_mem>>)
        %dma_start3A_102 = tpu.memref_slice %arg5[%add3A_99] : memref<320000xi32, #tpu.memory_space<hbm>> -> memref<80xi32, #tpu.memory_space<hbm>>
        %dma_start3A_103 = tpu.memref_slice %arg5[%add3A_99] : memref<320000xi32, #tpu.memory_space<hbm>> -> memref<80xi32, #tpu.memory_space<hbm>>
        tpu.enqueue_dma source(%dma_start3A_103 : memref<80xi32, #tpu.memory_space<hbm>>) target(%arg15 : memref<80xi32, #tpu.memory_space<vmem>>) target_semaphore(%arg22 : memref<!tpu.dma_semaphore, #tpu.memory_space<semaphore_mem>>)
      } else {
      }
      %lt3A_90 = arith.constant 125 : i32
      %lt3A_91 = arith.cmpi slt, %add3A_70, %lt3A_90 : i32
      %convert_element_type3A_92 = arith.extui %lt3A_91 : i1 to i32
      %cond3A_93 = arith.constant 0 : i32
      %cond3A_94 = arith.cmpi ne, %convert_element_type3A_92, %cond3A_93 : i32
      scf.if %cond3A_94 {
        %parallel_loop3A = arith.constant 0 : i32
        %parallel_loop3A_95 = arith.constant 80 : i32
        %parallel_loop3A_96 = arith.constant 1 : i32
        scf.for %parallel_loop3A_97 = %parallel_loop3A to %parallel_loop3A_95 step %parallel_loop3A_96  : i32 {
          %parallel_loop3A_98 = arith.index_cast %parallel_loop3A_97 : i32 to index
          %parallel_loop3A_99 = arith.constant 0 : index
          %parallel_loop3A_100 = tpu.vector_load %arg17[%parallel_loop3A_98, %parallel_loop3A_99] {strides = array<i32>} : memref<80x16xf32, #tpu.memory_space<vmem>>, vector<1x16xf32>,
          %parallel_loop3A_101 = vector.shape_cast %parallel_loop3A_100 : vector<1x16xf32> to vector<16xf32>
          %parallel_loop3A_102 = arith.index_cast %parallel_loop3A_97 : i32 to index
          %parallel_loop3A_103 = arith.constant 16 : index
          %parallel_loop3A_104 = tpu.vector_load %arg16[%parallel_loop3A_102, %parallel_loop3A_103] {strides = array<i32>} : memref<80x32xf32, #tpu.memory_space<vmem>>, vector<1x16xf32>,
          %parallel_loop3A_105 = vector.shape_cast %parallel_loop3A_104 : vector<1x16xf32> to vector<16xf32>
          %parallel_loop3A_106 = arith.addf %parallel_loop3A_101, %parallel_loop3A_105 : vector<16xf32>
          %parallel_loop3A_107 = arith.constant 2.000000e-01 : f32
          %parallel_loop3A_108 = vector.broadcast %parallel_loop3A_107 : f32 to vector<16xf32>
          %parallel_loop3A_109 = arith.mulf %parallel_loop3A_108, %parallel_loop3A_106 : vector<16xf32>
          %parallel_loop3A_110 = arith.maximumf %parallel_loop3A_106, %parallel_loop3A_109 : vector<16xf32>
          %parallel_loop3A_111 = arith.constant 0.000000e+00 : f32
          %parallel_loop3A_112 = vector.broadcast %parallel_loop3A_111 : f32 to vector<16xf32>
          %parallel_loop3A_113 = arith.subf %parallel_loop3A_112, %parallel_loop3A_110 : vector<16xf32>
          %parallel_loop3A_114 = math.exp %parallel_loop3A_113 : vector<16xf32>
          %parallel_loop3A_115 = arith.constant 0 : i32
          %parallel_loop3A_116 = vector.broadcast %parallel_loop3A_115 : i32 to vector<16xi32>
          %parallel_loop3A_117 = arith.cmpi slt, %broadcast_in_dim3A_3, %parallel_loop3A_116 : vector<16xi32>
          %parallel_loop3A_118 = arith.constant 16 : i32
          %parallel_loop3A_119 = vector.broadcast %parallel_loop3A_118 : i32 to vector<16xi32>
          %parallel_loop3A_120 = arith.addi %broadcast_in_dim3A_3, %parallel_loop3A_119 : vector<16xi32>
          %parallel_loop3A_121 = arith.select %parallel_loop3A_117, %parallel_loop3A_120, %broadcast_in_dim3A_3 : vector<16xi1>, vector<16xi32>
          %parallel_loop3A_122 = vector.shape_cast %parallel_loop3A_121 : vector<16xi32> to vector<16x1xi32>
          %parallel_loop3A_123 = vector.shape_cast %parallel_loop3A_122 : vector<16x1xi32> to vector<16xi32>
          %parallel_loop3A_124 = tpu.dynamic_gather %parallel_loop3A_114[%parallel_loop3A_123] in [0] : vector<16xf32>, vector<16xi32> -> vector<16xf32>
          %parallel_loop3A_125 = arith.index_cast %parallel_loop3A_97 : i32 to index
          %parallel_loop3A_126 = arith.constant 0 : index
          %parallel_loop3A_127 = tpu.vector_load %arg16[%parallel_loop3A_125, %parallel_loop3A_126] {strides = array<i32>} : memref<80x32xf32, #tpu.memory_space<vmem>>, vector<1x16xf32>,
          %parallel_loop3A_128 = vector.shape_cast %parallel_loop3A_127 : vector<1x16xf32> to vector<16xf32>
          %parallel_loop3A_129 = arith.mulf %parallel_loop3A_128, %parallel_loop3A_124 : vector<16xf32>
          %parallel_loop3A_130 = arith.index_cast %parallel_loop3A_97 : i32 to index
          %parallel_loop3A_131 = arith.constant 0 : index
          %parallel_loop3A_132 = tpu.vector_load %arg9[%parallel_loop3A_130, %parallel_loop3A_131] {strides = array<i32>} : memref<80x32xf32, #tpu.memory_space<vmem>>, vector<1x16xf32>,
          %parallel_loop3A_133 = vector.shape_cast %parallel_loop3A_132 : vector<1x16xf32> to vector<16xf32>
          %parallel_loop3A_134 = vector.shape_cast %parallel_loop3A_129 : vector<16xf32> to vector<1x16xf32>
          tpu.vector_store %arg9[%parallel_loop3A_130, %parallel_loop3A_131], %parallel_loop3A_134 {strides = array<i32>} : memref<80x32xf32, #tpu.memory_space<vmem>>, vector<1x16xf32>,
          %parallel_loop3A_135 = arith.constant 1 : i32
          %parallel_loop3A_136 = vector.broadcast %parallel_loop3A_135 : i32 to vector<16xi32>
          %parallel_loop3A_137 = arith.cmpi slt, %iota3A, %parallel_loop3A_136 : vector<16xi32>
          %parallel_loop3A_138 = arith.constant 0.000000e+00 : f32
          %parallel_loop3A_139 = vector.broadcast %parallel_loop3A_138 : f32 to vector<16xf32>
          %parallel_loop3A_140 = arith.select %parallel_loop3A_137, %parallel_loop3A_114, %parallel_loop3A_139 : vector<16xi1>, vector<16xf32>
          %parallel_loop3A_141 = arith.index_cast %parallel_loop3A_97 : i32 to index
          %parallel_loop3A_142 = arith.constant 16 : index
          %parallel_loop3A_143 = tpu.vector_load %arg9[%parallel_loop3A_141, %parallel_loop3A_142] {strides = array<i32>} : memref<80x32xf32, #tpu.memory_space<vmem>>, vector<1x16xf32>,
          %parallel_loop3A_144 = vector.shape_cast %parallel_loop3A_143 : vector<1x16xf32> to vector<16xf32>
          %parallel_loop3A_145 = vector.shape_cast %parallel_loop3A_140 : vector<16xf32> to vector<1x16xf32>
          tpu.vector_store %arg9[%parallel_loop3A_141, %parallel_loop3A_142], %parallel_loop3A_145 {strides = array<i32>} : memref<80x32xf32, #tpu.memory_space<vmem>>, vector<1x16xf32>,
        } {sc.loop_unroll_factor = 2 : i64, sc.parallel_access}
        "tpu.region"() ({
          %run_scoped3A = tpu.sem_alloc : memref<!tpu.dma_semaphore, #tpu.memory_space<semaphore_mem>>
          %dma_start3A_97 = arith.constant 0 : i32
          %dma_start3A_98 = arith.constant 0 : i32
          %dma_start3A_99 = tpu.memref_slice %arg18[%dma_start3A_97, %dma_start3A_98] : memref<10112x32xf32, #tpu.memory_space<vmem_shared>> -> memref<10112x32xf32, #tpu.memory_space<vmem_shared>>
          tpu.enqueue_indirect_dma source(%arg9 : memref<80x32xf32, #tpu.memory_space<vmem>>) target(%dma_start3A_99 : memref<10112x32xf32, #tpu.memory_space<vmem_shared>>) offsets(%arg8 : memref<80xi32, #tpu.memory_space<vmem>>) semaphore(%run_scoped3A : memref<!tpu.dma_semaphore, #tpu.memory_space<semaphore_mem>>) {add = true}
          %dma_wait3A_100 = arith.constant 0 : i32
          %dma_wait3A_101 = arith.constant 0 : i32
          %dma_wait3A_102 = tpu.memref_slice %arg18[%dma_wait3A_100, %dma_wait3A_101] : memref<10112x32xf32, #tpu.memory_space<vmem_shared>> -> memref<10112x32xf32, #tpu.memory_space<vmem_shared>>
          tpu.wait_indirect_dma semaphore(%run_scoped3A : memref<!tpu.dma_semaphore, #tpu.memory_space<semaphore_mem>>) src(%arg9 : memref<80x32xf32, #tpu.memory_space<vmem>>) dst(%dma_wait3A_102 : memref<10112x32xf32, #tpu.memory_space<vmem_shared>>)
          tpu.yield
        }) : () -> ()
      } else {
      }
    }
    %scan3A_32 = arith.constant 63 : i32
    %barrier3A_33 = arith.constant 0 : index
    tpu.barrier barrier_id(%barrier3A_33)
    %mul3A_34 = arith.constant 632 : i32
    %mul3A_35 = arith.muli %arg1, %mul3A_34 : i32
    %mul3A_36 = arith.constant 10112 : i32
    %mul3A_37 = arith.muli %arg0, %mul3A_36 : i32
    %mul3A_38 = arith.constant 632 : i32
    %mul3A_39 = arith.muli %arg1, %mul3A_38 : i32
    %add3A_40 = arith.addi %mul3A_37, %mul3A_39 : i32
    "tpu.region"() ({
      %run_scoped3A = tpu.sem_alloc : memref<!tpu.dma_semaphore, #tpu.memory_space<semaphore_mem>>
      %dma_start3A_41 = arith.constant 0 : i32
      %dma_start3A_42 = tpu.memref_slice %arg7[%add3A_40, %dma_start3A_41] : memref<20224x32xf32, #tpu.memory_space<hbm>> -> memref<632x32xf32, #tpu.memory_space<hbm>>
      %dma_start3A_43 = arith.constant 0 : i32
      %dma_start3A_44 = tpu.memref_slice %arg18[%mul3A_35, %dma_start3A_43] : memref<10112x32xf32, #tpu.memory_space<vmem_shared>> -> memref<632x32xf32, #tpu.memory_space<vmem_shared>>
      tpu.enqueue_dma source(%dma_start3A_44 : memref<632x32xf32, #tpu.memory_space<vmem_shared>>) target(%dma_start3A_42 : memref<632x32xf32, #tpu.memory_space<hbm>>) target_semaphore(%run_scoped3A : memref<!tpu.dma_semaphore, #tpu.memory_space<semaphore_mem>>)
      %dma_wait3A_45 = arith.constant 0 : i32
      %dma_wait3A_46 = tpu.memref_slice %arg7[%add3A_40, %dma_wait3A_45] : memref<20224x32xf32, #tpu.memory_space<hbm>> -> memref<632x32xf32, #tpu.memory_space<hbm>>
      %dma_wait3A_47 = arith.constant 0 : i32
      %dma_wait3A_48 = tpu.memref_slice %arg18[%mul3A_35, %dma_wait3A_47] : memref<10112x32xf32, #tpu.memory_space<vmem_shared>> -> memref<632x32xf32, #tpu.memory_space<vmem_shared>>
      tpu.wait_dma2 semaphore(%run_scoped3A : memref<!tpu.dma_semaphore, #tpu.memory_space<semaphore_mem>>) src(%dma_wait3A_48 : memref<632x32xf32, #tpu.memory_space<vmem_shared>>) dst(%dma_wait3A_46 : memref<632x32xf32, #tpu.memory_space<hbm>>)
      tpu.yield
    }) : () -> ()
    return
  }
}

#map = affine_map<(d0, d1) -> (0, 0)>
#map1 = affine_map<(d0, d1) -> (0)>
module attributes {stable_mosaic.version = 14 : i64} {
  func.func @_sc1_body(%arg0: i32, %arg1: i32, %arg2: memref<20480x128xf32, #tpu.memory_space<hbm>>, %arg3: memref<20480x16xf32, #tpu.memory_space<hbm>>, %arg4: memref<320000xi32, #tpu.memory_space<hbm>>, %arg5: memref<320000xi32, #tpu.memory_space<hbm>>, %arg6: memref<632x128xf32, #tpu.memory_space<hbm>>, %arg7: memref<632x16xf32, #tpu.memory_space<hbm>>, %arg8: memref<20224x128xf32, #tpu.memory_space<hbm>>, %arg9: memref<20224x16xf32, #tpu.memory_space<hbm>>, %arg10: memref<80xi32, #tpu.memory_space<vmem>>, %arg11: memref<80x128xf32, #tpu.memory_space<vmem>>, %arg12: memref<80x16xf32, #tpu.memory_space<vmem>>, %arg13: memref<80xi32, #tpu.memory_space<vmem>>, %arg14: memref<80xi32, #tpu.memory_space<vmem>>, %arg15: memref<80xi32, #tpu.memory_space<vmem>>, %arg16: memref<80x128xf32, #tpu.memory_space<vmem>>, %arg17: memref<80x16xf32, #tpu.memory_space<vmem>>, %arg18: memref<80x16xf32, #tpu.memory_space<vmem>>, %arg19: memref<80xi32, #tpu.memory_space<vmem>>, %arg20: memref<80xi32, #tpu.memory_space<vmem>>, %arg21: memref<80xi32, #tpu.memory_space<vmem>>, %arg22: memref<80x128xf32, #tpu.memory_space<vmem>>, %arg23: memref<80x16xf32, #tpu.memory_space<vmem>>, %arg24: memref<80x16xf32, #tpu.memory_space<vmem>>, %arg25: memref<10112x128xf32, #tpu.memory_space<vmem_shared>>, %arg26: memref<10112x16xf32, #tpu.memory_space<vmem_shared>>, %arg27: memref<!tpu.dma_semaphore, #tpu.memory_space<semaphore_mem>>, %arg28: memref<!tpu.dma_semaphore, #tpu.memory_space<semaphore_mem>>, %arg29: memref<!tpu.dma_semaphore, #tpu.memory_space<semaphore_mem>>, %arg30: memref<!tpu.dma_semaphore, #tpu.memory_space<semaphore_mem>>) attributes {dimension_semantics = [#tpu.dimension_semantics<core_parallel>, #tpu.dimension_semantics<subcore_parallel>], iteration_bounds = array<i64: 2, 16>, scalar_prefetch = 0 : i64, scratch_operands = 21 : i64, tpu.core_type = #tpu.core_type<sc_vector_subcore>, window_params = [{transform_indices = #map}, {transform_indices = #map}, {transform_indices = #map1}, {transform_indices = #map1}, {transform_indices = #map}, {transform_indices = #map}, {transform_indices = #map}, {transform_indices = #map}]} {
    %mul3A = arith.constant 632 : i32
    %mul3A_0 = arith.muli %arg1, %mul3A : i32
    "tpu.region"() ({
      %run_scoped3A = tpu.sem_alloc : memref<!tpu.dma_semaphore, #tpu.memory_space<semaphore_mem>>
      %dma_start3A_147 = arith.constant 0 : i32
      %dma_start3A_148 = tpu.memref_slice %arg25[%mul3A_0, %dma_start3A_147] : memref<10112x128xf32, #tpu.memory_space<vmem_shared>> -> memref<632x128xf32, #tpu.memory_space<vmem_shared>>
      tpu.enqueue_dma source(%arg6 : memref<632x128xf32, #tpu.memory_space<hbm>>) target(%dma_start3A_148 : memref<632x128xf32, #tpu.memory_space<vmem_shared>>) target_semaphore(%run_scoped3A : memref<!tpu.dma_semaphore, #tpu.memory_space<semaphore_mem>>)
      %dma_wait3A_149 = arith.constant 0 : i32
      %dma_wait3A_150 = tpu.memref_slice %arg25[%mul3A_0, %dma_wait3A_149] : memref<10112x128xf32, #tpu.memory_space<vmem_shared>> -> memref<632x128xf32, #tpu.memory_space<vmem_shared>>
      tpu.wait_dma2 semaphore(%run_scoped3A : memref<!tpu.dma_semaphore, #tpu.memory_space<semaphore_mem>>) src(%arg6 : memref<632x128xf32, #tpu.memory_space<hbm>>) dst(%dma_wait3A_150 : memref<632x128xf32, #tpu.memory_space<vmem_shared>>)
      tpu.yield
    }) : () -> ()
    %mul3A_1 = arith.constant 632 : i32
    %mul3A_2 = arith.muli %arg1, %mul3A_1 : i32
    "tpu.region"() ({
      %run_scoped3A = tpu.sem_alloc : memref<!tpu.dma_semaphore, #tpu.memory_space<semaphore_mem>>
      %dma_start3A_147 = arith.constant 0 : i32
      %dma_start3A_148 = tpu.memref_slice %arg26[%mul3A_2, %dma_start3A_147] : memref<10112x16xf32, #tpu.memory_space<vmem_shared>> -> memref<632x16xf32, #tpu.memory_space<vmem_shared>>
      tpu.enqueue_dma source(%arg7 : memref<632x16xf32, #tpu.memory_space<hbm>>) target(%dma_start3A_148 : memref<632x16xf32, #tpu.memory_space<vmem_shared>>) target_semaphore(%run_scoped3A : memref<!tpu.dma_semaphore, #tpu.memory_space<semaphore_mem>>)
      %dma_wait3A_149 = arith.constant 0 : i32
      %dma_wait3A_150 = tpu.memref_slice %arg26[%mul3A_2, %dma_wait3A_149] : memref<10112x16xf32, #tpu.memory_space<vmem_shared>> -> memref<632x16xf32, #tpu.memory_space<vmem_shared>>
      tpu.wait_dma2 semaphore(%run_scoped3A : memref<!tpu.dma_semaphore, #tpu.memory_space<semaphore_mem>>) src(%arg7 : memref<632x16xf32, #tpu.memory_space<hbm>>) dst(%dma_wait3A_150 : memref<632x16xf32, #tpu.memory_space<vmem_shared>>)
      tpu.yield
    }) : () -> ()
    %mul3A_3 = arith.constant 10240 : i32
    %mul3A_4 = arith.muli %arg0, %mul3A_3 : i32
    %iota3A = tpu.iota {dimensions = array<i32: 0>} : vector<16xi32>
    %broadcast_in_dim3A = arith.constant 0 : i32
    %broadcast_in_dim3A_5 = vector.broadcast %broadcast_in_dim3A : i32 to vector<16xi32>
    %broadcast_in_dim3A_6 = arith.constant 1 : i32
    %broadcast_in_dim3A_7 = vector.broadcast %broadcast_in_dim3A_6 : i32 to vector<16xi32>
    %add3A = arith.constant 2 : i32
    %add3A_8 = vector.broadcast %add3A : i32 to vector<16xi32>
    %add3A_9 = arith.addi %iota3A, %add3A_8 : vector<16xi32>
    %and3A = arith.constant 15 : i32
    %and3A_10 = vector.broadcast %and3A : i32 to vector<16xi32>
    %and3A_11 = arith.andi %add3A_9, %and3A_10 : vector<16xi32>
    %mul3A_12 = arith.constant 20000 : i32
    %mul3A_13 = arith.muli %arg1, %mul3A_12 : i32
    %barrier3A = arith.constant 0 : index
    tpu.barrier barrier_id(%barrier3A)
    %add3A_14 = arith.constant 0 : i32
    %add3A_15 = arith.addi %mul3A_13, %add3A_14 : i32
    %dma_start3A = tpu.memref_slice %arg4[%add3A_15] : memref<320000xi32, #tpu.memory_space<hbm>> -> memref<80xi32, #tpu.memory_space<hbm>>
    %dma_start3A_16 = tpu.memref_slice %arg4[%add3A_15] : memref<320000xi32, #tpu.memory_space<hbm>> -> memref<80xi32, #tpu.memory_space<hbm>>
    tpu.enqueue_dma source(%dma_start3A_16 : memref<80xi32, #tpu.memory_space<hbm>>) target(%arg13 : memref<80xi32, #tpu.memory_space<vmem>>) target_semaphore(%arg29 : memref<!tpu.dma_semaphore, #tpu.memory_space<semaphore_mem>>)
    %dma_start3A_17 = tpu.memref_slice %arg5[%add3A_15] : memref<320000xi32, #tpu.memory_space<hbm>> -> memref<80xi32, #tpu.memory_space<hbm>>
    %dma_start3A_18 = tpu.memref_slice %arg5[%add3A_15] : memref<320000xi32, #tpu.memory_space<hbm>> -> memref<80xi32, #tpu.memory_space<hbm>>
    tpu.enqueue_dma source(%dma_start3A_18 : memref<80xi32, #tpu.memory_space<hbm>>) target(%arg14 : memref<80xi32, #tpu.memory_space<vmem>>) target_semaphore(%arg29 : memref<!tpu.dma_semaphore, #tpu.memory_space<semaphore_mem>>)
    %add3A_19 = arith.constant 80 : i32
    %add3A_20 = arith.addi %mul3A_13, %add3A_19 : i32
    %dma_start3A_21 = tpu.memref_slice %arg4[%add3A_20] : memref<320000xi32, #tpu.memory_space<hbm>> -> memref<80xi32, #tpu.memory_space<hbm>>
    %dma_start3A_22 = tpu.memref_slice %arg4[%add3A_20] : memref<320000xi32, #tpu.memory_space<hbm>> -> memref<80xi32, #tpu.memory_space<hbm>>
    tpu.enqueue_dma source(%dma_start3A_22 : memref<80xi32, #tpu.memory_space<hbm>>) target(%arg19 : memref<80xi32, #tpu.memory_space<vmem>>) target_semaphore(%arg30 : memref<!tpu.dma_semaphore, #tpu.memory_space<semaphore_mem>>)
    %dma_start3A_23 = tpu.memref_slice %arg5[%add3A_20] : memref<320000xi32, #tpu.memory_space<hbm>> -> memref<80xi32, #tpu.memory_space<hbm>>
    %dma_start3A_24 = tpu.memref_slice %arg5[%add3A_20] : memref<320000xi32, #tpu.memory_space<hbm>> -> memref<80xi32, #tpu.memory_space<hbm>>
    tpu.enqueue_dma source(%dma_start3A_24 : memref<80xi32, #tpu.memory_space<hbm>>) target(%arg20 : memref<80xi32, #tpu.memory_space<vmem>>) target_semaphore(%arg30 : memref<!tpu.dma_semaphore, #tpu.memory_space<semaphore_mem>>)
    %add3A_25 = arith.constant 0 : i32
    %add3A_26 = arith.addi %mul3A_13, %add3A_25 : i32
    %dma_wait3A = tpu.memref_slice %arg4[%add3A_26] : memref<320000xi32, #tpu.memory_space<hbm>> -> memref<80xi32, #tpu.memory_space<hbm>>
    %dma_wait3A_27 = tpu.memref_slice %arg4[%add3A_26] : memref<320000xi32, #tpu.memory_space<hbm>> -> memref<80xi32, #tpu.memory_space<hbm>>
    tpu.wait_dma2 semaphore(%arg29 : memref<!tpu.dma_semaphore, #tpu.memory_space<semaphore_mem>>) src(%dma_wait3A_27 : memref<80xi32, #tpu.memory_space<hbm>>) dst(%arg13 : memref<80xi32, #tpu.memory_space<vmem>>)
    %dma_wait3A_28 = tpu.memref_slice %arg5[%add3A_26] : memref<320000xi32, #tpu.memory_space<hbm>> -> memref<80xi32, #tpu.memory_space<hbm>>
    %dma_wait3A_29 = tpu.memref_slice %arg5[%add3A_26] : memref<320000xi32, #tpu.memory_space<hbm>> -> memref<80xi32, #tpu.memory_space<hbm>>
    tpu.wait_dma2 semaphore(%arg29 : memref<!tpu.dma_semaphore, #tpu.memory_space<semaphore_mem>>) src(%dma_wait3A_29 : memref<80xi32, #tpu.memory_space<hbm>>) dst(%arg14 : memref<80xi32, #tpu.memory_space<vmem>>)
    %get3A = arith.constant 0 : index
    %get3A_30 = tpu.vector_load %arg13[%get3A] {strides = array<i32>} : memref<80xi32, #tpu.memory_space<vmem>>, vector<16xi32>,
    %get3A_31 = vector.shape_cast %get3A_30 : vector<16xi32> to vector<16xi32>
    %add3A_32 = vector.broadcast %mul3A_4 : i32 to vector<16xi32>
    %add3A_33 = arith.addi %get3A_31, %add3A_32 : vector<16xi32>
    %swap3A = arith.constant 0 : index
    %swap3A_34 = tpu.vector_load %arg15[%swap3A] {strides = array<i32>} : memref<80xi32, #tpu.memory_space<vmem>>, vector<16xi32>,
    %swap3A_35 = vector.shape_cast %swap3A_34 : vector<16xi32> to vector<16xi32>
    %swap3A_36 = vector.shape_cast %add3A_33 : vector<16xi32> to vector<16xi32>
    tpu.vector_store %arg15[%swap3A], %swap3A_36 {strides = array<i32>} : memref<80xi32, #tpu.memory_space<vmem>>, vector<16xi32>,
    %get3A_37 = arith.constant 0 : index
    %get3A_38 = tpu.vector_load %arg14[%get3A_37] {strides = array<i32>} : memref<80xi32, #tpu.memory_space<vmem>>, vector<16xi32>,
    %get3A_39 = vector.shape_cast %get3A_38 : vector<16xi32> to vector<16xi32>
    %add3A_40 = vector.broadcast %mul3A_4 : i32 to vector<16xi32>
    %add3A_41 = arith.addi %get3A_39, %add3A_40 : vector<16xi32>
    %swap3A_42 = arith.constant 0 : index
    %swap3A_43 = tpu.vector_load %arg14[%swap3A_42] {strides = array<i32>} : memref<80xi32, #tpu.memory_space<vmem>>, vector<16xi32>,
    %swap3A_44 = vector.shape_cast %swap3A_43 : vector<16xi32> to vector<16xi32>
    %swap3A_45 = vector.shape_cast %add3A_41 : vector<16xi32> to vector<16xi32>
    tpu.vector_store %arg14[%swap3A_42], %swap3A_45 {strides = array<i32>} : memref<80xi32, #tpu.memory_space<vmem>>, vector<16xi32>,
    %get3A_46 = arith.constant 16 : index
    %get3A_47 = tpu.vector_load %arg13[%get3A_46] {strides = array<i32>} : memref<80xi32, #tpu.memory_space<vmem>>, vector<16xi32>,
    %get3A_48 = vector.shape_cast %get3A_47 : vector<16xi32> to vector<16xi32>
    %add3A_49 = vector.broadcast %mul3A_4 : i32 to vector<16xi32>
    %add3A_50 = arith.addi %get3A_48, %add3A_49 : vector<16xi32>
    %swap3A_51 = arith.constant 16 : index
    %swap3A_52 = tpu.vector_load %arg15[%swap3A_51] {strides = array<i32>} : memref<80xi32, #tpu.memory_space<vmem>>, vector<16xi32>,
    %swap3A_53 = vector.shape_cast %swap3A_52 : vector<16xi32> to vector<16xi32>
    %swap3A_54 = vector.shape_cast %add3A_50 : vector<16xi32> to vector<16xi32>
    tpu.vector_store %arg15[%swap3A_51], %swap3A_54 {strides = array<i32>} : memref<80xi32, #tpu.memory_space<vmem>>, vector<16xi32>,
    %get3A_55 = arith.constant 16 : index
    %get3A_56 = tpu.vector_load %arg14[%get3A_55] {strides = array<i32>} : memref<80xi32, #tpu.memory_space<vmem>>, vector<16xi32>,
    %get3A_57 = vector.shape_cast %get3A_56 : vector<16xi32> to vector<16xi32>
    %add3A_58 = vector.broadcast %mul3A_4 : i32 to vector<16xi32>
    %add3A_59 = arith.addi %get3A_57, %add3A_58 : vector<16xi32>
    %swap3A_60 = arith.constant 16 : index
    %swap3A_61 = tpu.vector_load %arg14[%swap3A_60] {strides = array<i32>} : memref<80xi32, #tpu.memory_space<vmem>>, vector<16xi32>,
    %swap3A_62 = vector.shape_cast %swap3A_61 : vector<16xi32> to vector<16xi32>
    %swap3A_63 = vector.shape_cast %add3A_59 : vector<16xi32> to vector<16xi32>
    tpu.vector_store %arg14[%swap3A_60], %swap3A_63 {strides = array<i32>} : memref<80xi32, #tpu.memory_space<vmem>>, vector<16xi32>,
    %get3A_64 = arith.constant 32 : index
    %get3A_65 = tpu.vector_load %arg13[%get3A_64] {strides = array<i32>} : memref<80xi32, #tpu.memory_space<vmem>>, vector<16xi32>,
    %get3A_66 = vector.shape_cast %get3A_65 : vector<16xi32> to vector<16xi32>
    %add3A_67 = vector.broadcast %mul3A_4 : i32 to vector<16xi32>
    %add3A_68 = arith.addi %get3A_66, %add3A_67 : vector<16xi32>
    %swap3A_69 = arith.constant 32 : index
    %swap3A_70 = tpu.vector_load %arg15[%swap3A_69] {strides = array<i32>} : memref<80xi32, #tpu.memory_space<vmem>>, vector<16xi32>,
    %swap3A_71 = vector.shape_cast %swap3A_70 : vector<16xi32> to vector<16xi32>
    %swap3A_72 = vector.shape_cast %add3A_68 : vector<16xi32> to vector<16xi32>
    tpu.vector_store %arg15[%swap3A_69], %swap3A_72 {strides = array<i32>} : memref<80xi32, #tpu.memory_space<vmem>>, vector<16xi32>,
    %get3A_73 = arith.constant 32 : index
    %get3A_74 = tpu.vector_load %arg14[%get3A_73] {strides = array<i32>} : memref<80xi32, #tpu.memory_space<vmem>>, vector<16xi32>,
    %get3A_75 = vector.shape_cast %get3A_74 : vector<16xi32> to vector<16xi32>
    %add3A_76 = vector.broadcast %mul3A_4 : i32 to vector<16xi32>
    %add3A_77 = arith.addi %get3A_75, %add3A_76 : vector<16xi32>
    %swap3A_78 = arith.constant 32 : index
    %swap3A_79 = tpu.vector_load %arg14[%swap3A_78] {strides = array<i32>} : memref<80xi32, #tpu.memory_space<vmem>>, vector<16xi32>,
    %swap3A_80 = vector.shape_cast %swap3A_79 : vector<16xi32> to vector<16xi32>
    %swap3A_81 = vector.shape_cast %add3A_77 : vector<16xi32> to vector<16xi32>
    tpu.vector_store %arg14[%swap3A_78], %swap3A_81 {strides = array<i32>} : memref<80xi32, #tpu.memory_space<vmem>>, vector<16xi32>,
    %get3A_82 = arith.constant 48 : index
    %get3A_83 = tpu.vector_load %arg13[%get3A_82] {strides = array<i32>} : memref<80xi32, #tpu.memory_space<vmem>>, vector<16xi32>,
    %get3A_84 = vector.shape_cast %get3A_83 : vector<16xi32> to vector<16xi32>
    %add3A_85 = vector.broadcast %mul3A_4 : i32 to vector<16xi32>
    %add3A_86 = arith.addi %get3A_84, %add3A_85 : vector<16xi32>
    %swap3A_87 = arith.constant 48 : index
    %swap3A_88 = tpu.vector_load %arg15[%swap3A_87] {strides = array<i32>} : memref<80xi32, #tpu.memory_space<vmem>>, vector<16xi32>,
    %swap3A_89 = vector.shape_cast %swap3A_88 : vector<16xi32> to vector<16xi32>
    %swap3A_90 = vector.shape_cast %add3A_86 : vector<16xi32> to vector<16xi32>
    tpu.vector_store %arg15[%swap3A_87], %swap3A_90 {strides = array<i32>} : memref<80xi32, #tpu.memory_space<vmem>>, vector<16xi32>,
    %get3A_91 = arith.constant 48 : index
    %get3A_92 = tpu.vector_load %arg14[%get3A_91] {strides = array<i32>} : memref<80xi32, #tpu.memory_space<vmem>>, vector<16xi32>,
    %get3A_93 = vector.shape_cast %get3A_92 : vector<16xi32> to vector<16xi32>
    %add3A_94 = vector.broadcast %mul3A_4 : i32 to vector<16xi32>
    %add3A_95 = arith.addi %get3A_93, %add3A_94 : vector<16xi32>
    %swap3A_96 = arith.constant 48 : index
    %swap3A_97 = tpu.vector_load %arg14[%swap3A_96] {strides = array<i32>} : memref<80xi32, #tpu.memory_space<vmem>>, vector<16xi32>,
    %swap3A_98 = vector.shape_cast %swap3A_97 : vector<16xi32> to vector<16xi32>
    %swap3A_99 = vector.shape_cast %add3A_95 : vector<16xi32> to vector<16xi32>
    tpu.vector_store %arg14[%swap3A_96], %swap3A_99 {strides = array<i32>} : memref<80xi32, #tpu.memory_space<vmem>>, vector<16xi32>,
    %get3A_100 = arith.constant 64 : index
    %get3A_101 = tpu.vector_load %arg13[%get3A_100] {strides = array<i32>} : memref<80xi32, #tpu.memory_space<vmem>>, vector<16xi32>,
    %get3A_102 = vector.shape_cast %get3A_101 : vector<16xi32> to vector<16xi32>
    %add3A_103 = vector.broadcast %mul3A_4 : i32 to vector<16xi32>
    %add3A_104 = arith.addi %get3A_102, %add3A_103 : vector<16xi32>
    %swap3A_105 = arith.constant 64 : index
    %swap3A_106 = tpu.vector_load %arg15[%swap3A_105] {strides = array<i32>} : memref<80xi32, #tpu.memory_space<vmem>>, vector<16xi32>,
    %swap3A_107 = vector.shape_cast %swap3A_106 : vector<16xi32> to vector<16xi32>
    %swap3A_108 = vector.shape_cast %add3A_104 : vector<16xi32> to vector<16xi32>
    tpu.vector_store %arg15[%swap3A_105], %swap3A_108 {strides = array<i32>} : memref<80xi32, #tpu.memory_space<vmem>>, vector<16xi32>,
    %get3A_109 = arith.constant 64 : index
    %get3A_110 = tpu.vector_load %arg14[%get3A_109] {strides = array<i32>} : memref<80xi32, #tpu.memory_space<vmem>>, vector<16xi32>,
    %get3A_111 = vector.shape_cast %get3A_110 : vector<16xi32> to vector<16xi32>
    %add3A_112 = vector.broadcast %mul3A_4 : i32 to vector<16xi32>
    %add3A_113 = arith.addi %get3A_111, %add3A_112 : vector<16xi32>
    %swap3A_114 = arith.constant 64 : index
    %swap3A_115 = tpu.vector_load %arg14[%swap3A_114] {strides = array<i32>} : memref<80xi32, #tpu.memory_space<vmem>>, vector<16xi32>,
    %swap3A_116 = vector.shape_cast %swap3A_115 : vector<16xi32> to vector<16xi32>
    %swap3A_117 = vector.shape_cast %add3A_113 : vector<16xi32> to vector<16xi32>
    tpu.vector_store %arg14[%swap3A_114], %swap3A_117 {strides = array<i32>} : memref<80xi32, #tpu.memory_space<vmem>>, vector<16xi32>,
    %dma_start3A_118 = arith.constant 0 : i32
    %dma_start3A_119 = arith.constant 0 : i32
    %dma_start3A_120 = tpu.memref_slice %arg2[%dma_start3A_118, %dma_start3A_119] : memref<20480x128xf32, #tpu.memory_space<hbm>> -> memref<20480x128xf32, #tpu.memory_space<hbm>>
    tpu.enqueue_indirect_dma source(%dma_start3A_120 : memref<20480x128xf32, #tpu.memory_space<hbm>>) target(%arg16 : memref<80x128xf32, #tpu.memory_space<vmem>>) offsets(%arg14 : memref<80xi32, #tpu.memory_space<vmem>>) semaphore(%arg27 : memref<!tpu.dma_semaphore, #tpu.memory_space<semaphore_mem>>)
    %dma_start3A_121 = arith.constant 0 : i32
    %dma_start3A_122 = arith.constant 0 : i32
    %dma_start3A_123 = tpu.memref_slice %arg3[%dma_start3A_121, %dma_start3A_122] : memref<20480x16xf32, #tpu.memory_space<hbm>> -> memref<20480x16xf32, #tpu.memory_space<hbm>>
    tpu.enqueue_indirect_dma source(%dma_start3A_123 : memref<20480x16xf32, #tpu.memory_space<hbm>>) target(%arg17 : memref<80x16xf32, #tpu.memory_space<vmem>>) offsets(%arg15 : memref<80xi32, #tpu.memory_space<vmem>>) semaphore(%arg27 : memref<!tpu.dma_semaphore, #tpu.memory_space<semaphore_mem>>)
    %dma_start3A_124 = arith.constant 0 : i32
    %dma_start3A_125 = arith.constant 0 : i32
    %dma_start3A_126 = tpu.memref_slice %arg3[%dma_start3A_124, %dma_start3A_125] : memref<20480x16xf32, #tpu.memory_space<hbm>> -> memref<20480x16xf32, #tpu.memory_space<hbm>>
    tpu.enqueue_indirect_dma source(%dma_start3A_126 : memref<20480x16xf32, #tpu.memory_space<hbm>>) target(%arg18 : memref<80x16xf32, #tpu.memory_space<vmem>>) offsets(%arg14 : memref<80xi32, #tpu.memory_space<vmem>>) semaphore(%arg27 : memref<!tpu.dma_semaphore, #tpu.memory_space<semaphore_mem>>)
    %scan3A = arith.constant 0 : i32
    %scan3A_127 = arith.constant 0 : i32
    %scan3A_128 = arith.constant 125 : i32
    %scan3A_129 = arith.addi %scan3A_127, %scan3A_128 : i32
    %scan3A_130 = arith.constant 1 : i32
    scf.for %scan3A_147 = %scan3A_127 to %scan3A_129 step %scan3A_130  : i32 {
      %mul3A_148 = arith.constant 2 : i32
      %mul3A_149 = arith.muli %mul3A_148, %scan3A_147 : i32
      %add3A_150 = arith.constant 0 : i32
      %add3A_151 = arith.addi %mul3A_149, %add3A_150 : i32
      %add3A_152 = arith.constant 1 : i32
      %add3A_153 = arith.addi %add3A_151, %add3A_152 : i32
      %mul3A_154 = arith.constant 80 : i32
      %mul3A_155 = arith.muli %add3A_153, %mul3A_154 : i32
      %add3A_156 = arith.addi %mul3A_13, %mul3A_155 : i32
      %dma_wait3A_157 = tpu.memref_slice %arg4[%add3A_156] : memref<320000xi32, #tpu.memory_space<hbm>> -> memref<80xi32, #tpu.memory_space<hbm>>
      %dma_wait3A_158 = tpu.memref_slice %arg4[%add3A_156] : memref<320000xi32, #tpu.memory_space<hbm>> -> memref<80xi32, #tpu.memory_space<hbm>>
      tpu.wait_dma2 semaphore(%arg30 : memref<!tpu.dma_semaphore, #tpu.memory_space<semaphore_mem>>) src(%dma_wait3A_158 : memref<80xi32, #tpu.memory_space<hbm>>) dst(%arg19 : memref<80xi32, #tpu.memory_space<vmem>>)
      %dma_wait3A_159 = tpu.memref_slice %arg5[%add3A_156] : memref<320000xi32, #tpu.memory_space<hbm>> -> memref<80xi32, #tpu.memory_space<hbm>>
      %dma_wait3A_160 = tpu.memref_slice %arg5[%add3A_156] : memref<320000xi32, #tpu.memory_space<hbm>> -> memref<80xi32, #tpu.memory_space<hbm>>
      tpu.wait_dma2 semaphore(%arg30 : memref<!tpu.dma_semaphore, #tpu.memory_space<semaphore_mem>>) src(%dma_wait3A_160 : memref<80xi32, #tpu.memory_space<hbm>>) dst(%arg20 : memref<80xi32, #tpu.memory_space<vmem>>)
      %get3A_161 = arith.constant 0 : index
      %get3A_162 = tpu.vector_load %arg19[%get3A_161] {strides = array<i32>} : memref<80xi32, #tpu.memory_space<vmem>>, vector<16xi32>,
      %get3A_163 = vector.shape_cast %get3A_162 : vector<16xi32> to vector<16xi32>
      %add3A_164 = vector.broadcast %mul3A_4 : i32 to vector<16xi32>
      %add3A_165 = arith.addi %get3A_163, %add3A_164 : vector<16xi32>
      %swap3A_166 = arith.constant 0 : index
      %swap3A_167 = tpu.vector_load %arg21[%swap3A_166] {strides = array<i32>} : memref<80xi32, #tpu.memory_space<vmem>>, vector<16xi32>,
      %swap3A_168 = vector.shape_cast %swap3A_167 : vector<16xi32> to vector<16xi32>
      %swap3A_169 = vector.shape_cast %add3A_165 : vector<16xi32> to vector<16xi32>
      tpu.vector_store %arg21[%swap3A_166], %swap3A_169 {strides = array<i32>} : memref<80xi32, #tpu.memory_space<vmem>>, vector<16xi32>,
      %get3A_170 = arith.constant 0 : index
      %get3A_171 = tpu.vector_load %arg20[%get3A_170] {strides = array<i32>} : memref<80xi32, #tpu.memory_space<vmem>>, vector<16xi32>,
      %get3A_172 = vector.shape_cast %get3A_171 : vector<16xi32> to vector<16xi32>
      %add3A_173 = vector.broadcast %mul3A_4 : i32 to vector<16xi32>
      %add3A_174 = arith.addi %get3A_172, %add3A_173 : vector<16xi32>
      %swap3A_175 = arith.constant 0 : index
      %swap3A_176 = tpu.vector_load %arg20[%swap3A_175] {strides = array<i32>} : memref<80xi32, #tpu.memory_space<vmem>>, vector<16xi32>,
      %swap3A_177 = vector.shape_cast %swap3A_176 : vector<16xi32> to vector<16xi32>
      %swap3A_178 = vector.shape_cast %add3A_174 : vector<16xi32> to vector<16xi32>
      tpu.vector_store %arg20[%swap3A_175], %swap3A_178 {strides = array<i32>} : memref<80xi32, #tpu.memory_space<vmem>>, vector<16xi32>,
      %get3A_179 = arith.constant 16 : index
      %get3A_180 = tpu.vector_load %arg19[%get3A_179] {strides = array<i32>} : memref<80xi32, #tpu.memory_space<vmem>>, vector<16xi32>,
      %get3A_181 = vector.shape_cast %get3A_180 : vector<16xi32> to vector<16xi32>
      %add3A_182 = vector.broadcast %mul3A_4 : i32 to vector<16xi32>
      %add3A_183 = arith.addi %get3A_181, %add3A_182 : vector<16xi32>
      %swap3A_184 = arith.constant 16 : index
      %swap3A_185 = tpu.vector_load %arg21[%swap3A_184] {strides = array<i32>} : memref<80xi32, #tpu.memory_space<vmem>>, vector<16xi32>,
      %swap3A_186 = vector.shape_cast %swap3A_185 : vector<16xi32> to vector<16xi32>
      %swap3A_187 = vector.shape_cast %add3A_183 : vector<16xi32> to vector<16xi32>
      tpu.vector_store %arg21[%swap3A_184], %swap3A_187 {strides = array<i32>} : memref<80xi32, #tpu.memory_space<vmem>>, vector<16xi32>,
      %get3A_188 = arith.constant 16 : index
      %get3A_189 = tpu.vector_load %arg20[%get3A_188] {strides = array<i32>} : memref<80xi32, #tpu.memory_space<vmem>>, vector<16xi32>,
      %get3A_190 = vector.shape_cast %get3A_189 : vector<16xi32> to vector<16xi32>
      %add3A_191 = vector.broadcast %mul3A_4 : i32 to vector<16xi32>
      %add3A_192 = arith.addi %get3A_190, %add3A_191 : vector<16xi32>
      %swap3A_193 = arith.constant 16 : index
      %swap3A_194 = tpu.vector_load %arg20[%swap3A_193] {strides = array<i32>} : memref<80xi32, #tpu.memory_space<vmem>>, vector<16xi32>,
      %swap3A_195 = vector.shape_cast %swap3A_194 : vector<16xi32> to vector<16xi32>
      %swap3A_196 = vector.shape_cast %add3A_192 : vector<16xi32> to vector<16xi32>
      tpu.vector_store %arg20[%swap3A_193], %swap3A_196 {strides = array<i32>} : memref<80xi32, #tpu.memory_space<vmem>>, vector<16xi32>,
      %get3A_197 = arith.constant 32 : index
      %get3A_198 = tpu.vector_load %arg19[%get3A_197] {strides = array<i32>} : memref<80xi32, #tpu.memory_space<vmem>>, vector<16xi32>,
      %get3A_199 = vector.shape_cast %get3A_198 : vector<16xi32> to vector<16xi32>
      %add3A_200 = vector.broadcast %mul3A_4 : i32 to vector<16xi32>
      %add3A_201 = arith.addi %get3A_199, %add3A_200 : vector<16xi32>
      %swap3A_202 = arith.constant 32 : index
      %swap3A_203 = tpu.vector_load %arg21[%swap3A_202] {strides = array<i32>} : memref<80xi32, #tpu.memory_space<vmem>>, vector<16xi32>,
      %swap3A_204 = vector.shape_cast %swap3A_203 : vector<16xi32> to vector<16xi32>
      %swap3A_205 = vector.shape_cast %add3A_201 : vector<16xi32> to vector<16xi32>
      tpu.vector_store %arg21[%swap3A_202], %swap3A_205 {strides = array<i32>} : memref<80xi32, #tpu.memory_space<vmem>>, vector<16xi32>,
      %get3A_206 = arith.constant 32 : index
      %get3A_207 = tpu.vector_load %arg20[%get3A_206] {strides = array<i32>} : memref<80xi32, #tpu.memory_space<vmem>>, vector<16xi32>,
      %get3A_208 = vector.shape_cast %get3A_207 : vector<16xi32> to vector<16xi32>
      %add3A_209 = vector.broadcast %mul3A_4 : i32 to vector<16xi32>
      %add3A_210 = arith.addi %get3A_208, %add3A_209 : vector<16xi32>
      %swap3A_211 = arith.constant 32 : index
      %swap3A_212 = tpu.vector_load %arg20[%swap3A_211] {strides = array<i32>} : memref<80xi32, #tpu.memory_space<vmem>>, vector<16xi32>,
      %swap3A_213 = vector.shape_cast %swap3A_212 : vector<16xi32> to vector<16xi32>
      %swap3A_214 = vector.shape_cast %add3A_210 : vector<16xi32> to vector<16xi32>
      tpu.vector_store %arg20[%swap3A_211], %swap3A_214 {strides = array<i32>} : memref<80xi32, #tpu.memory_space<vmem>>, vector<16xi32>,
      %get3A_215 = arith.constant 48 : index
      %get3A_216 = tpu.vector_load %arg19[%get3A_215] {strides = array<i32>} : memref<80xi32, #tpu.memory_space<vmem>>, vector<16xi32>,
      %get3A_217 = vector.shape_cast %get3A_216 : vector<16xi32> to vector<16xi32>
      %add3A_218 = vector.broadcast %mul3A_4 : i32 to vector<16xi32>
      %add3A_219 = arith.addi %get3A_217, %add3A_218 : vector<16xi32>
      %swap3A_220 = arith.constant 48 : index
      %swap3A_221 = tpu.vector_load %arg21[%swap3A_220] {strides = array<i32>} : memref<80xi32, #tpu.memory_space<vmem>>, vector<16xi32>,
      %swap3A_222 = vector.shape_cast %swap3A_221 : vector<16xi32> to vector<16xi32>
      %swap3A_223 = vector.shape_cast %add3A_219 : vector<16xi32> to vector<16xi32>
      tpu.vector_store %arg21[%swap3A_220], %swap3A_223 {strides = array<i32>} : memref<80xi32, #tpu.memory_space<vmem>>, vector<16xi32>,
      %get3A_224 = arith.constant 48 : index
      %get3A_225 = tpu.vector_load %arg20[%get3A_224] {strides = array<i32>} : memref<80xi32, #tpu.memory_space<vmem>>, vector<16xi32>,
      %get3A_226 = vector.shape_cast %get3A_225 : vector<16xi32> to vector<16xi32>
      %add3A_227 = vector.broadcast %mul3A_4 : i32 to vector<16xi32>
      %add3A_228 = arith.addi %get3A_226, %add3A_227 : vector<16xi32>
      %swap3A_229 = arith.constant 48 : index
      %swap3A_230 = tpu.vector_load %arg20[%swap3A_229] {strides = array<i32>} : memref<80xi32, #tpu.memory_space<vmem>>, vector<16xi32>,
      %swap3A_231 = vector.shape_cast %swap3A_230 : vector<16xi32> to vector<16xi32>
      %swap3A_232 = vector.shape_cast %add3A_228 : vector<16xi32> to vector<16xi32>
      tpu.vector_store %arg20[%swap3A_229], %swap3A_232 {strides = array<i32>} : memref<80xi32, #tpu.memory_space<vmem>>, vector<16xi32>,
      %get3A_233 = arith.constant 64 : index
      %get3A_234 = tpu.vector_load %arg19[%get3A_233] {strides = array<i32>} : memref<80xi32, #tpu.memory_space<vmem>>, vector<16xi32>,
      %get3A_235 = vector.shape_cast %get3A_234 : vector<16xi32> to vector<16xi32>
      %add3A_236 = vector.broadcast %mul3A_4 : i32 to vector<16xi32>
      %add3A_237 = arith.addi %get3A_235, %add3A_236 : vector<16xi32>
      %swap3A_238 = arith.constant 64 : index
      %swap3A_239 = tpu.vector_load %arg21[%swap3A_238] {strides = array<i32>} : memref<80xi32, #tpu.memory_space<vmem>>, vector<16xi32>,
      %swap3A_240 = vector.shape_cast %swap3A_239 : vector<16xi32> to vector<16xi32>
      %swap3A_241 = vector.shape_cast %add3A_237 : vector<16xi32> to vector<16xi32>
      tpu.vector_store %arg21[%swap3A_238], %swap3A_241 {strides = array<i32>} : memref<80xi32, #tpu.memory_space<vmem>>, vector<16xi32>,
      %get3A_242 = arith.constant 64 : index
      %get3A_243 = tpu.vector_load %arg20[%get3A_242] {strides = array<i32>} : memref<80xi32, #tpu.memory_space<vmem>>, vector<16xi32>,
      %get3A_244 = vector.shape_cast %get3A_243 : vector<16xi32> to vector<16xi32>
      %add3A_245 = vector.broadcast %mul3A_4 : i32 to vector<16xi32>
      %add3A_246 = arith.addi %get3A_244, %add3A_245 : vector<16xi32>
      %swap3A_247 = arith.constant 64 : index
      %swap3A_248 = tpu.vector_load %arg20[%swap3A_247] {strides = array<i32>} : memref<80xi32, #tpu.memory_space<vmem>>, vector<16xi32>,
      %swap3A_249 = vector.shape_cast %swap3A_248 : vector<16xi32> to vector<16xi32>
      %swap3A_250 = vector.shape_cast %add3A_246 : vector<16xi32> to vector<16xi32>
      tpu.vector_store %arg20[%swap3A_247], %swap3A_250 {strides = array<i32>} : memref<80xi32, #tpu.memory_space<vmem>>, vector<16xi32>,
      %dma_start3A_251 = arith.constant 0 : i32
      %dma_start3A_252 = arith.constant 0 : i32
      %dma_start3A_253 = tpu.memref_slice %arg2[%dma_start3A_251, %dma_start3A_252] : memref<20480x128xf32, #tpu.memory_space<hbm>> -> memref<20480x128xf32, #tpu.memory_space<hbm>>
      tpu.enqueue_indirect_dma source(%dma_start3A_253 : memref<20480x128xf32, #tpu.memory_space<hbm>>) target(%arg22 : memref<80x128xf32, #tpu.memory_space<vmem>>) offsets(%arg20 : memref<80xi32, #tpu.memory_space<vmem>>) semaphore(%arg28 : memref<!tpu.dma_semaphore, #tpu.memory_space<semaphore_mem>>)
      %dma_start3A_254 = arith.constant 0 : i32
      %dma_start3A_255 = arith.constant 0 : i32
      %dma_start3A_256 = tpu.memref_slice %arg3[%dma_start3A_254, %dma_start3A_255] : memref<20480x16xf32, #tpu.memory_space<hbm>> -> memref<20480x16xf32, #tpu.memory_space<hbm>>
      tpu.enqueue_indirect_dma source(%dma_start3A_256 : memref<20480x16xf32, #tpu.memory_space<hbm>>) target(%arg23 : memref<80x16xf32, #tpu.memory_space<vmem>>) offsets(%arg21 : memref<80xi32, #tpu.memory_space<vmem>>) semaphore(%arg28 : memref<!tpu.dma_semaphore, #tpu.memory_space<semaphore_mem>>)
      %dma_start3A_257 = arith.constant 0 : i32
      %dma_start3A_258 = arith.constant 0 : i32
      %dma_start3A_259 = tpu.memref_slice %arg3[%dma_start3A_257, %dma_start3A_258] : memref<20480x16xf32, #tpu.memory_space<hbm>> -> memref<20480x16xf32, #tpu.memory_space<hbm>>
      tpu.enqueue_indirect_dma source(%dma_start3A_259 : memref<20480x16xf32, #tpu.memory_space<hbm>>) target(%arg24 : memref<80x16xf32, #tpu.memory_space<vmem>>) offsets(%arg20 : memref<80xi32, #tpu.memory_space<vmem>>) semaphore(%arg28 : memref<!tpu.dma_semaphore, #tpu.memory_space<semaphore_mem>>)
      %dma_wait3A_260 = arith.constant 0 : i32
      %dma_wait3A_261 = arith.constant 0 : i32
      %dma_wait3A_262 = tpu.memref_slice %arg2[%dma_wait3A_260, %dma_wait3A_261] : memref<20480x128xf32, #tpu.memory_space<hbm>> -> memref<20480x128xf32, #tpu.memory_space<hbm>>
      tpu.wait_indirect_dma semaphore(%arg27 : memref<!tpu.dma_semaphore, #tpu.memory_space<semaphore_mem>>) src(%dma_wait3A_262 : memref<20480x128xf32, #tpu.memory_space<hbm>>) dst(%arg16 : memref<80x128xf32, #tpu.memory_space<vmem>>)
      %dma_wait3A_263 = arith.constant 0 : i32
      %dma_wait3A_264 = arith.constant 0 : i32
      %dma_wait3A_265 = tpu.memref_slice %arg3[%dma_wait3A_263, %dma_wait3A_264] : memref<20480x16xf32, #tpu.memory_space<hbm>> -> memref<20480x16xf32, #tpu.memory_space<hbm>>
      tpu.wait_indirect_dma semaphore(%arg27 : memref<!tpu.dma_semaphore, #tpu.memory_space<semaphore_mem>>) src(%dma_wait3A_265 : memref<20480x16xf32, #tpu.memory_space<hbm>>) dst(%arg17 : memref<80x16xf32, #tpu.memory_space<vmem>>)
      %dma_wait3A_266 = arith.constant 0 : i32
      %dma_wait3A_267 = arith.constant 0 : i32
      %dma_wait3A_268 = tpu.memref_slice %arg3[%dma_wait3A_266, %dma_wait3A_267] : memref<20480x16xf32, #tpu.memory_space<hbm>> -> memref<20480x16xf32, #tpu.memory_space<hbm>>
      tpu.wait_indirect_dma semaphore(%arg27 : memref<!tpu.dma_semaphore, #tpu.memory_space<semaphore_mem>>) src(%dma_wait3A_268 : memref<20480x16xf32, #tpu.memory_space<hbm>>) dst(%arg18 : memref<80x16xf32, #tpu.memory_space<vmem>>)
      %get3A_269 = arith.constant 0 : index
      %get3A_270 = tpu.vector_load %arg13[%get3A_269] {strides = array<i32>} : memref<80xi32, #tpu.memory_space<vmem>>, vector<16xi32>,
      %get3A_271 = vector.shape_cast %get3A_270 : vector<16xi32> to vector<16xi32>
      %swap3A_272 = arith.constant 0 : index
      %swap3A_273 = tpu.vector_load %arg10[%swap3A_272] {strides = array<i32>} : memref<80xi32, #tpu.memory_space<vmem>>, vector<16xi32>,
      %swap3A_274 = vector.shape_cast %swap3A_273 : vector<16xi32> to vector<16xi32>
      %swap3A_275 = vector.shape_cast %get3A_271 : vector<16xi32> to vector<16xi32>
      tpu.vector_store %arg10[%swap3A_272], %swap3A_275 {strides = array<i32>} : memref<80xi32, #tpu.memory_space<vmem>>, vector<16xi32>,
      %get3A_276 = arith.constant 16 : index
      %get3A_277 = tpu.vector_load %arg13[%get3A_276] {strides = array<i32>} : memref<80xi32, #tpu.memory_space<vmem>>, vector<16xi32>,
      %get3A_278 = vector.shape_cast %get3A_277 : vector<16xi32> to vector<16xi32>
      %swap3A_279 = arith.constant 16 : index
      %swap3A_280 = tpu.vector_load %arg10[%swap3A_279] {strides = array<i32>} : memref<80xi32, #tpu.memory_space<vmem>>, vector<16xi32>,
      %swap3A_281 = vector.shape_cast %swap3A_280 : vector<16xi32> to vector<16xi32>
      %swap3A_282 = vector.shape_cast %get3A_278 : vector<16xi32> to vector<16xi32>
      tpu.vector_store %arg10[%swap3A_279], %swap3A_282 {strides = array<i32>} : memref<80xi32, #tpu.memory_space<vmem>>, vector<16xi32>,
      %get3A_283 = arith.constant 32 : index
      %get3A_284 = tpu.vector_load %arg13[%get3A_283] {strides = array<i32>} : memref<80xi32, #tpu.memory_space<vmem>>, vector<16xi32>,
      %get3A_285 = vector.shape_cast %get3A_284 : vector<16xi32> to vector<16xi32>
      %swap3A_286 = arith.constant 32 : index
      %swap3A_287 = tpu.vector_load %arg10[%swap3A_286] {strides = array<i32>} : memref<80xi32, #tpu.memory_space<vmem>>, vector<16xi32>,
      %swap3A_288 = vector.shape_cast %swap3A_287 : vector<16xi32> to vector<16xi32>
      %swap3A_289 = vector.shape_cast %get3A_285 : vector<16xi32> to vector<16xi32>
      tpu.vector_store %arg10[%swap3A_286], %swap3A_289 {strides = array<i32>} : memref<80xi32, #tpu.memory_space<vmem>>, vector<16xi32>,
      %get3A_290 = arith.constant 48 : index
      %get3A_291 = tpu.vector_load %arg13[%get3A_290] {strides = array<i32>} : memref<80xi32, #tpu.memory_space<vmem>>, vector<16xi32>,
      %get3A_292 = vector.shape_cast %get3A_291 : vector<16xi32> to vector<16xi32>
      %swap3A_293 = arith.constant 48 : index
      %swap3A_294 = tpu.vector_load %arg10[%swap3A_293] {strides = array<i32>} : memref<80xi32, #tpu.memory_space<vmem>>, vector<16xi32>,
      %swap3A_295 = vector.shape_cast %swap3A_294 : vector<16xi32> to vector<16xi32>
      %swap3A_296 = vector.shape_cast %get3A_292 : vector<16xi32> to vector<16xi32>
      tpu.vector_store %arg10[%swap3A_293], %swap3A_296 {strides = array<i32>} : memref<80xi32, #tpu.memory_space<vmem>>, vector<16xi32>,
      %get3A_297 = arith.constant 64 : index
      %get3A_298 = tpu.vector_load %arg13[%get3A_297] {strides = array<i32>} : memref<80xi32, #tpu.memory_space<vmem>>, vector<16xi32>,
      %get3A_299 = vector.shape_cast %get3A_298 : vector<16xi32> to vector<16xi32>
      %swap3A_300 = arith.constant 64 : index
      %swap3A_301 = tpu.vector_load %arg10[%swap3A_300] {strides = array<i32>} : memref<80xi32, #tpu.memory_space<vmem>>, vector<16xi32>,
      %swap3A_302 = vector.shape_cast %swap3A_301 : vector<16xi32> to vector<16xi32>
      %swap3A_303 = vector.shape_cast %get3A_299 : vector<16xi32> to vector<16xi32>
      tpu.vector_store %arg10[%swap3A_300], %swap3A_303 {strides = array<i32>} : memref<80xi32, #tpu.memory_space<vmem>>, vector<16xi32>,
      %add3A_304 = arith.constant 2 : i32
      %add3A_305 = arith.addi %add3A_151, %add3A_304 : i32
      %lt3A = arith.constant 250 : i32
      %lt3A_306 = arith.cmpi slt, %add3A_305, %lt3A : i32
      %convert_element_type3A = arith.extui %lt3A_306 : i1 to i32
      %cond3A = arith.constant 0 : i32
      %cond3A_307 = arith.cmpi ne, %convert_element_type3A, %cond3A : i32
      scf.if %cond3A_307 {
        %add3A_373 = arith.constant 2 : i32
        %add3A_374 = arith.addi %add3A_151, %add3A_373 : i32
        %mul3A_375 = arith.constant 80 : i32
        %mul3A_376 = arith.muli %add3A_374, %mul3A_375 : i32
        %add3A_377 = arith.addi %mul3A_13, %mul3A_376 : i32
        %dma_start3A_378 = tpu.memref_slice %arg4[%add3A_377] : memref<320000xi32, #tpu.memory_space<hbm>> -> memref<80xi32, #tpu.memory_space<hbm>>
        %dma_start3A_379 = tpu.memref_slice %arg4[%add3A_377] : memref<320000xi32, #tpu.memory_space<hbm>> -> memref<80xi32, #tpu.memory_space<hbm>>
        tpu.enqueue_dma source(%dma_start3A_379 : memref<80xi32, #tpu.memory_space<hbm>>) target(%arg13 : memref<80xi32, #tpu.memory_space<vmem>>) target_semaphore(%arg29 : memref<!tpu.dma_semaphore, #tpu.memory_space<semaphore_mem>>)
        %dma_start3A_380 = tpu.memref_slice %arg5[%add3A_377] : memref<320000xi32, #tpu.memory_space<hbm>> -> memref<80xi32, #tpu.memory_space<hbm>>
        %dma_start3A_381 = tpu.memref_slice %arg5[%add3A_377] : memref<320000xi32, #tpu.memory_space<hbm>> -> memref<80xi32, #tpu.memory_space<hbm>>
        tpu.enqueue_dma source(%dma_start3A_381 : memref<80xi32, #tpu.memory_space<hbm>>) target(%arg14 : memref<80xi32, #tpu.memory_space<vmem>>) target_semaphore(%arg29 : memref<!tpu.dma_semaphore, #tpu.memory_space<semaphore_mem>>)
      } else {
      }
      %parallel_loop3A = arith.constant 0 : i32
      %parallel_loop3A_308 = arith.constant 80 : i32
      %parallel_loop3A_309 = arith.constant 1 : i32
      scf.for %parallel_loop3A_373 = %parallel_loop3A to %parallel_loop3A_308 step %parallel_loop3A_309  : i32 {
        %parallel_loop3A_374 = arith.index_cast %parallel_loop3A_373 : i32 to index
        %parallel_loop3A_375 = arith.constant 0 : index
        %parallel_loop3A_376 = tpu.vector_load %arg17[%parallel_loop3A_374, %parallel_loop3A_375] {strides = array<i32>} : memref<80x16xf32, #tpu.memory_space<vmem>>, vector<1x16xf32>,
        %parallel_loop3A_377 = vector.shape_cast %parallel_loop3A_376 : vector<1x16xf32> to vector<16xf32>
        %parallel_loop3A_378 = arith.index_cast %parallel_loop3A_373 : i32 to index
        %parallel_loop3A_379 = arith.constant 0 : index
        %parallel_loop3A_380 = tpu.vector_load %arg18[%parallel_loop3A_378, %parallel_loop3A_379] {strides = array<i32>} : memref<80x16xf32, #tpu.memory_space<vmem>>, vector<1x16xf32>,
        %parallel_loop3A_381 = vector.shape_cast %parallel_loop3A_380 : vector<1x16xf32> to vector<16xf32>
        %parallel_loop3A_382 = arith.constant 0 : i32
        %parallel_loop3A_383 = vector.broadcast %parallel_loop3A_382 : i32 to vector<16xi32>
        %parallel_loop3A_384 = arith.cmpi slt, %and3A_11, %parallel_loop3A_383 : vector<16xi32>
        %parallel_loop3A_385 = arith.constant 16 : i32
        %parallel_loop3A_386 = vector.broadcast %parallel_loop3A_385 : i32 to vector<16xi32>
        %parallel_loop3A_387 = arith.addi %and3A_11, %parallel_loop3A_386 : vector<16xi32>
        %parallel_loop3A_388 = arith.select %parallel_loop3A_384, %parallel_loop3A_387, %and3A_11 : vector<16xi1>, vector<16xi32>
        %parallel_loop3A_389 = vector.shape_cast %parallel_loop3A_388 : vector<16xi32> to vector<16x1xi32>
        %parallel_loop3A_390 = vector.shape_cast %parallel_loop3A_389 : vector<16x1xi32> to vector<16xi32>
        %parallel_loop3A_391 = tpu.dynamic_gather %parallel_loop3A_381[%parallel_loop3A_390] in [0] : vector<16xf32>, vector<16xi32> -> vector<16xf32>
        %parallel_loop3A_392 = arith.addf %parallel_loop3A_377, %parallel_loop3A_391 : vector<16xf32>
        %parallel_loop3A_393 = arith.constant 2.000000e-01 : f32
        %parallel_loop3A_394 = vector.broadcast %parallel_loop3A_393 : f32 to vector<16xf32>
        %parallel_loop3A_395 = arith.mulf %parallel_loop3A_394, %parallel_loop3A_392 : vector<16xf32>
        %parallel_loop3A_396 = arith.maximumf %parallel_loop3A_392, %parallel_loop3A_395 : vector<16xf32>
        %parallel_loop3A_397 = arith.constant 0.000000e+00 : f32
        %parallel_loop3A_398 = vector.broadcast %parallel_loop3A_397 : f32 to vector<16xf32>
        %parallel_loop3A_399 = arith.subf %parallel_loop3A_398, %parallel_loop3A_396 : vector<16xf32>
        %parallel_loop3A_400 = math.exp %parallel_loop3A_399 : vector<16xf32>
        %parallel_loop3A_401 = arith.constant 0 : i32
        %parallel_loop3A_402 = vector.broadcast %parallel_loop3A_401 : i32 to vector<16xi32>
        %parallel_loop3A_403 = arith.cmpi slt, %broadcast_in_dim3A_5, %parallel_loop3A_402 : vector<16xi32>
        %parallel_loop3A_404 = arith.constant 16 : i32
        %parallel_loop3A_405 = vector.broadcast %parallel_loop3A_404 : i32 to vector<16xi32>
        %parallel_loop3A_406 = arith.addi %broadcast_in_dim3A_5, %parallel_loop3A_405 : vector<16xi32>
        %parallel_loop3A_407 = arith.select %parallel_loop3A_403, %parallel_loop3A_406, %broadcast_in_dim3A_5 : vector<16xi1>, vector<16xi32>
        %parallel_loop3A_408 = vector.shape_cast %parallel_loop3A_407 : vector<16xi32> to vector<16x1xi32>
        %parallel_loop3A_409 = vector.shape_cast %parallel_loop3A_408 : vector<16x1xi32> to vector<16xi32>
        %parallel_loop3A_410 = tpu.dynamic_gather %parallel_loop3A_400[%parallel_loop3A_409] in [0] : vector<16xf32>, vector<16xi32> -> vector<16xf32>
        %parallel_loop3A_411 = arith.constant 0 : i32
        %parallel_loop3A_412 = vector.broadcast %parallel_loop3A_411 : i32 to vector<16xi32>
        %parallel_loop3A_413 = arith.cmpi slt, %broadcast_in_dim3A_7, %parallel_loop3A_412 : vector<16xi32>
        %parallel_loop3A_414 = arith.constant 16 : i32
        %parallel_loop3A_415 = vector.broadcast %parallel_loop3A_414 : i32 to vector<16xi32>
        %parallel_loop3A_416 = arith.addi %broadcast_in_dim3A_7, %parallel_loop3A_415 : vector<16xi32>
        %parallel_loop3A_417 = arith.select %parallel_loop3A_413, %parallel_loop3A_416, %broadcast_in_dim3A_7 : vector<16xi1>, vector<16xi32>
        %parallel_loop3A_418 = vector.shape_cast %parallel_loop3A_417 : vector<16xi32> to vector<16x1xi32>
        %parallel_loop3A_419 = vector.shape_cast %parallel_loop3A_418 : vector<16x1xi32> to vector<16xi32>
        %parallel_loop3A_420 = tpu.dynamic_gather %parallel_loop3A_400[%parallel_loop3A_419] in [0] : vector<16xf32>, vector<16xi32> -> vector<16xf32>
        %parallel_loop3A_421 = arith.index_cast %parallel_loop3A_373 : i32 to index
        %parallel_loop3A_422 = arith.constant 0 : index
        %parallel_loop3A_423 = tpu.vector_load %arg16[%parallel_loop3A_421, %parallel_loop3A_422] {strides = array<i32>} : memref<80x128xf32, #tpu.memory_space<vmem>>, vector<1x16xf32>,
        %parallel_loop3A_424 = vector.shape_cast %parallel_loop3A_423 : vector<1x16xf32> to vector<16xf32>
        %parallel_loop3A_425 = arith.mulf %parallel_loop3A_424, %parallel_loop3A_410 : vector<16xf32>
        %parallel_loop3A_426 = arith.index_cast %parallel_loop3A_373 : i32 to index
        %parallel_loop3A_427 = arith.constant 0 : index
        %parallel_loop3A_428 = tpu.vector_load %arg11[%parallel_loop3A_426, %parallel_loop3A_427] {strides = array<i32>} : memref<80x128xf32, #tpu.memory_space<vmem>>, vector<1x16xf32>,
        %parallel_loop3A_429 = vector.shape_cast %parallel_loop3A_428 : vector<1x16xf32> to vector<16xf32>
        %parallel_loop3A_430 = vector.shape_cast %parallel_loop3A_425 : vector<16xf32> to vector<1x16xf32>
        tpu.vector_store %arg11[%parallel_loop3A_426, %parallel_loop3A_427], %parallel_loop3A_430 {strides = array<i32>} : memref<80x128xf32, #tpu.memory_space<vmem>>, vector<1x16xf32>,
        %parallel_loop3A_431 = arith.index_cast %parallel_loop3A_373 : i32 to index
        %parallel_loop3A_432 = arith.constant 16 : index
        %parallel_loop3A_433 = tpu.vector_load %arg16[%parallel_loop3A_431, %parallel_loop3A_432] {strides = array<i32>} : memref<80x128xf32, #tpu.memory_space<vmem>>, vector<1x16xf32>,
        %parallel_loop3A_434 = vector.shape_cast %parallel_loop3A_433 : vector<1x16xf32> to vector<16xf32>
        %parallel_loop3A_435 = arith.mulf %parallel_loop3A_434, %parallel_loop3A_410 : vector<16xf32>
        %parallel_loop3A_436 = arith.index_cast %parallel_loop3A_373 : i32 to index
        %parallel_loop3A_437 = arith.constant 16 : index
        %parallel_loop3A_438 = tpu.vector_load %arg11[%parallel_loop3A_436, %parallel_loop3A_437] {strides = array<i32>} : memref<80x128xf32, #tpu.memory_space<vmem>>, vector<1x16xf32>,
        %parallel_loop3A_439 = vector.shape_cast %parallel_loop3A_438 : vector<1x16xf32> to vector<16xf32>
        %parallel_loop3A_440 = vector.shape_cast %parallel_loop3A_435 : vector<16xf32> to vector<1x16xf32>
        tpu.vector_store %arg11[%parallel_loop3A_436, %parallel_loop3A_437], %parallel_loop3A_440 {strides = array<i32>} : memref<80x128xf32, #tpu.memory_space<vmem>>, vector<1x16xf32>,
        %parallel_loop3A_441 = arith.index_cast %parallel_loop3A_373 : i32 to index
        %parallel_loop3A_442 = arith.constant 32 : index
        %parallel_loop3A_443 = tpu.vector_load %arg16[%parallel_loop3A_441, %parallel_loop3A_442] {strides = array<i32>} : memref<80x128xf32, #tpu.memory_space<vmem>>, vector<1x16xf32>,
        %parallel_loop3A_444 = vector.shape_cast %parallel_loop3A_443 : vector<1x16xf32> to vector<16xf32>
        %parallel_loop3A_445 = arith.mulf %parallel_loop3A_444, %parallel_loop3A_410 : vector<16xf32>
        %parallel_loop3A_446 = arith.index_cast %parallel_loop3A_373 : i32 to index
        %parallel_loop3A_447 = arith.constant 32 : index
        %parallel_loop3A_448 = tpu.vector_load %arg11[%parallel_loop3A_446, %parallel_loop3A_447] {strides = array<i32>} : memref<80x128xf32, #tpu.memory_space<vmem>>, vector<1x16xf32>,
        %parallel_loop3A_449 = vector.shape_cast %parallel_loop3A_448 : vector<1x16xf32> to vector<16xf32>
        %parallel_loop3A_450 = vector.shape_cast %parallel_loop3A_445 : vector<16xf32> to vector<1x16xf32>
        tpu.vector_store %arg11[%parallel_loop3A_446, %parallel_loop3A_447], %parallel_loop3A_450 {strides = array<i32>} : memref<80x128xf32, #tpu.memory_space<vmem>>, vector<1x16xf32>,
        %parallel_loop3A_451 = arith.index_cast %parallel_loop3A_373 : i32 to index
        %parallel_loop3A_452 = arith.constant 48 : index
        %parallel_loop3A_453 = tpu.vector_load %arg16[%parallel_loop3A_451, %parallel_loop3A_452] {strides = array<i32>} : memref<80x128xf32, #tpu.memory_space<vmem>>, vector<1x16xf32>,
        %parallel_loop3A_454 = vector.shape_cast %parallel_loop3A_453 : vector<1x16xf32> to vector<16xf32>
        %parallel_loop3A_455 = arith.mulf %parallel_loop3A_454, %parallel_loop3A_410 : vector<16xf32>
        %parallel_loop3A_456 = arith.index_cast %parallel_loop3A_373 : i32 to index
        %parallel_loop3A_457 = arith.constant 48 : index
        %parallel_loop3A_458 = tpu.vector_load %arg11[%parallel_loop3A_456, %parallel_loop3A_457] {strides = array<i32>} : memref<80x128xf32, #tpu.memory_space<vmem>>, vector<1x16xf32>,
        %parallel_loop3A_459 = vector.shape_cast %parallel_loop3A_458 : vector<1x16xf32> to vector<16xf32>
        %parallel_loop3A_460 = vector.shape_cast %parallel_loop3A_455 : vector<16xf32> to vector<1x16xf32>
        tpu.vector_store %arg11[%parallel_loop3A_456, %parallel_loop3A_457], %parallel_loop3A_460 {strides = array<i32>} : memref<80x128xf32, #tpu.memory_space<vmem>>, vector<1x16xf32>,
        %parallel_loop3A_461 = arith.index_cast %parallel_loop3A_373 : i32 to index
        %parallel_loop3A_462 = arith.constant 64 : index
        %parallel_loop3A_463 = tpu.vector_load %arg16[%parallel_loop3A_461, %parallel_loop3A_462] {strides = array<i32>} : memref<80x128xf32, #tpu.memory_space<vmem>>, vector<1x16xf32>,
        %parallel_loop3A_464 = vector.shape_cast %parallel_loop3A_463 : vector<1x16xf32> to vector<16xf32>
        %parallel_loop3A_465 = arith.mulf %parallel_loop3A_464, %parallel_loop3A_420 : vector<16xf32>
        %parallel_loop3A_466 = arith.index_cast %parallel_loop3A_373 : i32 to index
        %parallel_loop3A_467 = arith.constant 64 : index
        %parallel_loop3A_468 = tpu.vector_load %arg11[%parallel_loop3A_466, %parallel_loop3A_467] {strides = array<i32>} : memref<80x128xf32, #tpu.memory_space<vmem>>, vector<1x16xf32>,
        %parallel_loop3A_469 = vector.shape_cast %parallel_loop3A_468 : vector<1x16xf32> to vector<16xf32>
        %parallel_loop3A_470 = vector.shape_cast %parallel_loop3A_465 : vector<16xf32> to vector<1x16xf32>
        tpu.vector_store %arg11[%parallel_loop3A_466, %parallel_loop3A_467], %parallel_loop3A_470 {strides = array<i32>} : memref<80x128xf32, #tpu.memory_space<vmem>>, vector<1x16xf32>,
        %parallel_loop3A_471 = arith.index_cast %parallel_loop3A_373 : i32 to index
        %parallel_loop3A_472 = arith.constant 80 : index
        %parallel_loop3A_473 = tpu.vector_load %arg16[%parallel_loop3A_471, %parallel_loop3A_472] {strides = array<i32>} : memref<80x128xf32, #tpu.memory_space<vmem>>, vector<1x16xf32>,
        %parallel_loop3A_474 = vector.shape_cast %parallel_loop3A_473 : vector<1x16xf32> to vector<16xf32>
        %parallel_loop3A_475 = arith.mulf %parallel_loop3A_474, %parallel_loop3A_420 : vector<16xf32>
        %parallel_loop3A_476 = arith.index_cast %parallel_loop3A_373 : i32 to index
        %parallel_loop3A_477 = arith.constant 80 : index
        %parallel_loop3A_478 = tpu.vector_load %arg11[%parallel_loop3A_476, %parallel_loop3A_477] {strides = array<i32>} : memref<80x128xf32, #tpu.memory_space<vmem>>, vector<1x16xf32>,
        %parallel_loop3A_479 = vector.shape_cast %parallel_loop3A_478 : vector<1x16xf32> to vector<16xf32>
        %parallel_loop3A_480 = vector.shape_cast %parallel_loop3A_475 : vector<16xf32> to vector<1x16xf32>
        tpu.vector_store %arg11[%parallel_loop3A_476, %parallel_loop3A_477], %parallel_loop3A_480 {strides = array<i32>} : memref<80x128xf32, #tpu.memory_space<vmem>>, vector<1x16xf32>,
        %parallel_loop3A_481 = arith.index_cast %parallel_loop3A_373 : i32 to index
        %parallel_loop3A_482 = arith.constant 96 : index
        %parallel_loop3A_483 = tpu.vector_load %arg16[%parallel_loop3A_481, %parallel_loop3A_482] {strides = array<i32>} : memref<80x128xf32, #tpu.memory_space<vmem>>, vector<1x16xf32>,
        %parallel_loop3A_484 = vector.shape_cast %parallel_loop3A_483 : vector<1x16xf32> to vector<16xf32>
        %parallel_loop3A_485 = arith.mulf %parallel_loop3A_484, %parallel_loop3A_420 : vector<16xf32>
        %parallel_loop3A_486 = arith.index_cast %parallel_loop3A_373 : i32 to index
        %parallel_loop3A_487 = arith.constant 96 : index
        %parallel_loop3A_488 = tpu.vector_load %arg11[%parallel_loop3A_486, %parallel_loop3A_487] {strides = array<i32>} : memref<80x128xf32, #tpu.memory_space<vmem>>, vector<1x16xf32>,
        %parallel_loop3A_489 = vector.shape_cast %parallel_loop3A_488 : vector<1x16xf32> to vector<16xf32>
        %parallel_loop3A_490 = vector.shape_cast %parallel_loop3A_485 : vector<16xf32> to vector<1x16xf32>
        tpu.vector_store %arg11[%parallel_loop3A_486, %parallel_loop3A_487], %parallel_loop3A_490 {strides = array<i32>} : memref<80x128xf32, #tpu.memory_space<vmem>>, vector<1x16xf32>,
        %parallel_loop3A_491 = arith.index_cast %parallel_loop3A_373 : i32 to index
        %parallel_loop3A_492 = arith.constant 112 : index
        %parallel_loop3A_493 = tpu.vector_load %arg16[%parallel_loop3A_491, %parallel_loop3A_492] {strides = array<i32>} : memref<80x128xf32, #tpu.memory_space<vmem>>, vector<1x16xf32>,
        %parallel_loop3A_494 = vector.shape_cast %parallel_loop3A_493 : vector<1x16xf32> to vector<16xf32>
        %parallel_loop3A_495 = arith.mulf %parallel_loop3A_494, %parallel_loop3A_420 : vector<16xf32>
        %parallel_loop3A_496 = arith.index_cast %parallel_loop3A_373 : i32 to index
        %parallel_loop3A_497 = arith.constant 112 : index
        %parallel_loop3A_498 = tpu.vector_load %arg11[%parallel_loop3A_496, %parallel_loop3A_497] {strides = array<i32>} : memref<80x128xf32, #tpu.memory_space<vmem>>, vector<1x16xf32>,
        %parallel_loop3A_499 = vector.shape_cast %parallel_loop3A_498 : vector<1x16xf32> to vector<16xf32>
        %parallel_loop3A_500 = vector.shape_cast %parallel_loop3A_495 : vector<16xf32> to vector<1x16xf32>
        tpu.vector_store %arg11[%parallel_loop3A_496, %parallel_loop3A_497], %parallel_loop3A_500 {strides = array<i32>} : memref<80x128xf32, #tpu.memory_space<vmem>>, vector<1x16xf32>,
        %parallel_loop3A_501 = arith.constant 2 : i32
        %parallel_loop3A_502 = vector.broadcast %parallel_loop3A_501 : i32 to vector<16xi32>
        %parallel_loop3A_503 = arith.cmpi slt, %iota3A, %parallel_loop3A_502 : vector<16xi32>
        %parallel_loop3A_504 = arith.constant 0.000000e+00 : f32
        %parallel_loop3A_505 = vector.broadcast %parallel_loop3A_504 : f32 to vector<16xf32>
        %parallel_loop3A_506 = arith.select %parallel_loop3A_503, %parallel_loop3A_400, %parallel_loop3A_505 : vector<16xi1>, vector<16xf32>
        %parallel_loop3A_507 = arith.index_cast %parallel_loop3A_373 : i32 to index
        %parallel_loop3A_508 = arith.constant 0 : index
        %parallel_loop3A_509 = tpu.vector_load %arg12[%parallel_loop3A_507, %parallel_loop3A_508] {strides = array<i32>} : memref<80x16xf32, #tpu.memory_space<vmem>>, vector<1x16xf32>,
        %parallel_loop3A_510 = vector.shape_cast %parallel_loop3A_509 : vector<1x16xf32> to vector<16xf32>
        %parallel_loop3A_511 = vector.shape_cast %parallel_loop3A_506 : vector<16xf32> to vector<1x16xf32>
        tpu.vector_store %arg12[%parallel_loop3A_507, %parallel_loop3A_508], %parallel_loop3A_511 {strides = array<i32>} : memref<80x16xf32, #tpu.memory_space<vmem>>, vector<1x16xf32>,
      } {sc.loop_unroll_factor = 2 : i64, sc.parallel_access}
      "tpu.region"() ({
        %run_scoped3A = tpu.sem_alloc : memref<!tpu.dma_semaphore, #tpu.memory_space<semaphore_mem>>
        %dma_start3A_373 = arith.constant 0 : i32
        %dma_start3A_374 = arith.constant 0 : i32
        %dma_start3A_375 = tpu.memref_slice %arg25[%dma_start3A_373, %dma_start3A_374] : memref<10112x128xf32, #tpu.memory_space<vmem_shared>> -> memref<10112x128xf32, #tpu.memory_space<vmem_shared>>
        tpu.enqueue_indirect_dma source(%arg11 : memref<80x128xf32, #tpu.memory_space<vmem>>) target(%dma_start3A_375 : memref<10112x128xf32, #tpu.memory_space<vmem_shared>>) offsets(%arg10 : memref<80xi32, #tpu.memory_space<vmem>>) semaphore(%run_scoped3A : memref<!tpu.dma_semaphore, #tpu.memory_space<semaphore_mem>>) {add = true}
        %dma_wait3A_376 = arith.constant 0 : i32
        %dma_wait3A_377 = arith.constant 0 : i32
        %dma_wait3A_378 = tpu.memref_slice %arg25[%dma_wait3A_376, %dma_wait3A_377] : memref<10112x128xf32, #tpu.memory_space<vmem_shared>> -> memref<10112x128xf32, #tpu.memory_space<vmem_shared>>
        tpu.wait_indirect_dma semaphore(%run_scoped3A : memref<!tpu.dma_semaphore, #tpu.memory_space<semaphore_mem>>) src(%arg11 : memref<80x128xf32, #tpu.memory_space<vmem>>) dst(%dma_wait3A_378 : memref<10112x128xf32, #tpu.memory_space<vmem_shared>>)
        tpu.yield
      }) : () -> ()
      "tpu.region"() ({
        %run_scoped3A = tpu.sem_alloc : memref<!tpu.dma_semaphore, #tpu.memory_space<semaphore_mem>>
        %dma_start3A_373 = arith.constant 0 : i32
        %dma_start3A_374 = arith.constant 0 : i32
        %dma_start3A_375 = tpu.memref_slice %arg26[%dma_start3A_373, %dma_start3A_374] : memref<10112x16xf32, #tpu.memory_space<vmem_shared>> -> memref<10112x16xf32, #tpu.memory_space<vmem_shared>>
        tpu.enqueue_indirect_dma source(%arg12 : memref<80x16xf32, #tpu.memory_space<vmem>>) target(%dma_start3A_375 : memref<10112x16xf32, #tpu.memory_space<vmem_shared>>) offsets(%arg10 : memref<80xi32, #tpu.memory_space<vmem>>) semaphore(%run_scoped3A : memref<!tpu.dma_semaphore, #tpu.memory_space<semaphore_mem>>) {add = true}
        %dma_wait3A_376 = arith.constant 0 : i32
        %dma_wait3A_377 = arith.constant 0 : i32
        %dma_wait3A_378 = tpu.memref_slice %arg26[%dma_wait3A_376, %dma_wait3A_377] : memref<10112x16xf32, #tpu.memory_space<vmem_shared>> -> memref<10112x16xf32, #tpu.memory_space<vmem_shared>>
        tpu.wait_indirect_dma semaphore(%run_scoped3A : memref<!tpu.dma_semaphore, #tpu.memory_space<semaphore_mem>>) src(%arg12 : memref<80x16xf32, #tpu.memory_space<vmem>>) dst(%dma_wait3A_378 : memref<10112x16xf32, #tpu.memory_space<vmem_shared>>)
        tpu.yield
      }) : () -> ()
      %mul3A_310 = arith.constant 2 : i32
      %mul3A_311 = arith.muli %mul3A_310, %scan3A_147 : i32
      %add3A_312 = arith.constant 1 : i32
      %add3A_313 = arith.addi %mul3A_311, %add3A_312 : i32
      %lt3A_314 = arith.constant 124 : i32
      %lt3A_315 = arith.cmpi slt, %scan3A_147, %lt3A_314 : i32
      %convert_element_type3A_316 = arith.extui %lt3A_315 : i1 to i32
      %cond3A_317 = arith.constant 0 : i32
      %cond3A_318 = arith.cmpi ne, %convert_element_type3A_316, %cond3A_317 : i32
      scf.if %cond3A_318 {
        %add3A_373 = arith.constant 1 : i32
        %add3A_374 = arith.addi %add3A_313, %add3A_373 : i32
        %mul3A_375 = arith.constant 80 : i32
        %mul3A_376 = arith.muli %add3A_374, %mul3A_375 : i32
        %add3A_377 = arith.addi %mul3A_13, %mul3A_376 : i32
        %dma_wait3A_378 = tpu.memref_slice %arg4[%add3A_377] : memref<320000xi32, #tpu.memory_space<hbm>> -> memref<80xi32, #tpu.memory_space<hbm>>
        %dma_wait3A_379 = tpu.memref_slice %arg4[%add3A_377] : memref<320000xi32, #tpu.memory_space<hbm>> -> memref<80xi32, #tpu.memory_space<hbm>>
        tpu.wait_dma2 semaphore(%arg29 : memref<!tpu.dma_semaphore, #tpu.memory_space<semaphore_mem>>) src(%dma_wait3A_379 : memref<80xi32, #tpu.memory_space<hbm>>) dst(%arg13 : memref<80xi32, #tpu.memory_space<vmem>>)
        %dma_wait3A_380 = tpu.memref_slice %arg5[%add3A_377] : memref<320000xi32, #tpu.memory_space<hbm>> -> memref<80xi32, #tpu.memory_space<hbm>>
        %dma_wait3A_381 = tpu.memref_slice %arg5[%add3A_377] : memref<320000xi32, #tpu.memory_space<hbm>> -> memref<80xi32, #tpu.memory_space<hbm>>
        tpu.wait_dma2 semaphore(%arg29 : memref<!tpu.dma_semaphore, #tpu.memory_space<semaphore_mem>>) src(%dma_wait3A_381 : memref<80xi32, #tpu.memory_space<hbm>>) dst(%arg14 : memref<80xi32, #tpu.memory_space<vmem>>)
        %get3A_382 = arith.constant 0 : index
        %get3A_383 = tpu.vector_load %arg13[%get3A_382] {strides = array<i32>} : memref<80xi32, #tpu.memory_space<vmem>>, vector<16xi32>,
        %get3A_384 = vector.shape_cast %get3A_383 : vector<16xi32> to vector<16xi32>
        %add3A_385 = vector.broadcast %mul3A_4 : i32 to vector<16xi32>
        %add3A_386 = arith.addi %get3A_384, %add3A_385 : vector<16xi32>
        %swap3A_387 = arith.constant 0 : index
        %swap3A_388 = tpu.vector_load %arg15[%swap3A_387] {strides = array<i32>} : memref<80xi32, #tpu.memory_space<vmem>>, vector<16xi32>,
        %swap3A_389 = vector.shape_cast %swap3A_388 : vector<16xi32> to vector<16xi32>
        %swap3A_390 = vector.shape_cast %add3A_386 : vector<16xi32> to vector<16xi32>
        tpu.vector_store %arg15[%swap3A_387], %swap3A_390 {strides = array<i32>} : memref<80xi32, #tpu.memory_space<vmem>>, vector<16xi32>,
        %get3A_391 = arith.constant 0 : index
        %get3A_392 = tpu.vector_load %arg14[%get3A_391] {strides = array<i32>} : memref<80xi32, #tpu.memory_space<vmem>>, vector<16xi32>,
        %get3A_393 = vector.shape_cast %get3A_392 : vector<16xi32> to vector<16xi32>
        %add3A_394 = vector.broadcast %mul3A_4 : i32 to vector<16xi32>
        %add3A_395 = arith.addi %get3A_393, %add3A_394 : vector<16xi32>
        %swap3A_396 = arith.constant 0 : index
        %swap3A_397 = tpu.vector_load %arg14[%swap3A_396] {strides = array<i32>} : memref<80xi32, #tpu.memory_space<vmem>>, vector<16xi32>,
        %swap3A_398 = vector.shape_cast %swap3A_397 : vector<16xi32> to vector<16xi32>
        %swap3A_399 = vector.shape_cast %add3A_395 : vector<16xi32> to vector<16xi32>
        tpu.vector_store %arg14[%swap3A_396], %swap3A_399 {strides = array<i32>} : memref<80xi32, #tpu.memory_space<vmem>>, vector<16xi32>,
        %get3A_400 = arith.constant 16 : index
        %get3A_401 = tpu.vector_load %arg13[%get3A_400] {strides = array<i32>} : memref<80xi32, #tpu.memory_space<vmem>>, vector<16xi32>,
        %get3A_402 = vector.shape_cast %get3A_401 : vector<16xi32> to vector<16xi32>
        %add3A_403 = vector.broadcast %mul3A_4 : i32 to vector<16xi32>
        %add3A_404 = arith.addi %get3A_402, %add3A_403 : vector<16xi32>
        %swap3A_405 = arith.constant 16 : index
        %swap3A_406 = tpu.vector_load %arg15[%swap3A_405] {strides = array<i32>} : memref<80xi32, #tpu.memory_space<vmem>>, vector<16xi32>,
        %swap3A_407 = vector.shape_cast %swap3A_406 : vector<16xi32> to vector<16xi32>
        %swap3A_408 = vector.shape_cast %add3A_404 : vector<16xi32> to vector<16xi32>
        tpu.vector_store %arg15[%swap3A_405], %swap3A_408 {strides = array<i32>} : memref<80xi32, #tpu.memory_space<vmem>>, vector<16xi32>,
        %get3A_409 = arith.constant 16 : index
        %get3A_410 = tpu.vector_load %arg14[%get3A_409] {strides = array<i32>} : memref<80xi32, #tpu.memory_space<vmem>>, vector<16xi32>,
        %get3A_411 = vector.shape_cast %get3A_410 : vector<16xi32> to vector<16xi32>
        %add3A_412 = vector.broadcast %mul3A_4 : i32 to vector<16xi32>
        %add3A_413 = arith.addi %get3A_411, %add3A_412 : vector<16xi32>
        %swap3A_414 = arith.constant 16 : index
        %swap3A_415 = tpu.vector_load %arg14[%swap3A_414] {strides = array<i32>} : memref<80xi32, #tpu.memory_space<vmem>>, vector<16xi32>,
        %swap3A_416 = vector.shape_cast %swap3A_415 : vector<16xi32> to vector<16xi32>
        %swap3A_417 = vector.shape_cast %add3A_413 : vector<16xi32> to vector<16xi32>
        tpu.vector_store %arg14[%swap3A_414], %swap3A_417 {strides = array<i32>} : memref<80xi32, #tpu.memory_space<vmem>>, vector<16xi32>,
        %get3A_418 = arith.constant 32 : index
        %get3A_419 = tpu.vector_load %arg13[%get3A_418] {strides = array<i32>} : memref<80xi32, #tpu.memory_space<vmem>>, vector<16xi32>,
        %get3A_420 = vector.shape_cast %get3A_419 : vector<16xi32> to vector<16xi32>
        %add3A_421 = vector.broadcast %mul3A_4 : i32 to vector<16xi32>
        %add3A_422 = arith.addi %get3A_420, %add3A_421 : vector<16xi32>
        %swap3A_423 = arith.constant 32 : index
        %swap3A_424 = tpu.vector_load %arg15[%swap3A_423] {strides = array<i32>} : memref<80xi32, #tpu.memory_space<vmem>>, vector<16xi32>,
        %swap3A_425 = vector.shape_cast %swap3A_424 : vector<16xi32> to vector<16xi32>
        %swap3A_426 = vector.shape_cast %add3A_422 : vector<16xi32> to vector<16xi32>
        tpu.vector_store %arg15[%swap3A_423], %swap3A_426 {strides = array<i32>} : memref<80xi32, #tpu.memory_space<vmem>>, vector<16xi32>,
        %get3A_427 = arith.constant 32 : index
        %get3A_428 = tpu.vector_load %arg14[%get3A_427] {strides = array<i32>} : memref<80xi32, #tpu.memory_space<vmem>>, vector<16xi32>,
        %get3A_429 = vector.shape_cast %get3A_428 : vector<16xi32> to vector<16xi32>
        %add3A_430 = vector.broadcast %mul3A_4 : i32 to vector<16xi32>
        %add3A_431 = arith.addi %get3A_429, %add3A_430 : vector<16xi32>
        %swap3A_432 = arith.constant 32 : index
        %swap3A_433 = tpu.vector_load %arg14[%swap3A_432] {strides = array<i32>} : memref<80xi32, #tpu.memory_space<vmem>>, vector<16xi32>,
        %swap3A_434 = vector.shape_cast %swap3A_433 : vector<16xi32> to vector<16xi32>
        %swap3A_435 = vector.shape_cast %add3A_431 : vector<16xi32> to vector<16xi32>
        tpu.vector_store %arg14[%swap3A_432], %swap3A_435 {strides = array<i32>} : memref<80xi32, #tpu.memory_space<vmem>>, vector<16xi32>,
        %get3A_436 = arith.constant 48 : index
        %get3A_437 = tpu.vector_load %arg13[%get3A_436] {strides = array<i32>} : memref<80xi32, #tpu.memory_space<vmem>>, vector<16xi32>,
        %get3A_438 = vector.shape_cast %get3A_437 : vector<16xi32> to vector<16xi32>
        %add3A_439 = vector.broadcast %mul3A_4 : i32 to vector<16xi32>
        %add3A_440 = arith.addi %get3A_438, %add3A_439 : vector<16xi32>
        %swap3A_441 = arith.constant 48 : index
        %swap3A_442 = tpu.vector_load %arg15[%swap3A_441] {strides = array<i32>} : memref<80xi32, #tpu.memory_space<vmem>>, vector<16xi32>,
        %swap3A_443 = vector.shape_cast %swap3A_442 : vector<16xi32> to vector<16xi32>
        %swap3A_444 = vector.shape_cast %add3A_440 : vector<16xi32> to vector<16xi32>
        tpu.vector_store %arg15[%swap3A_441], %swap3A_444 {strides = array<i32>} : memref<80xi32, #tpu.memory_space<vmem>>, vector<16xi32>,
        %get3A_445 = arith.constant 48 : index
        %get3A_446 = tpu.vector_load %arg14[%get3A_445] {strides = array<i32>} : memref<80xi32, #tpu.memory_space<vmem>>, vector<16xi32>,
        %get3A_447 = vector.shape_cast %get3A_446 : vector<16xi32> to vector<16xi32>
        %add3A_448 = vector.broadcast %mul3A_4 : i32 to vector<16xi32>
        %add3A_449 = arith.addi %get3A_447, %add3A_448 : vector<16xi32>
        %swap3A_450 = arith.constant 48 : index
        %swap3A_451 = tpu.vector_load %arg14[%swap3A_450] {strides = array<i32>} : memref<80xi32, #tpu.memory_space<vmem>>, vector<16xi32>,
        %swap3A_452 = vector.shape_cast %swap3A_451 : vector<16xi32> to vector<16xi32>
        %swap3A_453 = vector.shape_cast %add3A_449 : vector<16xi32> to vector<16xi32>
        tpu.vector_store %arg14[%swap3A_450], %swap3A_453 {strides = array<i32>} : memref<80xi32, #tpu.memory_space<vmem>>, vector<16xi32>,
        %get3A_454 = arith.constant 64 : index
        %get3A_455 = tpu.vector_load %arg13[%get3A_454] {strides = array<i32>} : memref<80xi32, #tpu.memory_space<vmem>>, vector<16xi32>,
        %get3A_456 = vector.shape_cast %get3A_455 : vector<16xi32> to vector<16xi32>
        %add3A_457 = vector.broadcast %mul3A_4 : i32 to vector<16xi32>
        %add3A_458 = arith.addi %get3A_456, %add3A_457 : vector<16xi32>
        %swap3A_459 = arith.constant 64 : index
        %swap3A_460 = tpu.vector_load %arg15[%swap3A_459] {strides = array<i32>} : memref<80xi32, #tpu.memory_space<vmem>>, vector<16xi32>,
        %swap3A_461 = vector.shape_cast %swap3A_460 : vector<16xi32> to vector<16xi32>
        %swap3A_462 = vector.shape_cast %add3A_458 : vector<16xi32> to vector<16xi32>
        tpu.vector_store %arg15[%swap3A_459], %swap3A_462 {strides = array<i32>} : memref<80xi32, #tpu.memory_space<vmem>>, vector<16xi32>,
        %get3A_463 = arith.constant 64 : index
        %get3A_464 = tpu.vector_load %arg14[%get3A_463] {strides = array<i32>} : memref<80xi32, #tpu.memory_space<vmem>>, vector<16xi32>,
        %get3A_465 = vector.shape_cast %get3A_464 : vector<16xi32> to vector<16xi32>
        %add3A_466 = vector.broadcast %mul3A_4 : i32 to vector<16xi32>
        %add3A_467 = arith.addi %get3A_465, %add3A_466 : vector<16xi32>
        %swap3A_468 = arith.constant 64 : index
        %swap3A_469 = tpu.vector_load %arg14[%swap3A_468] {strides = array<i32>} : memref<80xi32, #tpu.memory_space<vmem>>, vector<16xi32>,
        %swap3A_470 = vector.shape_cast %swap3A_469 : vector<16xi32> to vector<16xi32>
        %swap3A_471 = vector.shape_cast %add3A_467 : vector<16xi32> to vector<16xi32>
        tpu.vector_store %arg14[%swap3A_468], %swap3A_471 {strides = array<i32>} : memref<80xi32, #tpu.memory_space<vmem>>, vector<16xi32>,
        %dma_start3A_472 = arith.constant 0 : i32
        %dma_start3A_473 = arith.constant 0 : i32
        %dma_start3A_474 = tpu.memref_slice %arg2[%dma_start3A_472, %dma_start3A_473] : memref<20480x128xf32, #tpu.memory_space<hbm>> -> memref<20480x128xf32, #tpu.memory_space<hbm>>
        tpu.enqueue_indirect_dma source(%dma_start3A_474 : memref<20480x128xf32, #tpu.memory_space<hbm>>) target(%arg16 : memref<80x128xf32, #tpu.memory_space<vmem>>) offsets(%arg14 : memref<80xi32, #tpu.memory_space<vmem>>) semaphore(%arg27 : memref<!tpu.dma_semaphore, #tpu.memory_space<semaphore_mem>>)
        %dma_start3A_475 = arith.constant 0 : i32
        %dma_start3A_476 = arith.constant 0 : i32
        %dma_start3A_477 = tpu.memref_slice %arg3[%dma_start3A_475, %dma_start3A_476] : memref<20480x16xf32, #tpu.memory_space<hbm>> -> memref<20480x16xf32, #tpu.memory_space<hbm>>
        tpu.enqueue_indirect_dma source(%dma_start3A_477 : memref<20480x16xf32, #tpu.memory_space<hbm>>) target(%arg17 : memref<80x16xf32, #tpu.memory_space<vmem>>) offsets(%arg15 : memref<80xi32, #tpu.memory_space<vmem>>) semaphore(%arg27 : memref<!tpu.dma_semaphore, #tpu.memory_space<semaphore_mem>>)
        %dma_start3A_478 = arith.constant 0 : i32
        %dma_start3A_479 = arith.constant 0 : i32
        %dma_start3A_480 = tpu.memref_slice %arg3[%dma_start3A_478, %dma_start3A_479] : memref<20480x16xf32, #tpu.memory_space<hbm>> -> memref<20480x16xf32, #tpu.memory_space<hbm>>
        tpu.enqueue_indirect_dma source(%dma_start3A_480 : memref<20480x16xf32, #tpu.memory_space<hbm>>) target(%arg18 : memref<80x16xf32, #tpu.memory_space<vmem>>) offsets(%arg14 : memref<80xi32, #tpu.memory_space<vmem>>) semaphore(%arg27 : memref<!tpu.dma_semaphore, #tpu.memory_space<semaphore_mem>>)
      } else {
      }
      %dma_wait3A_319 = arith.constant 0 : i32
      %dma_wait3A_320 = arith.constant 0 : i32
      %dma_wait3A_321 = tpu.memref_slice %arg2[%dma_wait3A_319, %dma_wait3A_320] : memref<20480x128xf32, #tpu.memory_space<hbm>> -> memref<20480x128xf32, #tpu.memory_space<hbm>>
      tpu.wait_indirect_dma semaphore(%arg28 : memref<!tpu.dma_semaphore, #tpu.memory_space<semaphore_mem>>) src(%dma_wait3A_321 : memref<20480x128xf32, #tpu.memory_space<hbm>>) dst(%arg22 : memref<80x128xf32, #tpu.memory_space<vmem>>)
      %dma_wait3A_322 = arith.constant 0 : i32
      %dma_wait3A_323 = arith.constant 0 : i32
      %dma_wait3A_324 = tpu.memref_slice %arg3[%dma_wait3A_322, %dma_wait3A_323] : memref<20480x16xf32, #tpu.memory_space<hbm>> -> memref<20480x16xf32, #tpu.memory_space<hbm>>
      tpu.wait_indirect_dma semaphore(%arg28 : memref<!tpu.dma_semaphore, #tpu.memory_space<semaphore_mem>>) src(%dma_wait3A_324 : memref<20480x16xf32, #tpu.memory_space<hbm>>) dst(%arg23 : memref<80x16xf32, #tpu.memory_space<vmem>>)
      %dma_wait3A_325 = arith.constant 0 : i32
      %dma_wait3A_326 = arith.constant 0 : i32
      %dma_wait3A_327 = tpu.memref_slice %arg3[%dma_wait3A_325, %dma_wait3A_326] : memref<20480x16xf32, #tpu.memory_space<hbm>> -> memref<20480x16xf32, #tpu.memory_space<hbm>>
      tpu.wait_indirect_dma semaphore(%arg28 : memref<!tpu.dma_semaphore, #tpu.memory_space<semaphore_mem>>) src(%dma_wait3A_327 : memref<20480x16xf32, #tpu.memory_space<hbm>>) dst(%arg24 : memref<80x16xf32, #tpu.memory_space<vmem>>)
      %get3A_328 = arith.constant 0 : index
      %get3A_329 = tpu.vector_load %arg19[%get3A_328] {strides = array<i32>} : memref<80xi32, #tpu.memory_space<vmem>>, vector<16xi32>,
      %get3A_330 = vector.shape_cast %get3A_329 : vector<16xi32> to vector<16xi32>
      %swap3A_331 = arith.constant 0 : index
      %swap3A_332 = tpu.vector_load %arg10[%swap3A_331] {strides = array<i32>} : memref<80xi32, #tpu.memory_space<vmem>>, vector<16xi32>,
      %swap3A_333 = vector.shape_cast %swap3A_332 : vector<16xi32> to vector<16xi32>
      %swap3A_334 = vector.shape_cast %get3A_330 : vector<16xi32> to vector<16xi32>
      tpu.vector_store %arg10[%swap3A_331], %swap3A_334 {strides = array<i32>} : memref<80xi32, #tpu.memory_space<vmem>>, vector<16xi32>,
      %get3A_335 = arith.constant 16 : index
      %get3A_336 = tpu.vector_load %arg19[%get3A_335] {strides = array<i32>} : memref<80xi32, #tpu.memory_space<vmem>>, vector<16xi32>,
      %get3A_337 = vector.shape_cast %get3A_336 : vector<16xi32> to vector<16xi32>
      %swap3A_338 = arith.constant 16 : index
      %swap3A_339 = tpu.vector_load %arg10[%swap3A_338] {strides = array<i32>} : memref<80xi32, #tpu.memory_space<vmem>>, vector<16xi32>,
      %swap3A_340 = vector.shape_cast %swap3A_339 : vector<16xi32> to vector<16xi32>
      %swap3A_341 = vector.shape_cast %get3A_337 : vector<16xi32> to vector<16xi32>
      tpu.vector_store %arg10[%swap3A_338], %swap3A_341 {strides = array<i32>} : memref<80xi32, #tpu.memory_space<vmem>>, vector<16xi32>,
      %get3A_342 = arith.constant 32 : index
      %get3A_343 = tpu.vector_load %arg19[%get3A_342] {strides = array<i32>} : memref<80xi32, #tpu.memory_space<vmem>>, vector<16xi32>,
      %get3A_344 = vector.shape_cast %get3A_343 : vector<16xi32> to vector<16xi32>
      %swap3A_345 = arith.constant 32 : index
      %swap3A_346 = tpu.vector_load %arg10[%swap3A_345] {strides = array<i32>} : memref<80xi32, #tpu.memory_space<vmem>>, vector<16xi32>,
      %swap3A_347 = vector.shape_cast %swap3A_346 : vector<16xi32> to vector<16xi32>
      %swap3A_348 = vector.shape_cast %get3A_344 : vector<16xi32> to vector<16xi32>
      tpu.vector_store %arg10[%swap3A_345], %swap3A_348 {strides = array<i32>} : memref<80xi32, #tpu.memory_space<vmem>>, vector<16xi32>,
      %get3A_349 = arith.constant 48 : index
      %get3A_350 = tpu.vector_load %arg19[%get3A_349] {strides = array<i32>} : memref<80xi32, #tpu.memory_space<vmem>>, vector<16xi32>,
      %get3A_351 = vector.shape_cast %get3A_350 : vector<16xi32> to vector<16xi32>
      %swap3A_352 = arith.constant 48 : index
      %swap3A_353 = tpu.vector_load %arg10[%swap3A_352] {strides = array<i32>} : memref<80xi32, #tpu.memory_space<vmem>>, vector<16xi32>,
      %swap3A_354 = vector.shape_cast %swap3A_353 : vector<16xi32> to vector<16xi32>
      %swap3A_355 = vector.shape_cast %get3A_351 : vector<16xi32> to vector<16xi32>
      tpu.vector_store %arg10[%swap3A_352], %swap3A_355 {strides = array<i32>} : memref<80xi32, #tpu.memory_space<vmem>>, vector<16xi32>,
      %get3A_356 = arith.constant 64 : index
      %get3A_357 = tpu.vector_load %arg19[%get3A_356] {strides = array<i32>} : memref<80xi32, #tpu.memory_space<vmem>>, vector<16xi32>,
      %get3A_358 = vector.shape_cast %get3A_357 : vector<16xi32> to vector<16xi32>
      %swap3A_359 = arith.constant 64 : index
      %swap3A_360 = tpu.vector_load %arg10[%swap3A_359] {strides = array<i32>} : memref<80xi32, #tpu.memory_space<vmem>>, vector<16xi32>,
      %swap3A_361 = vector.shape_cast %swap3A_360 : vector<16xi32> to vector<16xi32>
      %swap3A_362 = vector.shape_cast %get3A_358 : vector<16xi32> to vector<16xi32>
      tpu.vector_store %arg10[%swap3A_359], %swap3A_362 {strides = array<i32>} : memref<80xi32, #tpu.memory_space<vmem>>, vector<16xi32>,
      %add3A_363 = arith.constant 2 : i32
      %add3A_364 = arith.addi %add3A_313, %add3A_363 : i32
      %lt3A_365 = arith.constant 250 : i32
      %lt3A_366 = arith.cmpi slt, %add3A_364, %lt3A_365 : i32
      %convert_element_type3A_367 = arith.extui %lt3A_366 : i1 to i32
      %cond3A_368 = arith.constant 0 : i32
      %cond3A_369 = arith.cmpi ne, %convert_element_type3A_367, %cond3A_368 : i32
      scf.if %cond3A_369 {
        %add3A_373 = arith.constant 2 : i32
        %add3A_374 = arith.addi %add3A_313, %add3A_373 : i32
        %mul3A_375 = arith.constant 80 : i32
        %mul3A_376 = arith.muli %add3A_374, %mul3A_375 : i32
        %add3A_377 = arith.addi %mul3A_13, %mul3A_376 : i32
        %dma_start3A_378 = tpu.memref_slice %arg4[%add3A_377] : memref<320000xi32, #tpu.memory_space<hbm>> -> memref<80xi32, #tpu.memory_space<hbm>>
        %dma_start3A_379 = tpu.memref_slice %arg4[%add3A_377] : memref<320000xi32, #tpu.memory_space<hbm>> -> memref<80xi32, #tpu.memory_space<hbm>>
        tpu.enqueue_dma source(%dma_start3A_379 : memref<80xi32, #tpu.memory_space<hbm>>) target(%arg19 : memref<80xi32, #tpu.memory_space<vmem>>) target_semaphore(%arg30 : memref<!tpu.dma_semaphore, #tpu.memory_space<semaphore_mem>>)
        %dma_start3A_380 = tpu.memref_slice %arg5[%add3A_377] : memref<320000xi32, #tpu.memory_space<hbm>> -> memref<80xi32, #tpu.memory_space<hbm>>
        %dma_start3A_381 = tpu.memref_slice %arg5[%add3A_377] : memref<320000xi32, #tpu.memory_space<hbm>> -> memref<80xi32, #tpu.memory_space<hbm>>
        tpu.enqueue_dma source(%dma_start3A_381 : memref<80xi32, #tpu.memory_space<hbm>>) target(%arg20 : memref<80xi32, #tpu.memory_space<vmem>>) target_semaphore(%arg30 : memref<!tpu.dma_semaphore, #tpu.memory_space<semaphore_mem>>)
      } else {
      }
      %parallel_loop3A_370 = arith.constant 0 : i32
      %parallel_loop3A_371 = arith.constant 80 : i32
      %parallel_loop3A_372 = arith.constant 1 : i32
      scf.for %parallel_loop3A_373 = %parallel_loop3A_370 to %parallel_loop3A_371 step %parallel_loop3A_372  : i32 {
        %parallel_loop3A_374 = arith.index_cast %parallel_loop3A_373 : i32 to index
        %parallel_loop3A_375 = arith.constant 0 : index
        %parallel_loop3A_376 = tpu.vector_load %arg23[%parallel_loop3A_374, %parallel_loop3A_375] {strides = array<i32>} : memref<80x16xf32, #tpu.memory_space<vmem>>, vector<1x16xf32>,
        %parallel_loop3A_377 = vector.shape_cast %parallel_loop3A_376 : vector<1x16xf32> to vector<16xf32>
        %parallel_loop3A_378 = arith.index_cast %parallel_loop3A_373 : i32 to index
        %parallel_loop3A_379 = arith.constant 0 : index
        %parallel_loop3A_380 = tpu.vector_load %arg24[%parallel_loop3A_378, %parallel_loop3A_379] {strides = array<i32>} : memref<80x16xf32, #tpu.memory_space<vmem>>, vector<1x16xf32>,
        %parallel_loop3A_381 = vector.shape_cast %parallel_loop3A_380 : vector<1x16xf32> to vector<16xf32>
        %parallel_loop3A_382 = arith.constant 0 : i32
        %parallel_loop3A_383 = vector.broadcast %parallel_loop3A_382 : i32 to vector<16xi32>
        %parallel_loop3A_384 = arith.cmpi slt, %and3A_11, %parallel_loop3A_383 : vector<16xi32>
        %parallel_loop3A_385 = arith.constant 16 : i32
        %parallel_loop3A_386 = vector.broadcast %parallel_loop3A_385 : i32 to vector<16xi32>
        %parallel_loop3A_387 = arith.addi %and3A_11, %parallel_loop3A_386 : vector<16xi32>
        %parallel_loop3A_388 = arith.select %parallel_loop3A_384, %parallel_loop3A_387, %and3A_11 : vector<16xi1>, vector<16xi32>
        %parallel_loop3A_389 = vector.shape_cast %parallel_loop3A_388 : vector<16xi32> to vector<16x1xi32>
        %parallel_loop3A_390 = vector.shape_cast %parallel_loop3A_389 : vector<16x1xi32> to vector<16xi32>
        %parallel_loop3A_391 = tpu.dynamic_gather %parallel_loop3A_381[%parallel_loop3A_390] in [0] : vector<16xf32>, vector<16xi32> -> vector<16xf32>
        %parallel_loop3A_392 = arith.addf %parallel_loop3A_377, %parallel_loop3A_391 : vector<16xf32>
        %parallel_loop3A_393 = arith.constant 2.000000e-01 : f32
        %parallel_loop3A_394 = vector.broadcast %parallel_loop3A_393 : f32 to vector<16xf32>
        %parallel_loop3A_395 = arith.mulf %parallel_loop3A_394, %parallel_loop3A_392 : vector<16xf32>
        %parallel_loop3A_396 = arith.maximumf %parallel_loop3A_392, %parallel_loop3A_395 : vector<16xf32>
        %parallel_loop3A_397 = arith.constant 0.000000e+00 : f32
        %parallel_loop3A_398 = vector.broadcast %parallel_loop3A_397 : f32 to vector<16xf32>
        %parallel_loop3A_399 = arith.subf %parallel_loop3A_398, %parallel_loop3A_396 : vector<16xf32>
        %parallel_loop3A_400 = math.exp %parallel_loop3A_399 : vector<16xf32>
        %parallel_loop3A_401 = arith.constant 0 : i32
        %parallel_loop3A_402 = vector.broadcast %parallel_loop3A_401 : i32 to vector<16xi32>
        %parallel_loop3A_403 = arith.cmpi slt, %broadcast_in_dim3A_5, %parallel_loop3A_402 : vector<16xi32>
        %parallel_loop3A_404 = arith.constant 16 : i32
        %parallel_loop3A_405 = vector.broadcast %parallel_loop3A_404 : i32 to vector<16xi32>
        %parallel_loop3A_406 = arith.addi %broadcast_in_dim3A_5, %parallel_loop3A_405 : vector<16xi32>
        %parallel_loop3A_407 = arith.select %parallel_loop3A_403, %parallel_loop3A_406, %broadcast_in_dim3A_5 : vector<16xi1>, vector<16xi32>
        %parallel_loop3A_408 = vector.shape_cast %parallel_loop3A_407 : vector<16xi32> to vector<16x1xi32>
        %parallel_loop3A_409 = vector.shape_cast %parallel_loop3A_408 : vector<16x1xi32> to vector<16xi32>
        %parallel_loop3A_410 = tpu.dynamic_gather %parallel_loop3A_400[%parallel_loop3A_409] in [0] : vector<16xf32>, vector<16xi32> -> vector<16xf32>
        %parallel_loop3A_411 = arith.constant 0 : i32
        %parallel_loop3A_412 = vector.broadcast %parallel_loop3A_411 : i32 to vector<16xi32>
        %parallel_loop3A_413 = arith.cmpi slt, %broadcast_in_dim3A_7, %parallel_loop3A_412 : vector<16xi32>
        %parallel_loop3A_414 = arith.constant 16 : i32
        %parallel_loop3A_415 = vector.broadcast %parallel_loop3A_414 : i32 to vector<16xi32>
        %parallel_loop3A_416 = arith.addi %broadcast_in_dim3A_7, %parallel_loop3A_415 : vector<16xi32>
        %parallel_loop3A_417 = arith.select %parallel_loop3A_413, %parallel_loop3A_416, %broadcast_in_dim3A_7 : vector<16xi1>, vector<16xi32>
        %parallel_loop3A_418 = vector.shape_cast %parallel_loop3A_417 : vector<16xi32> to vector<16x1xi32>
        %parallel_loop3A_419 = vector.shape_cast %parallel_loop3A_418 : vector<16x1xi32> to vector<16xi32>
        %parallel_loop3A_420 = tpu.dynamic_gather %parallel_loop3A_400[%parallel_loop3A_419] in [0] : vector<16xf32>, vector<16xi32> -> vector<16xf32>
        %parallel_loop3A_421 = arith.index_cast %parallel_loop3A_373 : i32 to index
        %parallel_loop3A_422 = arith.constant 0 : index
        %parallel_loop3A_423 = tpu.vector_load %arg22[%parallel_loop3A_421, %parallel_loop3A_422] {strides = array<i32>} : memref<80x128xf32, #tpu.memory_space<vmem>>, vector<1x16xf32>,
        %parallel_loop3A_424 = vector.shape_cast %parallel_loop3A_423 : vector<1x16xf32> to vector<16xf32>
        %parallel_loop3A_425 = arith.mulf %parallel_loop3A_424, %parallel_loop3A_410 : vector<16xf32>
        %parallel_loop3A_426 = arith.index_cast %parallel_loop3A_373 : i32 to index
        %parallel_loop3A_427 = arith.constant 0 : index
        %parallel_loop3A_428 = tpu.vector_load %arg11[%parallel_loop3A_426, %parallel_loop3A_427] {strides = array<i32>} : memref<80x128xf32, #tpu.memory_space<vmem>>, vector<1x16xf32>,
        %parallel_loop3A_429 = vector.shape_cast %parallel_loop3A_428 : vector<1x16xf32> to vector<16xf32>
        %parallel_loop3A_430 = vector.shape_cast %parallel_loop3A_425 : vector<16xf32> to vector<1x16xf32>
        tpu.vector_store %arg11[%parallel_loop3A_426, %parallel_loop3A_427], %parallel_loop3A_430 {strides = array<i32>} : memref<80x128xf32, #tpu.memory_space<vmem>>, vector<1x16xf32>,
        %parallel_loop3A_431 = arith.index_cast %parallel_loop3A_373 : i32 to index
        %parallel_loop3A_432 = arith.constant 16 : index
        %parallel_loop3A_433 = tpu.vector_load %arg22[%parallel_loop3A_431, %parallel_loop3A_432] {strides = array<i32>} : memref<80x128xf32, #tpu.memory_space<vmem>>, vector<1x16xf32>,
        %parallel_loop3A_434 = vector.shape_cast %parallel_loop3A_433 : vector<1x16xf32> to vector<16xf32>
        %parallel_loop3A_435 = arith.mulf %parallel_loop3A_434, %parallel_loop3A_410 : vector<16xf32>
        %parallel_loop3A_436 = arith.index_cast %parallel_loop3A_373 : i32 to index
        %parallel_loop3A_437 = arith.constant 16 : index
        %parallel_loop3A_438 = tpu.vector_load %arg11[%parallel_loop3A_436, %parallel_loop3A_437] {strides = array<i32>} : memref<80x128xf32, #tpu.memory_space<vmem>>, vector<1x16xf32>,
        %parallel_loop3A_439 = vector.shape_cast %parallel_loop3A_438 : vector<1x16xf32> to vector<16xf32>
        %parallel_loop3A_440 = vector.shape_cast %parallel_loop3A_435 : vector<16xf32> to vector<1x16xf32>
        tpu.vector_store %arg11[%parallel_loop3A_436, %parallel_loop3A_437], %parallel_loop3A_440 {strides = array<i32>} : memref<80x128xf32, #tpu.memory_space<vmem>>, vector<1x16xf32>,
        %parallel_loop3A_441 = arith.index_cast %parallel_loop3A_373 : i32 to index
        %parallel_loop3A_442 = arith.constant 32 : index
        %parallel_loop3A_443 = tpu.vector_load %arg22[%parallel_loop3A_441, %parallel_loop3A_442] {strides = array<i32>} : memref<80x128xf32, #tpu.memory_space<vmem>>, vector<1x16xf32>,
        %parallel_loop3A_444 = vector.shape_cast %parallel_loop3A_443 : vector<1x16xf32> to vector<16xf32>
        %parallel_loop3A_445 = arith.mulf %parallel_loop3A_444, %parallel_loop3A_410 : vector<16xf32>
        %parallel_loop3A_446 = arith.index_cast %parallel_loop3A_373 : i32 to index
        %parallel_loop3A_447 = arith.constant 32 : index
        %parallel_loop3A_448 = tpu.vector_load %arg11[%parallel_loop3A_446, %parallel_loop3A_447] {strides = array<i32>} : memref<80x128xf32, #tpu.memory_space<vmem>>, vector<1x16xf32>,
        %parallel_loop3A_449 = vector.shape_cast %parallel_loop3A_448 : vector<1x16xf32> to vector<16xf32>
        %parallel_loop3A_450 = vector.shape_cast %parallel_loop3A_445 : vector<16xf32> to vector<1x16xf32>
        tpu.vector_store %arg11[%parallel_loop3A_446, %parallel_loop3A_447], %parallel_loop3A_450 {strides = array<i32>} : memref<80x128xf32, #tpu.memory_space<vmem>>, vector<1x16xf32>,
        %parallel_loop3A_451 = arith.index_cast %parallel_loop3A_373 : i32 to index
        %parallel_loop3A_452 = arith.constant 48 : index
        %parallel_loop3A_453 = tpu.vector_load %arg22[%parallel_loop3A_451, %parallel_loop3A_452] {strides = array<i32>} : memref<80x128xf32, #tpu.memory_space<vmem>>, vector<1x16xf32>,
        %parallel_loop3A_454 = vector.shape_cast %parallel_loop3A_453 : vector<1x16xf32> to vector<16xf32>
        %parallel_loop3A_455 = arith.mulf %parallel_loop3A_454, %parallel_loop3A_410 : vector<16xf32>
        %parallel_loop3A_456 = arith.index_cast %parallel_loop3A_373 : i32 to index
        %parallel_loop3A_457 = arith.constant 48 : index
        %parallel_loop3A_458 = tpu.vector_load %arg11[%parallel_loop3A_456, %parallel_loop3A_457] {strides = array<i32>} : memref<80x128xf32, #tpu.memory_space<vmem>>, vector<1x16xf32>,
        %parallel_loop3A_459 = vector.shape_cast %parallel_loop3A_458 : vector<1x16xf32> to vector<16xf32>
        %parallel_loop3A_460 = vector.shape_cast %parallel_loop3A_455 : vector<16xf32> to vector<1x16xf32>
        tpu.vector_store %arg11[%parallel_loop3A_456, %parallel_loop3A_457], %parallel_loop3A_460 {strides = array<i32>} : memref<80x128xf32, #tpu.memory_space<vmem>>, vector<1x16xf32>,
        %parallel_loop3A_461 = arith.index_cast %parallel_loop3A_373 : i32 to index
        %parallel_loop3A_462 = arith.constant 64 : index
        %parallel_loop3A_463 = tpu.vector_load %arg22[%parallel_loop3A_461, %parallel_loop3A_462] {strides = array<i32>} : memref<80x128xf32, #tpu.memory_space<vmem>>, vector<1x16xf32>,
        %parallel_loop3A_464 = vector.shape_cast %parallel_loop3A_463 : vector<1x16xf32> to vector<16xf32>
        %parallel_loop3A_465 = arith.mulf %parallel_loop3A_464, %parallel_loop3A_420 : vector<16xf32>
        %parallel_loop3A_466 = arith.index_cast %parallel_loop3A_373 : i32 to index
        %parallel_loop3A_467 = arith.constant 64 : index
        %parallel_loop3A_468 = tpu.vector_load %arg11[%parallel_loop3A_466, %parallel_loop3A_467] {strides = array<i32>} : memref<80x128xf32, #tpu.memory_space<vmem>>, vector<1x16xf32>,
        %parallel_loop3A_469 = vector.shape_cast %parallel_loop3A_468 : vector<1x16xf32> to vector<16xf32>
        %parallel_loop3A_470 = vector.shape_cast %parallel_loop3A_465 : vector<16xf32> to vector<1x16xf32>
        tpu.vector_store %arg11[%parallel_loop3A_466, %parallel_loop3A_467], %parallel_loop3A_470 {strides = array<i32>} : memref<80x128xf32, #tpu.memory_space<vmem>>, vector<1x16xf32>,
        %parallel_loop3A_471 = arith.index_cast %parallel_loop3A_373 : i32 to index
        %parallel_loop3A_472 = arith.constant 80 : index
        %parallel_loop3A_473 = tpu.vector_load %arg22[%parallel_loop3A_471, %parallel_loop3A_472] {strides = array<i32>} : memref<80x128xf32, #tpu.memory_space<vmem>>, vector<1x16xf32>,
        %parallel_loop3A_474 = vector.shape_cast %parallel_loop3A_473 : vector<1x16xf32> to vector<16xf32>
        %parallel_loop3A_475 = arith.mulf %parallel_loop3A_474, %parallel_loop3A_420 : vector<16xf32>
        %parallel_loop3A_476 = arith.index_cast %parallel_loop3A_373 : i32 to index
        %parallel_loop3A_477 = arith.constant 80 : index
        %parallel_loop3A_478 = tpu.vector_load %arg11[%parallel_loop3A_476, %parallel_loop3A_477] {strides = array<i32>} : memref<80x128xf32, #tpu.memory_space<vmem>>, vector<1x16xf32>,
        %parallel_loop3A_479 = vector.shape_cast %parallel_loop3A_478 : vector<1x16xf32> to vector<16xf32>
        %parallel_loop3A_480 = vector.shape_cast %parallel_loop3A_475 : vector<16xf32> to vector<1x16xf32>
        tpu.vector_store %arg11[%parallel_loop3A_476, %parallel_loop3A_477], %parallel_loop3A_480 {strides = array<i32>} : memref<80x128xf32, #tpu.memory_space<vmem>>, vector<1x16xf32>,
        %parallel_loop3A_481 = arith.index_cast %parallel_loop3A_373 : i32 to index
        %parallel_loop3A_482 = arith.constant 96 : index
        %parallel_loop3A_483 = tpu.vector_load %arg22[%parallel_loop3A_481, %parallel_loop3A_482] {strides = array<i32>} : memref<80x128xf32, #tpu.memory_space<vmem>>, vector<1x16xf32>,
        %parallel_loop3A_484 = vector.shape_cast %parallel_loop3A_483 : vector<1x16xf32> to vector<16xf32>
        %parallel_loop3A_485 = arith.mulf %parallel_loop3A_484, %parallel_loop3A_420 : vector<16xf32>
        %parallel_loop3A_486 = arith.index_cast %parallel_loop3A_373 : i32 to index
        %parallel_loop3A_487 = arith.constant 96 : index
        %parallel_loop3A_488 = tpu.vector_load %arg11[%parallel_loop3A_486, %parallel_loop3A_487] {strides = array<i32>} : memref<80x128xf32, #tpu.memory_space<vmem>>, vector<1x16xf32>,
        %parallel_loop3A_489 = vector.shape_cast %parallel_loop3A_488 : vector<1x16xf32> to vector<16xf32>
        %parallel_loop3A_490 = vector.shape_cast %parallel_loop3A_485 : vector<16xf32> to vector<1x16xf32>
        tpu.vector_store %arg11[%parallel_loop3A_486, %parallel_loop3A_487], %parallel_loop3A_490 {strides = array<i32>} : memref<80x128xf32, #tpu.memory_space<vmem>>, vector<1x16xf32>,
        %parallel_loop3A_491 = arith.index_cast %parallel_loop3A_373 : i32 to index
        %parallel_loop3A_492 = arith.constant 112 : index
        %parallel_loop3A_493 = tpu.vector_load %arg22[%parallel_loop3A_491, %parallel_loop3A_492] {strides = array<i32>} : memref<80x128xf32, #tpu.memory_space<vmem>>, vector<1x16xf32>,
        %parallel_loop3A_494 = vector.shape_cast %parallel_loop3A_493 : vector<1x16xf32> to vector<16xf32>
        %parallel_loop3A_495 = arith.mulf %parallel_loop3A_494, %parallel_loop3A_420 : vector<16xf32>
        %parallel_loop3A_496 = arith.index_cast %parallel_loop3A_373 : i32 to index
        %parallel_loop3A_497 = arith.constant 112 : index
        %parallel_loop3A_498 = tpu.vector_load %arg11[%parallel_loop3A_496, %parallel_loop3A_497] {strides = array<i32>} : memref<80x128xf32, #tpu.memory_space<vmem>>, vector<1x16xf32>,
        %parallel_loop3A_499 = vector.shape_cast %parallel_loop3A_498 : vector<1x16xf32> to vector<16xf32>
        %parallel_loop3A_500 = vector.shape_cast %parallel_loop3A_495 : vector<16xf32> to vector<1x16xf32>
        tpu.vector_store %arg11[%parallel_loop3A_496, %parallel_loop3A_497], %parallel_loop3A_500 {strides = array<i32>} : memref<80x128xf32, #tpu.memory_space<vmem>>, vector<1x16xf32>,
        %parallel_loop3A_501 = arith.constant 2 : i32
        %parallel_loop3A_502 = vector.broadcast %parallel_loop3A_501 : i32 to vector<16xi32>
        %parallel_loop3A_503 = arith.cmpi slt, %iota3A, %parallel_loop3A_502 : vector<16xi32>
        %parallel_loop3A_504 = arith.constant 0.000000e+00 : f32
        %parallel_loop3A_505 = vector.broadcast %parallel_loop3A_504 : f32 to vector<16xf32>
        %parallel_loop3A_506 = arith.select %parallel_loop3A_503, %parallel_loop3A_400, %parallel_loop3A_505 : vector<16xi1>, vector<16xf32>
        %parallel_loop3A_507 = arith.index_cast %parallel_loop3A_373 : i32 to index
        %parallel_loop3A_508 = arith.constant 0 : index
        %parallel_loop3A_509 = tpu.vector_load %arg12[%parallel_loop3A_507, %parallel_loop3A_508] {strides = array<i32>} : memref<80x16xf32, #tpu.memory_space<vmem>>, vector<1x16xf32>,
        %parallel_loop3A_510 = vector.shape_cast %parallel_loop3A_509 : vector<1x16xf32> to vector<16xf32>
        %parallel_loop3A_511 = vector.shape_cast %parallel_loop3A_506 : vector<16xf32> to vector<1x16xf32>
        tpu.vector_store %arg12[%parallel_loop3A_507, %parallel_loop3A_508], %parallel_loop3A_511 {strides = array<i32>} : memref<80x16xf32, #tpu.memory_space<vmem>>, vector<1x16xf32>,
      } {sc.loop_unroll_factor = 2 : i64, sc.parallel_access}
      "tpu.region"() ({
        %run_scoped3A = tpu.sem_alloc : memref<!tpu.dma_semaphore, #tpu.memory_space<semaphore_mem>>
        %dma_start3A_373 = arith.constant 0 : i32
        %dma_start3A_374 = arith.constant 0 : i32
        %dma_start3A_375 = tpu.memref_slice %arg25[%dma_start3A_373, %dma_start3A_374] : memref<10112x128xf32, #tpu.memory_space<vmem_shared>> -> memref<10112x128xf32, #tpu.memory_space<vmem_shared>>
        tpu.enqueue_indirect_dma source(%arg11 : memref<80x128xf32, #tpu.memory_space<vmem>>) target(%dma_start3A_375 : memref<10112x128xf32, #tpu.memory_space<vmem_shared>>) offsets(%arg10 : memref<80xi32, #tpu.memory_space<vmem>>) semaphore(%run_scoped3A : memref<!tpu.dma_semaphore, #tpu.memory_space<semaphore_mem>>) {add = true}
        %dma_wait3A_376 = arith.constant 0 : i32
        %dma_wait3A_377 = arith.constant 0 : i32
        %dma_wait3A_378 = tpu.memref_slice %arg25[%dma_wait3A_376, %dma_wait3A_377] : memref<10112x128xf32, #tpu.memory_space<vmem_shared>> -> memref<10112x128xf32, #tpu.memory_space<vmem_shared>>
        tpu.wait_indirect_dma semaphore(%run_scoped3A : memref<!tpu.dma_semaphore, #tpu.memory_space<semaphore_mem>>) src(%arg11 : memref<80x128xf32, #tpu.memory_space<vmem>>) dst(%dma_wait3A_378 : memref<10112x128xf32, #tpu.memory_space<vmem_shared>>)
        tpu.yield
      }) : () -> ()
      "tpu.region"() ({
        %run_scoped3A = tpu.sem_alloc : memref<!tpu.dma_semaphore, #tpu.memory_space<semaphore_mem>>
        %dma_start3A_373 = arith.constant 0 : i32
        %dma_start3A_374 = arith.constant 0 : i32
        %dma_start3A_375 = tpu.memref_slice %arg26[%dma_start3A_373, %dma_start3A_374] : memref<10112x16xf32, #tpu.memory_space<vmem_shared>> -> memref<10112x16xf32, #tpu.memory_space<vmem_shared>>
        tpu.enqueue_indirect_dma source(%arg12 : memref<80x16xf32, #tpu.memory_space<vmem>>) target(%dma_start3A_375 : memref<10112x16xf32, #tpu.memory_space<vmem_shared>>) offsets(%arg10 : memref<80xi32, #tpu.memory_space<vmem>>) semaphore(%run_scoped3A : memref<!tpu.dma_semaphore, #tpu.memory_space<semaphore_mem>>) {add = true}
        %dma_wait3A_376 = arith.constant 0 : i32
        %dma_wait3A_377 = arith.constant 0 : i32
        %dma_wait3A_378 = tpu.memref_slice %arg26[%dma_wait3A_376, %dma_wait3A_377] : memref<10112x16xf32, #tpu.memory_space<vmem_shared>> -> memref<10112x16xf32, #tpu.memory_space<vmem_shared>>
        tpu.wait_indirect_dma semaphore(%run_scoped3A : memref<!tpu.dma_semaphore, #tpu.memory_space<semaphore_mem>>) src(%arg12 : memref<80x16xf32, #tpu.memory_space<vmem>>) dst(%dma_wait3A_378 : memref<10112x16xf32, #tpu.memory_space<vmem_shared>>)
        tpu.yield
      }) : () -> ()
    }
    %scan3A_131 = arith.constant 125 : i32
    %barrier3A_132 = arith.constant 0 : index
    tpu.barrier barrier_id(%barrier3A_132)
    %mul3A_133 = arith.constant 632 : i32
    %mul3A_134 = arith.muli %arg1, %mul3A_133 : i32
    %mul3A_135 = arith.constant 10112 : i32
    %mul3A_136 = arith.muli %arg0, %mul3A_135 : i32
    %mul3A_137 = arith.constant 632 : i32
    %mul3A_138 = arith.muli %arg1, %mul3A_137 : i32
    %add3A_139 = arith.addi %mul3A_136, %mul3A_138 : i32
    "tpu.region"() ({
      %run_scoped3A = tpu.sem_alloc : memref<!tpu.dma_semaphore, #tpu.memory_space<semaphore_mem>>
      %dma_start3A_147 = arith.constant 0 : i32
      %dma_start3A_148 = tpu.memref_slice %arg8[%add3A_139, %dma_start3A_147] : memref<20224x128xf32, #tpu.memory_space<hbm>> -> memref<632x128xf32, #tpu.memory_space<hbm>>
      %dma_start3A_149 = arith.constant 0 : i32
      %dma_start3A_150 = tpu.memref_slice %arg25[%mul3A_134, %dma_start3A_149] : memref<10112x128xf32, #tpu.memory_space<vmem_shared>> -> memref<632x128xf32, #tpu.memory_space<vmem_shared>>
      tpu.enqueue_dma source(%dma_start3A_150 : memref<632x128xf32, #tpu.memory_space<vmem_shared>>) target(%dma_start3A_148 : memref<632x128xf32, #tpu.memory_space<hbm>>) target_semaphore(%run_scoped3A : memref<!tpu.dma_semaphore, #tpu.memory_space<semaphore_mem>>)
      %dma_wait3A_151 = arith.constant 0 : i32
      %dma_wait3A_152 = tpu.memref_slice %arg8[%add3A_139, %dma_wait3A_151] : memref<20224x128xf32, #tpu.memory_space<hbm>> -> memref<632x128xf32, #tpu.memory_space<hbm>>
      %dma_wait3A_153 = arith.constant 0 : i32
      %dma_wait3A_154 = tpu.memref_slice %arg25[%mul3A_134, %dma_wait3A_153] : memref<10112x128xf32, #tpu.memory_space<vmem_shared>> -> memref<632x128xf32, #tpu.memory_space<vmem_shared>>
      tpu.wait_dma2 semaphore(%run_scoped3A : memref<!tpu.dma_semaphore, #tpu.memory_space<semaphore_mem>>) src(%dma_wait3A_154 : memref<632x128xf32, #tpu.memory_space<vmem_shared>>) dst(%dma_wait3A_152 : memref<632x128xf32, #tpu.memory_space<hbm>>)
      tpu.yield
    }) : () -> ()
    %mul3A_140 = arith.constant 632 : i32
    %mul3A_141 = arith.muli %arg1, %mul3A_140 : i32
    %mul3A_142 = arith.constant 10112 : i32
    %mul3A_143 = arith.muli %arg0, %mul3A_142 : i32
    %mul3A_144 = arith.constant 632 : i32
    %mul3A_145 = arith.muli %arg1, %mul3A_144 : i32
    %add3A_146 = arith.addi %mul3A_143, %mul3A_145 : i32
    "tpu.region"() ({
      %run_scoped3A = tpu.sem_alloc : memref<!tpu.dma_semaphore, #tpu.memory_space<semaphore_mem>>
      %dma_start3A_147 = arith.constant 0 : i32
      %dma_start3A_148 = tpu.memref_slice %arg9[%add3A_146, %dma_start3A_147] : memref<20224x16xf32, #tpu.memory_space<hbm>> -> memref<632x16xf32, #tpu.memory_space<hbm>>
      %dma_start3A_149 = arith.constant 0 : i32
      %dma_start3A_150 = tpu.memref_slice %arg26[%mul3A_141, %dma_start3A_149] : memref<10112x16xf32, #tpu.memory_space<vmem_shared>> -> memref<632x16xf32, #tpu.memory_space<vmem_shared>>
      tpu.enqueue_dma source(%dma_start3A_150 : memref<632x16xf32, #tpu.memory_space<vmem_shared>>) target(%dma_start3A_148 : memref<632x16xf32, #tpu.memory_space<hbm>>) target_semaphore(%run_scoped3A : memref<!tpu.dma_semaphore, #tpu.memory_space<semaphore_mem>>)
      %dma_wait3A_151 = arith.constant 0 : i32
      %dma_wait3A_152 = tpu.memref_slice %arg9[%add3A_146, %dma_wait3A_151] : memref<20224x16xf32, #tpu.memory_space<hbm>> -> memref<632x16xf32, #tpu.memory_space<hbm>>
      %dma_wait3A_153 = arith.constant 0 : i32
      %dma_wait3A_154 = tpu.memref_slice %arg26[%mul3A_141, %dma_wait3A_153] : memref<10112x16xf32, #tpu.memory_space<vmem_shared>> -> memref<632x16xf32, #tpu.memory_space<vmem_shared>>
      tpu.wait_dma2 semaphore(%run_scoped3A : memref<!tpu.dma_semaphore, #tpu.memory_space<semaphore_mem>>) src(%dma_wait3A_154 : memref<632x16xf32, #tpu.memory_space<vmem_shared>>) dst(%dma_wait3A_152 : memref<632x16xf32, #tpu.memory_space<hbm>>)
      tpu.yield
    }) : () -> ()
    return
  }
}

module attributes {stable_mosaic.version = 14 : i64} {
  func.func @_tc1_body(%arg0: i32, %arg1: i32, %arg2: memref<1024x128xf32, #tpu.memory_space<vmem>>, %arg3: memref<1x128x128xf32, #tpu.memory_space<vmem>>, %arg4: memref<1x128x16xf32, #tpu.memory_space<vmem>>, %arg5: memref<1024x128xf32, #tpu.memory_space<vmem>>, %arg6: memref<1024x16xf32, #tpu.memory_space<vmem>>) attributes {dimension_semantics = [#tpu.dimension_semantics<arbitrary>, #tpu.dimension_semantics<arbitrary>], iteration_bounds = array<i64: 2, 10>, scalar_prefetch = 0 : i64, scratch_operands = 0 : i64, tpu.core_type = #tpu.core_type<tc>, window_params = [{transform_indices = @transform_0, window_bounds = array<i64: 1024, 128>}, {transform_indices = @transform_1, window_bounds = array<i64: 1, 128, 128>}, {transform_indices = @transform_2, window_bounds = array<i64: 1, 128, 16>}, {transform_indices = @transform_3, window_bounds = array<i64: 1024, 128>}, {transform_indices = @transform_4, window_bounds = array<i64: 1024, 16>}]} {
    %get3A = arith.constant 0 : index
    %get3A_0 = arith.constant 0 : index
    %get3A_1 = vector.load %arg2[%get3A, %get3A_0] : memref<1024x128xf32, #tpu.memory_space<vmem>>, vector<1024x128xf32>
    %get3A_2 = arith.constant 0 : index
    %get3A_3 = arith.constant 0 : index
    %get3A_4 = arith.constant 0 : index
    %get3A_5 = vector.load %arg3[%get3A_2, %get3A_3, %get3A_4] : memref<1x128x128xf32, #tpu.memory_space<vmem>>, vector<1x128x128xf32>
    %get3A_6 = vector.shape_cast %get3A_5 : vector<1x128x128xf32> to vector<128x128xf32>
    %dot_general3A = arith.constant dense<0.000000e+00> : vector<1024x128xf32>
    %dot_general3A_7 = tpu.matmul %get3A_1, %get3A_6, %dot_general3A {dimension_numbers = #tpu.dot_dimension_numbers<[1], [0], [0], [1], [0, 0, 1, 1], [], []>, transpose_lhs_hint = false} : vector<1024x128xf32>, vector<128x128xf32>, vector<1024x128xf32> -> vector<1024x128xf32>
    %swap3A = arith.constant 0 : index
    %swap3A_8 = arith.constant 0 : index
    %swap3A_9 = vector.load %arg5[%swap3A, %swap3A_8] : memref<1024x128xf32, #tpu.memory_space<vmem>>, vector<1024x128xf32>
    tpu.vector_store %arg5[%swap3A, %swap3A_8], %dot_general3A_7 {strides = array<i32>} : memref<1024x128xf32, #tpu.memory_space<vmem>>, vector<1024x128xf32>,
    %get3A_10 = arith.constant 0 : index
    %get3A_11 = arith.constant 0 : index
    %get3A_12 = arith.constant 0 : index
    %get3A_13 = vector.load %arg4[%get3A_10, %get3A_11, %get3A_12] : memref<1x128x16xf32, #tpu.memory_space<vmem>>, vector<1x128x16xf32>
    %get3A_14 = vector.shape_cast %get3A_13 : vector<1x128x16xf32> to vector<128x16xf32>
    %dot_general3A_15 = arith.constant dense<0.000000e+00> : vector<1024x16xf32>
    %dot_general3A_16 = tpu.matmul %dot_general3A_7, %get3A_14, %dot_general3A_15 {dimension_numbers = #tpu.dot_dimension_numbers<[1], [0], [0], [1], [0, 0, 1, 1], [], []>, transpose_lhs_hint = false} : vector<1024x128xf32>, vector<128x16xf32>, vector<1024x16xf32> -> vector<1024x16xf32>
    %swap3A_17 = arith.constant 0 : index
    %swap3A_18 = arith.constant 0 : index
    %swap3A_19 = vector.load %arg6[%swap3A_17, %swap3A_18] : memref<1024x16xf32, #tpu.memory_space<vmem>>, vector<1024x16xf32>
    tpu.vector_store %arg6[%swap3A_17, %swap3A_18], %dot_general3A_16 {strides = array<i32>} : memref<1024x16xf32, #tpu.memory_space<vmem>>, vector<1024x16xf32>,
    return
  }
  func.func @transform_0(%arg0: i32, %arg1: i32) -> (i32, i32) {
    %c0_i32 = arith.constant 0 : i32
    %c0_i32_0 = arith.constant 0 : i32
    return %arg1, %c0_i32 : i32, i32
  }
  func.func @transform_1(%arg0: i32, %arg1: i32) -> (i32, i32, i32) {
    %c0_i32 = arith.constant 0 : i32
    %c0_i32_0 = arith.constant 0 : i32
    %c0_i32_1 = arith.constant 0 : i32
    return %arg0, %c0_i32, %c0_i32_0 : i32, i32, i32
  }
  func.func @transform_2(%arg0: i32, %arg1: i32) -> (i32, i32, i32) {
    %c0_i32 = arith.constant 0 : i32
    %c0_i32_0 = arith.constant 0 : i32
    %c0_i32_1 = arith.constant 0 : i32
    return %arg0, %c0_i32, %c0_i32_0 : i32, i32, i32
  }
  func.func @transform_3(%arg0: i32, %arg1: i32) -> (i32, i32) {
    %mul3A = arith.constant 10 : i32
    %mul3A_0 = arith.muli %arg0, %mul3A : i32
    %add3A = arith.addi %mul3A_0, %arg1 : i32
    %c0_i32 = arith.constant 0 : i32
    %c0_i32_1 = arith.constant 0 : i32
    return %add3A, %c0_i32 : i32, i32
  }
  func.func @transform_4(%arg0: i32, %arg1: i32) -> (i32, i32) {
    %mul3A = arith.constant 10 : i32
    %mul3A_0 = arith.muli %arg0, %mul3A : i32
    %add3A = arith.addi %mul3A_0, %arg1 : i32
    %c0_i32 = arith.constant 0 : i32
    %c0_i32_1 = arith.constant 0 : i32
    return %add3A, %c0_i32 : i32, i32
  }
}

module attributes {stable_mosaic.version = 14 : i64} {
  func.func @_tc2_body(%arg0: i32, %arg1: memref<632x128xf32, #tpu.memory_space<vmem>>, %arg2: memref<632x128xf32, #tpu.memory_space<vmem>>, %arg3: memref<632x16xf32, #tpu.memory_space<vmem>>, %arg4: memref<632x16xf32, #tpu.memory_space<vmem>>, %arg5: memref<256x16xf32, #tpu.memory_space<vmem>>, %arg6: memref<16x16xf32, #tpu.memory_space<vmem>>, %arg7: memref<16x16xf32, #tpu.memory_space<vmem>>, %arg8: memref<632x32xf32, #tpu.memory_space<vmem>>, %arg9: memref<632x16xf32, #tpu.memory_space<vmem>>) attributes {dimension_semantics = [#tpu.dimension_semantics<arbitrary>], iteration_bounds = array<i64: 16>, scalar_prefetch = 0 : i64, scratch_operands = 0 : i64, tpu.core_type = #tpu.core_type<tc>, window_params = [{transform_indices = @transform_0, window_bounds = array<i64: 632, 128>}, {transform_indices = @transform_1, window_bounds = array<i64: 632, 128>}, {transform_indices = @transform_2, window_bounds = array<i64: 632, 16>}, {transform_indices = @transform_3, window_bounds = array<i64: 632, 16>}, {pipeline_mode = #tpu.pipeline_mode<synchronous>, transform_indices = @transform_4, window_bounds = array<i64: 256, 16>}, {pipeline_mode = #tpu.pipeline_mode<synchronous>, transform_indices = @transform_5, window_bounds = array<i64: 16, 16>}, {pipeline_mode = #tpu.pipeline_mode<synchronous>, transform_indices = @transform_6, window_bounds = array<i64: 16, 16>}, {transform_indices = @transform_7, window_bounds = array<i64: 632, 32>}, {transform_indices = @transform_8, window_bounds = array<i64: 632, 16>}]} {
    %get3A = arith.constant 0 : index
    %get3A_0 = arith.constant 0 : index
    %get3A_1 = vector.load %arg1[%get3A, %get3A_0] : memref<632x128xf32, #tpu.memory_space<vmem>>, vector<632x128xf32>
    %get3A_2 = arith.constant 0 : index
    %get3A_3 = arith.constant 0 : index
    %get3A_4 = vector.load %arg3[%get3A_2, %get3A_3] : memref<632x16xf32, #tpu.memory_space<vmem>>, vector<632x16xf32>
    %slice3A = vector.extract_strided_slice %get3A_4 {offsets = [0, 0], sizes = [632, 1], strides = [1, 1]} : vector<632x16xf32> to vector<632x1xf32>
    %add3A = arith.constant 1.000000e-16 : f32
    %add3A_5 = vector.broadcast %add3A : f32 to vector<632x1xf32>
    %add3A_6 = arith.addf %slice3A, %add3A_5 : vector<632x1xf32>
    %slice3A_7 = vector.extract_strided_slice %get3A_4 {offsets = [0, 1], sizes = [632, 1], strides = [1, 1]} : vector<632x16xf32> to vector<632x1xf32>
    %add3A_8 = arith.constant 1.000000e-16 : f32
    %add3A_9 = vector.broadcast %add3A_8 : f32 to vector<632x1xf32>
    %add3A_10 = arith.addf %slice3A_7, %add3A_9 : vector<632x1xf32>
    %slice3A_11 = vector.extract_strided_slice %get3A_1 {offsets = [0, 0], sizes = [632, 64], strides = [1, 1]} : vector<632x128xf32> to vector<632x64xf32>
    %div3A = vector.broadcast %add3A_6 : vector<632x1xf32> to vector<632x64xf32>
    %div3A_12 = arith.divf %slice3A_11, %div3A : vector<632x64xf32>
    %slice3A_13 = vector.extract_strided_slice %get3A_1 {offsets = [0, 64], sizes = [632, 64], strides = [1, 1]} : vector<632x128xf32> to vector<632x64xf32>
    %div3A_14 = vector.broadcast %add3A_10 : vector<632x1xf32> to vector<632x64xf32>
    %div3A_15 = arith.divf %slice3A_13, %div3A_14 : vector<632x64xf32>
    %concatenate3A = tpu.concatenate %div3A_12, %div3A_15 in 1 : vector<632x64xf32>, vector<632x64xf32> -> vector<632x128xf32>
    %get3A_16 = arith.constant 0 : index
    %get3A_17 = arith.constant 0 : index
    %get3A_18 = vector.load %arg2[%get3A_16, %get3A_17] : memref<632x128xf32, #tpu.memory_space<vmem>>, vector<632x128xf32>
    %get3A_19 = arith.constant 0 : index
    %get3A_20 = arith.constant 0 : index
    %get3A_21 = vector.load %arg4[%get3A_19, %get3A_20] : memref<632x16xf32, #tpu.memory_space<vmem>>, vector<632x16xf32>
    %slice3A_22 = vector.extract_strided_slice %get3A_21 {offsets = [0, 0], sizes = [632, 1], strides = [1, 1]} : vector<632x16xf32> to vector<632x1xf32>
    %add3A_23 = arith.constant 1.000000e-16 : f32
    %add3A_24 = vector.broadcast %add3A_23 : f32 to vector<632x1xf32>
    %add3A_25 = arith.addf %slice3A_22, %add3A_24 : vector<632x1xf32>
    %slice3A_26 = vector.extract_strided_slice %get3A_21 {offsets = [0, 1], sizes = [632, 1], strides = [1, 1]} : vector<632x16xf32> to vector<632x1xf32>
    %add3A_27 = arith.constant 1.000000e-16 : f32
    %add3A_28 = vector.broadcast %add3A_27 : f32 to vector<632x1xf32>
    %add3A_29 = arith.addf %slice3A_26, %add3A_28 : vector<632x1xf32>
    %slice3A_30 = vector.extract_strided_slice %get3A_18 {offsets = [0, 0], sizes = [632, 64], strides = [1, 1]} : vector<632x128xf32> to vector<632x64xf32>
    %div3A_31 = vector.broadcast %add3A_25 : vector<632x1xf32> to vector<632x64xf32>
    %div3A_32 = arith.divf %slice3A_30, %div3A_31 : vector<632x64xf32>
    %slice3A_33 = vector.extract_strided_slice %get3A_18 {offsets = [0, 64], sizes = [632, 64], strides = [1, 1]} : vector<632x128xf32> to vector<632x64xf32>
    %div3A_34 = vector.broadcast %add3A_29 : vector<632x1xf32> to vector<632x64xf32>
    %div3A_35 = arith.divf %slice3A_33, %div3A_34 : vector<632x64xf32>
    %concatenate3A_36 = tpu.concatenate %div3A_32, %div3A_35 in 1 : vector<632x64xf32>, vector<632x64xf32> -> vector<632x128xf32>
    %concatenate3A_37 = tpu.concatenate %concatenate3A, %concatenate3A_36 in 1 : vector<632x128xf32>, vector<632x128xf32> -> vector<632x256xf32>
    %gt3A = arith.constant 0.000000e+00 : f32
    %gt3A_38 = vector.broadcast %gt3A : f32 to vector<632x256xf32>
    %gt3A_39 = arith.cmpf ogt, %concatenate3A_37, %gt3A_38 : vector<632x256xf32>
    %exp3A = math.exp %concatenate3A_37 : vector<632x256xf32>
    %sub3A = arith.constant 1.000000e+00 : f32
    %sub3A_40 = vector.broadcast %sub3A : f32 to vector<632x256xf32>
    %sub3A_41 = arith.subf %exp3A, %sub3A_40 : vector<632x256xf32>
    %select_n3A = arith.select %gt3A_39, %concatenate3A_37, %sub3A_41 : vector<632x256xi1>, vector<632x256xf32>
    %get3A_42 = arith.constant 0 : index
    %get3A_43 = arith.constant 0 : index
    %get3A_44 = vector.load %arg5[%get3A_42, %get3A_43] : memref<256x16xf32, #tpu.memory_space<vmem>>, vector<256x16xf32>
    %dot_general3A = arith.constant dense<0.000000e+00> : vector<632x16xf32>
    %dot_general3A_45 = tpu.matmul %select_n3A, %get3A_44, %dot_general3A {dimension_numbers = #tpu.dot_dimension_numbers<[1], [0], [0], [1], [0, 0, 1, 1], [], []>, transpose_lhs_hint = false} : vector<632x256xf32>, vector<256x16xf32>, vector<632x16xf32> -> vector<632x16xf32>
    %swap3A = arith.constant 0 : index
    %swap3A_46 = arith.constant 0 : index
    %swap3A_47 = vector.load %arg8[%swap3A, %swap3A_46] : memref<632x32xf32, #tpu.memory_space<vmem>>, vector<632x16xf32>
    tpu.vector_store %arg8[%swap3A, %swap3A_46], %dot_general3A_45 {strides = array<i32>} : memref<632x32xf32, #tpu.memory_space<vmem>>, vector<632x16xf32>,
    %get3A_48 = arith.constant 0 : index
    %get3A_49 = arith.constant 0 : index
    %get3A_50 = vector.load %arg6[%get3A_48, %get3A_49] : memref<16x16xf32, #tpu.memory_space<vmem>>, vector<16x16xf32>
    %dot_general3A_51 = arith.constant dense<0.000000e+00> : vector<632x16xf32>
    %dot_general3A_52 = tpu.matmul %dot_general3A_45, %get3A_50, %dot_general3A_51 {dimension_numbers = #tpu.dot_dimension_numbers<[1], [0], [0], [1], [0, 0, 1, 1], [], []>, transpose_lhs_hint = false} : vector<632x16xf32>, vector<16x16xf32>, vector<632x16xf32> -> vector<632x16xf32>
    %swap3A_53 = arith.constant 0 : index
    %swap3A_54 = arith.constant 16 : index
    %swap3A_55 = vector.load %arg8[%swap3A_53, %swap3A_54] : memref<632x32xf32, #tpu.memory_space<vmem>>, vector<632x16xf32>
    tpu.vector_store %arg8[%swap3A_53, %swap3A_54], %dot_general3A_52 {strides = array<i32>} : memref<632x32xf32, #tpu.memory_space<vmem>>, vector<632x16xf32>,
    %get3A_56 = arith.constant 0 : index
    %get3A_57 = arith.constant 0 : index
    %get3A_58 = vector.load %arg7[%get3A_56, %get3A_57] : memref<16x16xf32, #tpu.memory_space<vmem>>, vector<16x16xf32>
    %dot_general3A_59 = arith.constant dense<0.000000e+00> : vector<632x16xf32>
    %dot_general3A_60 = tpu.matmul %dot_general3A_45, %get3A_58, %dot_general3A_59 {dimension_numbers = #tpu.dot_dimension_numbers<[1], [0], [0], [1], [0, 0, 1, 1], [], []>, transpose_lhs_hint = false} : vector<632x16xf32>, vector<16x16xf32>, vector<632x16xf32> -> vector<632x16xf32>
    %swap3A_61 = arith.constant 0 : index
    %swap3A_62 = arith.constant 0 : index
    %swap3A_63 = vector.load %arg9[%swap3A_61, %swap3A_62] : memref<632x16xf32, #tpu.memory_space<vmem>>, vector<632x16xf32>
    tpu.vector_store %arg9[%swap3A_61, %swap3A_62], %dot_general3A_60 {strides = array<i32>} : memref<632x16xf32, #tpu.memory_space<vmem>>, vector<632x16xf32>,
    return
  }
  func.func @transform_0(%arg0: i32) -> (i32, i32) {
    %c0_i32 = arith.constant 0 : i32
    %c0_i32_0 = arith.constant 0 : i32
    return %arg0, %c0_i32 : i32, i32
  }
  func.func @transform_1(%arg0: i32) -> (i32, i32) {
    %add3A = arith.constant 16 : i32
    %add3A_0 = arith.addi %add3A, %arg0 : i32
    %c0_i32 = arith.constant 0 : i32
    %c0_i32_1 = arith.constant 0 : i32
    return %add3A_0, %c0_i32 : i32, i32
  }
  func.func @transform_2(%arg0: i32) -> (i32, i32) {
    %c0_i32 = arith.constant 0 : i32
    %c0_i32_0 = arith.constant 0 : i32
    return %arg0, %c0_i32 : i32, i32
  }
  func.func @transform_3(%arg0: i32) -> (i32, i32) {
    %add3A = arith.constant 16 : i32
    %add3A_0 = arith.addi %add3A, %arg0 : i32
    %c0_i32 = arith.constant 0 : i32
    %c0_i32_1 = arith.constant 0 : i32
    return %add3A_0, %c0_i32 : i32, i32
  }
  func.func @transform_4(%arg0: i32) -> (i32, i32) {
    %c0_i32 = arith.constant 0 : i32
    %c0_i32_0 = arith.constant 0 : i32
    %c0_i32_1 = arith.constant 0 : i32
    return %c0_i32, %c0_i32_0 : i32, i32
  }
  func.func @transform_5(%arg0: i32) -> (i32, i32) {
    %c0_i32 = arith.constant 0 : i32
    %c0_i32_0 = arith.constant 0 : i32
    %c0_i32_1 = arith.constant 0 : i32
    return %c0_i32, %c0_i32_0 : i32, i32
  }
  func.func @transform_6(%arg0: i32) -> (i32, i32) {
    %c0_i32 = arith.constant 0 : i32
    %c0_i32_0 = arith.constant 0 : i32
    %c0_i32_1 = arith.constant 0 : i32
    return %c0_i32, %c0_i32_0 : i32, i32
  }
  func.func @transform_7(%arg0: i32) -> (i32, i32) {
    %c0_i32 = arith.constant 0 : i32
    %c0_i32_0 = arith.constant 0 : i32
    return %arg0, %c0_i32 : i32, i32
  }
  func.func @transform_8(%arg0: i32) -> (i32, i32) {
    %c0_i32 = arith.constant 0 : i32
    %c0_i32_0 = arith.constant 0 : i32
    return %arg0, %c0_i32 : i32, i32
  }
}

module attributes {stable_mosaic.version = 14 : i64} {
  func.func @_tc3_body(%arg0: i32, %arg1: memref<632x32xf32, #tpu.memory_space<vmem>>, %arg2: memref<632x32xf32, #tpu.memory_space<vmem>>, %arg3: memref<632x16xf32, #tpu.memory_space<vmem>>) attributes {dimension_semantics = [#tpu.dimension_semantics<arbitrary>], iteration_bounds = array<i64: 16>, scalar_prefetch = 0 : i64, scratch_operands = 0 : i64, tpu.core_type = #tpu.core_type<tc>, window_params = [{transform_indices = @transform_0, window_bounds = array<i64: 632, 32>}, {transform_indices = @transform_1, window_bounds = array<i64: 632, 32>}, {transform_indices = @transform_2, window_bounds = array<i64: 632, 16>}]} {
    %get3A = arith.constant 0 : index
    %get3A_0 = arith.constant 0 : index
    %get3A_1 = vector.load %arg1[%get3A, %get3A_0] : memref<632x32xf32, #tpu.memory_space<vmem>>, vector<632x32xf32>
    %get3A_2 = arith.constant 0 : index
    %get3A_3 = arith.constant 0 : index
    %get3A_4 = vector.load %arg2[%get3A_2, %get3A_3] : memref<632x32xf32, #tpu.memory_space<vmem>>, vector<632x32xf32>
    %add3A = arith.addf %get3A_1, %get3A_4 : vector<632x32xf32>
    %slice3A = vector.extract_strided_slice %add3A {offsets = [0, 0], sizes = [632, 16], strides = [1, 1]} : vector<632x32xf32> to vector<632x16xf32>
    %slice3A_5 = vector.extract_strided_slice %add3A {offsets = [0, 16], sizes = [632, 1], strides = [1, 1]} : vector<632x32xf32> to vector<632x1xf32>
    %add3A_6 = arith.constant 1.000000e-16 : f32
    %add3A_7 = vector.broadcast %add3A_6 : f32 to vector<632x1xf32>
    %add3A_8 = arith.addf %slice3A_5, %add3A_7 : vector<632x1xf32>
    %div3A = vector.broadcast %add3A_8 : vector<632x1xf32> to vector<632x16xf32>
    %div3A_9 = arith.divf %slice3A, %div3A : vector<632x16xf32>
    %gt3A = arith.constant 0.000000e+00 : f32
    %gt3A_10 = vector.broadcast %gt3A : f32 to vector<632x16xf32>
    %gt3A_11 = arith.cmpf ogt, %div3A_9, %gt3A_10 : vector<632x16xf32>
    %exp3A = math.exp %div3A_9 : vector<632x16xf32>
    %sub3A = arith.constant 1.000000e+00 : f32
    %sub3A_12 = vector.broadcast %sub3A : f32 to vector<632x16xf32>
    %sub3A_13 = arith.subf %exp3A, %sub3A_12 : vector<632x16xf32>
    %select_n3A = arith.select %gt3A_11, %div3A_9, %sub3A_13 : vector<632x16xi1>, vector<632x16xf32>
    %reduce_max3A = arith.constant dense<0xFF800000> : vector<632xf32>
    %reduce_max3A_14 = vector.multi_reduction <maximumf>, %select_n3A, %reduce_max3A [1] : vector<632x16xf32> to vector<632xf32>
    %broadcast_in_dim3A = vector.shape_cast %reduce_max3A_14 : vector<632xf32> to vector<632x1xf32>
    %sub3A_15 = vector.broadcast %broadcast_in_dim3A : vector<632x1xf32> to vector<632x16xf32>
    %sub3A_16 = arith.subf %select_n3A, %sub3A_15 : vector<632x16xf32>
    %exp3A_17 = math.exp %sub3A_16 : vector<632x16xf32>
    %reduce_sum3A = arith.constant dense<0.000000e+00> : vector<632xf32>
    %reduce_sum3A_18 = vector.multi_reduction <add>, %exp3A_17, %reduce_sum3A [1] : vector<632x16xf32> to vector<632xf32>
    %broadcast_in_dim3A_19 = vector.shape_cast %reduce_sum3A_18 : vector<632xf32> to vector<632x1xf32>
    %log3A = math.log %broadcast_in_dim3A_19 : vector<632x1xf32>
    %add3A_20 = arith.addf %log3A, %broadcast_in_dim3A : vector<632x1xf32>
    %sub3A_21 = vector.broadcast %add3A_20 : vector<632x1xf32> to vector<632x16xf32>
    %sub3A_22 = arith.subf %select_n3A, %sub3A_21 : vector<632x16xf32>
    %swap3A = arith.constant 0 : index
    %swap3A_23 = arith.constant 0 : index
    %swap3A_24 = vector.load %arg3[%swap3A, %swap3A_23] : memref<632x16xf32, #tpu.memory_space<vmem>>, vector<632x16xf32>
    tpu.vector_store %arg3[%swap3A, %swap3A_23], %sub3A_22 {strides = array<i32>} : memref<632x16xf32, #tpu.memory_space<vmem>>, vector<632x16xf32>,
    return
  }
  func.func @transform_0(%arg0: i32) -> (i32, i32) {
    %c0_i32 = arith.constant 0 : i32
    %c0_i32_0 = arith.constant 0 : i32
    return %arg0, %c0_i32 : i32, i32
  }
  func.func @transform_1(%arg0: i32) -> (i32, i32) {
    %add3A = arith.constant 16 : i32
    %add3A_0 = arith.addi %add3A, %arg0 : i32
    %c0_i32 = arith.constant 0 : i32
    %c0_i32_1 = arith.constant 0 : i32
    return %add3A_0, %c0_i32 : i32, i32
  }
  func.func @transform_2(%arg0: i32) -> (i32, i32) {
    %c0_i32 = arith.constant 0 : i32
    %c0_i32_0 = arith.constant 0 : i32
    return %arg0, %c0_i32 : i32, i32
  }
}

</mosaic_0001>

<sc_bundles>
// kernel: kernel.10.cloned.1.call-start
scs
__scs_entry_jumppad:
0x0: {  	(pc) =	sbr.rel $0x88, $3  }
0x1: {  	(tag) =	ssettag $0x0;
	lr =	simm.s32 $0x1  }
0x2: {  	[smem:$0x3F95] =	sst lr;
	_ =	strace $0xD0000000  }
0x3: {  	_ = 	snop  }
0x4: {  	_ = 	snop  }
0x5: {  	_ = 	snop  }
0x6: {  	_ = 	snop  }
0x7: {  	_ = 	snop  }
__scs_overlays_trampoline_lowered:
0x8: {  	[smem:$0x3FA4] =	sst s0  }
0x9: {  	[smem:$0x3FA5] =	sst s1  }
0xa: {  	[smem:$0x3FA6] =	sst s2  }
0xb: {  	[smem:$0x3FA7] =	sst s3  }
0xc: {  	[smem:$0x3FA8] =	sst s4  }
0xd: {  	[smem:$0x3FA9] =	sst s5  }
0xe: {  	[smem:$0x3FAA] =	sst s6  }
0xf: {  	[smem:$0x3FAB] =	sst s7  }
0x10: {  	[smem:$0x3FAC] =	sst s8  }
0x11: {  	[smem:$0x3FAD] =	sst s9;
	s0 =	simm.s32 @!p0 $0x0  }
0x12: {  	s1 =	sld [smem:$0x3F93];
	s0 =	simm.s32 @p0 $0x1  }
0x13: {  	[smem:$0x3FAE] =	sst s0;
	s0 =	simm.s32 @!p1 $0x0  }
0x14: {  	s2 =	sld [smem:$0x3F92];
	s0 =	simm.s32 @p1 $0x1  }
0x15: {  	[smem:$0x3FAF] =	sst s0;
	s0 =	simm.s32 @!p2 $0x0  }
0x16: {  	s3 =	sld [smem:$0x3FDB];
	s0 =	simm.s32 @p2 $0x1  }
0x17: {  	s4 =	simm.s32 $0x1BF5;
	[smem:$0x3FB1] =	sst s0  }
0x18: {  	s0 =	sld [smem:$0x3F94];
	_ =	swait.ge [sflag:s4], $0x0  }
0x19: {  	s7 =	sld [smem:$0x3F95]  }
0x1a: {  	s8 =	sadd.s32 $0xFFFFE003, lr  }
0x1b: {  	s9 =	sadd.s32 $0xFFFFFEF7, lr;
	s5 =	simm.s32 $0xFFFFFFFF;
	p2 =	slt.u32 s8, $0xFFFFF086  }
0x1c: {  	p1 =	slt.u32 s9, $0xF7A;
	s5 =	simm.s32 @!p2 $0x0  }
0x1d: {  	s5 =	simm.s32 @p1 $0x1;
	p0 =	seq.s32 s7, s2  }
0x1e: {  	s7 =	smul.u32 @!p0 $0xF7A, s2;
	p2 =	seq.s32 @!p0 s5, $0x0  }
0x1f: {  	s9 =	smul.u32 $0xF7A, s1;
	s8 =	simm.s32 @!p0 $0x1BF5;
	p2 =	por !p2, p0  }
0x20: {  	[sflag:s8] =	ssyncset.s32 @!p0 $0xFFFFF086;
	s6 =	sadd.s32 @!p0 s3, s7;
	s7 =	simm.s32 @!p0 $0x108  }
0x21: {  	s3 =	sadd.s32 s3, s9;
	s6 =	sadd.s32 @!p0 $0x88, s6;
	s7 =	simm.s32 @p2 $0x1082  }
0x22: {  	[simem:s7], [sflag:s8] =	dma.local @!p0 [hbm:s6], $0xF7A  }
0x23: {  	s9 =	sor.u32 $0xD0000000, s2;
	s6 =	simm.s32 $0x108;
	_ =	swait.ge @!p0 [sflag:s8], $0x0  }
0x24: {  	s3 =	sadd.s32 $0x88, s3;
	s6 =	simm.s32 @!p1 $0x1082;
	[sflag:s4] =	ssyncset.s32 $0xFFFFF086  }
0x25: {  	[simem:s6], [sflag:s4] =	dma.local [hbm:s3], $0xF7A  }
0x26: {  	[smem:$0x3F95] =	sst s1;
	(tag) =	ssettag s2;
	_ =	strace s9  }
0x27: {  	s1 =	sld [smem:$0x3FA5]  }
0x28: {  	s2 =	sld [smem:$0x3FA6]  }
0x29: {  	s4 =	sld [smem:$0x3FA8]  }
0x2a: {  	p0 =	seq.s32 s5, $0x0;
	s5 =	sld [smem:$0x3FA9]  }
0x2b: {  	s6 =	sld [smem:$0x3FAA]  }
0x2c: {  	s7 =	sld [smem:$0x3FAB]  }
0x2d: {  	s3 =	simm.s32 $0x108;
	s8 =	sld [smem:$0x3FAC]  }
0x2e: {  	s3 =	simm.s32 @!p0 $0x1082;
	s9 =	sld [smem:$0x3FAD]  }
0x2f: {  	lr =	sadd.s32 s0, s3;
	s0 =	sld [smem:$0x3FA4]  }
0x30: {  	s3 =	sld [smem:$0x3FA7]  }
0x31: {  	[smem:$0x3FB0] =	sst s10  }
0x32: {  	s10 =	sld [smem:$0x3FAE];
	_ =	sdelay $0x3  }
0x33: {  	p0 =	seq.s32 s10, $0x1;
	s10 =	sld [smem:$0x3FB0];
	_ =	sdelay $0x3  }
0x34: {  	[smem:$0x3FB0] =	sst s10  }
0x35: {  	s10 =	sld [smem:$0x3FAF];
	_ =	sdelay $0x3  }
0x36: {  	p1 =	seq.s32 s10, $0x1;
	s10 =	sld [smem:$0x3FB0];
	_ =	sdelay $0x3  }
0x37: {  	[smem:$0x3FB0] =	sst s10  }
0x38: {  	s10 =	sld [smem:$0x3FB1]  }
0x39: {  	_ = 	snop;
	(pc) =	sbr.ind lr, $3  }
0x3a: {  	_ = 	snop  }
0x3b: {  	_ = 	snop  }
0x3c: {  	p2 =	seq.s32 s10, $0x1;
	s10 =	sld [smem:$0x3FB0]  }
0x3d: {  	_ =	shalt  }
0x3e: {  	_ =	shalt  }
0x3f: {  	_ =	shalt  }
0x40: {  	_ =	shalt  }
0x41: {  	_ =	shalt  }
0x42: {  	_ =	shalt  }
0x43: {  	_ =	shalt  }
0x44: {  	_ =	shalt  }
0x45: {  	_ =	shalt  }
0x46: {  	_ =	shalt  }
0x47: {  	_ =	shalt  }
0x48: {  	_ =	shalt  }
0x49: {  	_ =	shalt  }
0x4a: {  	_ =	shalt  }
0x4b: {  	_ =	shalt  }
0x4c: {  	_ =	shalt  }
0x4d: {  	_ =	shalt  }
0x4e: {  	_ =	shalt  }
0x4f: {  	_ =	shalt  }
0x50: {  	_ =	shalt  }
0x51: {  	_ =	shalt  }
0x52: {  	_ =	shalt  }
0x53: {  	_ =	shalt  }
0x54: {  	_ =	shalt  }
0x55: {  	_ =	shalt  }
0x56: {  	_ =	shalt  }
0x57: {  	_ =	shalt  }
0x58: {  	_ =	shalt  }
0x59: {  	_ =	shalt  }
0x5a: {  	_ =	shalt  }
0x5b: {  	_ =	shalt  }
0x5c: {  	_ =	shalt  }
0x5d: {  	_ =	shalt  }
0x5e: {  	_ =	shalt  }
0x5f: {  	_ =	shalt  }
0x60: {  	_ =	shalt  }
0x61: {  	_ =	shalt  }
0x62: {  	_ =	shalt  }
0x63: {  	_ =	shalt  }
0x64: {  	_ =	shalt  }
0x65: {  	_ =	shalt  }
0x66: {  	_ =	shalt  }
0x67: {  	_ =	shalt  }
0x68: {  	_ =	shalt  }
0x69: {  	_ =	shalt  }
0x6a: {  	_ =	shalt  }
0x6b: {  	_ =	shalt  }
0x6c: {  	_ =	shalt  }
0x6d: {  	_ =	shalt  }
0x6e: {  	_ =	shalt  }
0x6f: {  	_ =	shalt  }
0x70: {  	_ =	shalt  }
0x71: {  	_ =	shalt  }
0x72: {  	_ =	shalt  }
0x73: {  	_ =	shalt  }
0x74: {  	_ =	shalt  }
0x75: {  	_ =	shalt  }
0x76: {  	_ =	shalt  }
0x77: {  	_ =	shalt  }
0x78: {  	_ =	shalt  }
0x79: {  	_ =	shalt  }
0x7a: {  	_ =	shalt  }
0x7b: {  	_ =	shalt  }
0x7c: {  	_ =	shalt  }
0x7d: {  	_ =	shalt  }
0x7e: {  	_ =	shalt  }
0x7f: {  	_ =	shalt  }
0x80: {  	_ =	shalt  }
0x81: {  	_ =	shalt  }
0x82: {  	_ =	shalt  }
0x83: {  	_ =	shalt  }
0x84: {  	_ =	shalt  }
0x85: {  	_ =	shalt  }
0x86: {  	_ =	shalt  }
0x87: {  	_ =	shalt  }
.Lfunc_end0:
.L_simem_size_0:
called_computation.1_lowered:
.L_overlay_start_0:
0x88: {  	s2 =	sld [smem:$0x3FD9]  }
0x89: {  	s3 =	sld [smem:$0x3FFE];
	_ =	sdelay $0x1  }
0x8a: {  	s1 =	srdreg.scid  }
0x8b: {  	s0 =	sand.u32 $0x1, s1  }
0x8c: {  	s17 =	sshll.u32 s0, $0xA;
	s2 =	sadd.s32 s3, s2  }
0x8d: {  	s2 =	sadd.s32 s2, s17  }
0x8e: {  	[smem:$0x3FBC] =	sst s2  }
0x8f: {  	_ = 	snop  }
0x90: {  	s2 =	sld [smem:$0x3FD0];
	(tm) =	ssettm $0x1  }
0x91: {  	s18 =	sld [smem:$0x3FFB];
	_ =	sdelay $0x3  }
0x92: {  	_ =	strace s18  }
0x93: {  	s3 =	sld [smem:$0x3FFC];
	_ =	sdelay $0x3  }
0x94: {  	_ =	strace s3  }
0x95: {  	s3 =	sld [smem:$0x3FFD];
	_ =	sdelay $0x3  }
0x96: {  	_ =	strace s3  }
0x97: {  	_ =	strace $0x8FFFFFFF  }
0x98: {  	s19 =	sld [smem:$0x3FDB];
	_ =	sdelay $0x1  }
0x99: {  	s4 =	simm.s32 $_scs_section_size  }
0x9a: {  	s5 =	simm.s32 $_size__tile_overlayer_lowered;
	s6 =	simm.s32 $_tile_overlayer_lowered  }
0x9b: {  	s22 =	simm.s32 $0x1BFF;
	s21 =	sshll.u32 s6, $0x1;
	s3 =	sadd.s32 s4, s19  }
0x9c: {  	s7 =	simm.s32 $0x0;
	s20 =	sshll.u32 s5, $0x1;
	s5 =	sadd.s32 s21, s3  }
0x9d: {  	[timem:s7], [sflag:s22] =	dma.local [hbm:s5], s20  }
0x9e: {  	_ =	swait.ge [sflag:s22], s20  }
0x9f: {  	s4 =	ssub.s32 $0x0, s20;
	[sflag:s22] =	ssyncset.done $0x0  }
0xa0: {  	[sflag:s22] =	ssyncadd.s32 s4;
	_ =	sdelay $0x1  }
0xa1: {  	s23 =	simm.s32 $0x1B8B  }
0xa2: {  	_ =	swait.ge [sflag:s23], $0x1  }
0xa3: {  	[sflag:s23] =	ssyncset.done $0x0  }
0xa4: {  	s25 =	simm.s32 $0x1B8E;
	s24 =	sld [smem:$0x3FFE];
	[sflag:s23] =	ssyncadd.s32 $0xFFFFFFFF  }
0xa5: {  	s26 =	simm.s32 $execute0_lowered;
	[smem:$0x3FD2] =	sst s25  }
0xa6: {  	s5 =	sshll.u32 s26, $0x1;
	_ =	strace $0x80000049;
	[dreg:$0x1] =	wrdreg $0xFFFFFFFF  }
0xa7: {  	s28 =	simm.s32 $_size_execute0_lowered;
	s3 =	sadd.s32 s3, s5;
	[dreg:$0x0] =	wrdreg $0x0  }
0xa8: {  	s5 =	sshll.u32 s28, $0x1;
	[dreg:$0x2] =	wrdreg s3  }
0xa9: {  	[dreg:$0x3] =	wrdreg s5  }
0xaa: {  	[dreg:$0x4] =	wrdreg $0xC0  }
0xab: {  	_ =	task [dreg:s7], $0x5FFFF  }
0xac: {  	[dreg:$0x1] =	wrdreg $0xFFFFFFFF  }
0xad: {  	[dreg:$0x0] =	wrdreg $0x60  }
0xae: {  	[dreg:$0x2] =	wrdreg s24  }
0xaf: {  	[dreg:$0x3] =	wrdreg s2  }
0xb0: {  	[dreg:$0x4] =	wrdreg $0x29900  }
0xb1: {  	[dreg:$0x5] =	wrdreg $0x9  }
0xb2: {  	_ =	task.clear_ibuf [dreg:s7], $0x6FFFF;
	_ =	strace $0x90000049  }
0xb3: {  	s29 =	simm.s32 $0x9;
	_ =	strace $0x8000004B  }
0xb4: {  	_ =	swait.ge [sflag:s29], $0x1  }
0xb5: {  	[sflag:s29] =	ssyncadd.s32 $0xFFFFFFFF  }
0xb6: {  	_ =	strace $0x9000004B  }
0xb7: {  	_ =	sfence  }
0xb8: {  	s30 =	sld [smem:$0x0];
	_ =	sdelay $0x2  }
0xb9: {  	s31 =	sshll.u32 s1, $0xD;
	s1 =	sshrl.u32 s1, $0x2  }
0xba: {  	s3 =	sand.u32 $0x4000, s31;
	s1 =	sadd.s32 s1, s30  }
0xbb: {  	s0 =	sor.u32 s3, s0;
	s1 =	sshll.u32 s1, $0x11  }
0xbc: {  	s0 =	sor.u32 s1, s0  }
0xbd: {  	s0 =	sadd.s32 $0x8F2B, s0  }
0xbe: {  	[sflag:s0] =	ssyncadd.remote.s32 $0x1  }
0xbf: {  	_ =	sfence.sel $0xFFFF  }
0xc0: {  	[dreg:$0x0] =	wrdreg $0xFFFFFFFF;
	(pc) =	sbr.abs _section_cstart, $3  }
0xc1: {  	[dreg:$0x1] =	wrdreg $0xFFFFFFFF  }
0xc2: {  	_ =	task.clear_ibuf [dreg:s7], $0x2FFFF;
	_ =	strace $0x9FFFFFFF  }
0xc3: {  	(tm) =	ssettm $0x7FFFFFFF  }
tec
execute0_lowered:
.L_overlay_start_1:
0x0: {  	(tag) =	ssettag $0x1  }
0x1: {  	s0 =	rddreg [dreg:$0x0]  }
0x2: {  	s1 =	rddreg [dreg:$0x1]  }
0x3: {  	s2 =	rddreg [dreg:$0x2];
	s3 =	simm.s32 $0x0  }
0x4: {  	s4 =	srdreg.scid;
	s12 =	stileid.u32;
	s28 =	simm.s32 $0x14F0  }
0x5: {  	s29 =	simm.s32 $0x1;
	s30 =	simm.s32 $0x6;
	s31 =	simm.s32 $0x2  }
0x6: {  	[smem:$0x7FF] =	sst s3;
	s5 =	sadd.s32 $0x15400, s0;
	s6 =	sadd.s32 $0xB600, s0  }
0x7: {  	s7 =	sadd.s32 $0x1800, s0;
	s4 =	sand.u32 $0x1, s4;
	s8 =	smul.u32 $0x9E0, s12  }
0x8: {  	s9 =	sadd.s32 $0x1F200, s0;
	s10 =	sshll.u32 s12, $0x1;
	s16 =	smul.u32 $0x13C00, s12  }
0x9: {  	s20 =	sshll.u32 s12, $0x6;
	_ =	strace $0x8000004A;
	[dreg:$0x4] =	wrdreg s9  }
0xa: {  	s15 =	smul.u32 $0x9E00, s4;
	s11 =	ssub.s32 $0x2, s4;
	s4 =	sor.u32 s4, s10  }
0xb: {  	s9 =	sor.u32 $0x1C05, s20;
	s20 =	simm.s32 $0xA50;
	s17 =	sshrl.u32 s11, $0x1  }
0xc: {  	s4 =	smul.u32 $0x2710, s4;
	s19 =	sshrl.u32 s16, $0x2;
	s8 =	sadd.s32 s8, s15  }
0xd: {  	s18 =	ssub.s32 s11, s17;
	s10 =	sadd.s32 s19, s2;
	s19 =	simm.s32 $0x5  }
0xe: {  	s0 =	sadd.s32 s8, s0;
	s21 =	sshrl.u32 s4, $0x3;
	s14 =	sadd.s32 $0xA0, s4  }
0xf: {  	s15 =	sadd.s32 $0xF0, s4;
	s26 =	smax.u32 s18, $0x1;
	s18 =	sshrl.u32 s10, $0x3  }
0x10: {  	s22 =	sadd.s32 s6, s21;
	s23 =	sadd.s32 $0xA, s21;
	[dreg:$0xa] =	wrdreg s26  }
.Ltmp0:
0x11: {  	s11 =	sadd.s32 s7, s21;
	[dreg:$0x5] =	wrdreg s22;
	(pc) =	sbr.rel .LBB2_1-.Ltmp0, $4  }
0x12: {  	s0 =	sadd.s32 $0x1FC00, s0;
	s21 =	simm.s32 $0xAA0;
	[dreg:$0x6] =	wrdreg s11  }
0x13: {  	s26 =	simm.s32 $0xAF0;
	s24 =	sadd.s32 s6, s23;
	[dreg:$0x9] =	wrdreg s0  }
0x14: {  	s25 =	sadd.s32 s7, s23;
	s0 =	simm.s32 $0x0;
	[dreg:$0x7] =	wrdreg s24  }
0x15: {  	v0 =	vimm.s32 $0x0;
	vm0 =	vmmov $0x1;
	[dreg:$0x8] =	wrdreg s25;
	s24 =	simm.s32 $0x3;
	s25 =	simm.s32 $0x50  }
.LBB2_10:
0x16: {  	[bflag:$0x0] =	sbarrier.arrive $0xFFFF  }
0x17: {  	s4 =	rddreg [dreg:$0x9]  }
0x18: {  	[hbm:s4], [sflag:s9] =	dma.local [spmem:s18], $0x9E0  }
0x19: {  	_ =	swait.ge [sflag:s19], $0x9E0  }
0x1a: {  	s0 =	sadd.s32 $0x1, s0;
	s23 =	rddreg [dreg:$0xa]  }
0x1b: {  	p0 =	sne.s32 s0, s23  }
.Ltmp1:
0x1c: {  	_ = 	snop;
	(pc) =	sbr.rel @!p0 .LBB2_11-.Ltmp1, $3  }
0x1d: {  	_ =	sdelay $0x1  }
0x1e: {  	[sflag:s19] =	ssyncset.done $0x0  }
0x1f: {  	[sflag:s19] =	ssyncadd.s32 $0xFFFFF620  }
.LBB2_1:
0x20: {  	s4 =	rddreg [dreg:$0x4]  }
0x21: {  	[spmem:s18], [sflag:s9] =	dma.local [hbm:s4], $0x9E0  }
0x22: {  	_ =	swait.ge [sflag:s19], $0x9E0  }
0x23: {  	[sflag:s19] =	ssyncset.done $0x0  }
0x24: {  	[sflag:s19] =	ssyncadd.s32 $0xFFFFF620  }
0x25: {  	[bflag:$0x0] =	sbarrier.arrive $0xFFFF  }
0x26: {  	s13 =	rddreg [dreg:$0x5]  }
0x27: {  	[tilespmem:s20], [sflag:$0x3] =	stream.linear.gather [hbm4b:s13+s3], $0x50, $0x38;
	[tilespmem:$0x7890] =	vst v63  }
0x28: {  	s16 =	rddreg [dreg:$0x6]  }
0x29: {  	[tilespmem:s21], [sflag:$0x3] =	stream.linear.gather [hbm4b:s16+s3], $0x50, $0x38;
	[tilespmem:$0x7890] =	vst v63  }
0x2a: {  	s8 =	simm.s32 $0x19F0;
	s17 =	rddreg [dreg:$0x7]  }
0x2b: {  	[tilespmem:s8], [sflag:$0x4] =	stream.linear.gather [hbm4b:s17+s3], $0x50, $0x38;
	[tilespmem:$0x7890] =	vst v63  }
0x2c: {  	s23 =	simm.s32 $0x1A40;
	s22 =	rddreg [dreg:$0x8]  }
0x2d: {  	[tilespmem:s23], [sflag:$0x4] =	stream.linear.gather [hbm4b:s22+s3], $0x50, $0x38;
	[tilespmem:$0x7890] =	vst v63  }
0x2e: {  	_ =	swait.ge [sflag:s24], $0x50  }
0x2f: {  	[sflag:s24] =	ssyncset.done $0x0  }
0x30: {  	[sflag:s24] =	ssyncadd.s32 $0xFFFFFFB0  }
0x31: {  	_ =	swait.ge [sflag:s24], $0x50  }
.Ltmp2:
0x32: {  	[sflag:s24] =	ssyncset.done $0x0;
	(pc) =	sbr.rel .LBB2_2-.Ltmp2, $4  }
0x33: {  	[sflag:s24] =	ssyncadd.s32 $0xFFFFFFB0  }
0x34: {  	[tilespmem:s26], [sflag:$0x1] =	stream.indirect.gather [hbm4b:s5+s25], $0x20, s21, s25, $0xb8;
	[tilespmem:$0x7890] =	vst v63  }
0x35: {  	s4 =	simm.s32 $0x0  }
0x36: {  	[tilespmem:s28], [sflag:$0x1] =	stream.indirect.gather [hbm4b:s1+s25], $0x10, s20, s25, $0xb8;
	[tilespmem:$0x7890] =	vst v63  }
.LBB2_9:
0x37: {  	s4 =	sadd.s32 $0x1, s4  }
.LBB2_2:
0x38: {  	p0 =	sgt.u32 s4, $0x3D  }
0x39: {  	s8 =	simm.s32 @!p0 $0x4  }
0x3a: {  	_ =	swait.ge @!p0 [sflag:s8], $0x50  }
0x3b: {  	[sflag:s8] =	ssyncset.done @!p0 $0x0  }
0x3c: {  	[sflag:s8] =	ssyncadd.s32 @!p0 $0xFFFFFFB0  }
0x3d: {  	_ =	swait.ge @!p0 [sflag:s8], $0x50  }
0x3e: {  	s10 =	simm.s32 @!p0 $0x1A40;
	[sflag:s8] =	ssyncset.done @!p0 $0x0  }
0x3f: {  	s11 =	simm.s32 @!p0 $0x1A90;
	[sflag:s8] =	ssyncadd.s32 @!p0 $0xFFFFFFB0;
	s8 =	simm.s32 @!p0 $0x50  }
0x40: {  	[tilespmem:s11], [sflag:$0x2] =	stream.indirect.gather @!p0 [hbm4b:s5+s8], $0x20, s10, s8, $0xb8;
	[tilespmem:$0x7890] =	vst v63  }
0x41: {  	s10 =	simm.s32 @!p0 $0x19F0;
	s11 =	simm.s32 @!p0 $0x2490  }
0x42: {  	[tilespmem:s11], [sflag:$0x2] =	stream.indirect.gather @!p0 [hbm4b:s1+s8], $0x10, s10, s8, $0xb8;
	[tilespmem:$0x7890] =	vst v63  }
0x43: {  	_ =	swait.ge [sflag:s29], $0xA00  }
0x44: {  	[sflag:s29] =	ssyncset.done $0x0  }
0x45: {  	[sflag:s29] =	ssyncadd.s32 $0xFFFFF600  }
0x46: {  	_ =	swait.ge [sflag:s29], $0x500  }
0x47: {  	[sflag:s29] =	ssyncset.done $0x0  }
0x48: {  	[sflag:s29] =	ssyncadd.s32 $0xFFFFFB00  }
0x49: {  	v1 =	vld [tilespmem:$0xA50]  }
0x4a: {  	v2 =	vld [tilespmem:$0xA60]  }
0x4b: {  	v3 =	vld [tilespmem:$0xA70]  }
0x4c: {  	v4 =	vld [tilespmem:$0xA80]  }
0x4d: {  	p1 =	seq.s32 s4, $0x3E;
	v5 =	vld [tilespmem:$0xA90]  }
0x4e: {  	s8 =	smul.u32 @!p1 $0xA0, s4;
	[tilespmem:$0x0] =	vst v1  }
0x4f: {  	[tilespmem:$0x10] =	vst v2  }
0x50: {  	s8 =	sadd.s32 @!p1 s8, s14;
	[tilespmem:$0x20] =	vst v3  }
0x51: {  	s8 =	sshrl.u32 @!p1 s8, $0x3;
	[tilespmem:$0x30] =	vst v4  }
0x52: {  	s12 =	simm.s32 @!p1 $0xA50;
	s11 =	simm.s32 @!p1 $0x0;
	s10 =	sadd.s32 @!p1 s6, s8;
	[tilespmem:$0x40] =	vst v5  }
0x53: {  	[tilespmem:s12], [sflag:$0x3] =	stream.linear.gather @!p1 [hbm4b:s10+s11], $0x50, $0x38;
	[tilespmem:$0x7890] =	vst v63  }
0x54: {  	s8 =	sadd.s32 @!p1 s7, s8;
	s10 =	simm.s32 @!p1 $0xAA0  }
0x55: {  	[tilespmem:s10], [sflag:$0x3] =	stream.linear.gather @!p1 [hbm4b:s8+s11], $0x50, $0x38;
	[tilespmem:$0x7890] =	vst v63  }
0x56: {  	s11 =	simm.s32 $0xB10  }
0x57: {  	v1 =	vld [tilespmem:s11+$0x10]  }
0x58: {  	s12 =	simm.s32 $0x1500;
	v2 =	vld [tilespmem:s11+$0xFFFFFFF0]  }
0x59: {  	v3 =	vld [tilespmem:s12+$0x0]  }
0x5a: {  	v4 =	vld [tilespmem:s12+$0xFFFFFFF0];
	_ =	sdelay $0x1  }
0x5b: {  	s13 =	simm.s32 $0x1520  }
0x5c: {  	s12 =	simm.s32 $0xB50;
	v7 =	vld [tilespmem:s13+$0xFFFFFFF0]  }
0x5d: {  	v5 =	vld [tilespmem:s12+$0x10];
	v1 =	vadd.f32 v1, v3  }
0x5e: {  	v2 =	vadd.f32 v2, v4;
	v4 =	vld [tilespmem:s13+$0x0]  }
0x5f: {  	v3 =	vld [tilespmem:s12+$0xFFFFFFF0];
	v6 =	vmul.f32 $2.000000030e-01, v1  }
0x60: {  	s23 =	simm.s32 $0xB90;
	v8 =	vmul.f32 $2.000000030e-01, v2  }
0x61: {  	s16 =	simm.s32 $0x1540;
	v1 =	vmax.f32 v1, v6;
	v6 =	vld [tilespmem:s23+$0x10]  }
0x62: {  	v2 =	vmax.f32 v2, v8;
	v8 =	vld [tilespmem:s16+$0x0];
	v1 =	vsub.f32 $0.0e+00, v1  }
0x63: {  	v9 =	vld [tilespmem:s23+$0xFFFFFFF0];
	v2 =	vsub.f32 $0.0e+00, v2;
	v4 =	vadd.f32 v5, v4  }
0x64: {  	v5 =	vld [tilespmem:s16+$0xFFFFFFF0];
	v3 =	vadd.f32 v3, v7;
	v1 =	vmul.f32 $1.442695020e+00, v1  }
0x65: {  	v2 =	vmul.f32 $1.442695020e+00, v2;
	v7 =	vmul.f32 $2.000000030e-01, v4  }
0x66: {  	s22 =	simm.s32 $0xBD0;
	(erf) = vpow2.f32 v1;
	v1 =	vmul.f32 $2.000000030e-01, v3  }
0x67: {  	s17 =	simm.s32 $0x1560;
	v11 =	vld [tilespmem:s22+$0x10];
	(erf) = vpow2.f32 v2;
	v2 =	vmax.f32 v4, v7;
	v4 =	vadd.f32 v6, v8  }
0x68: {  	v6 =	vld [tilespmem:s17+$0x0];
	v2 =	vsub.f32 $0.0e+00, v2  }
0x69: {  	v12 =	vld [tilespmem:s22+$0xFFFFFFF0];
	v5 =	vadd.f32 v9, v5;
	v1 =	vmax.f32 v3, v1;
	v3 =	vmul.f32 $2.000000030e-01, v4  }
0x6a: {  	s8 =	simm.s32 $0xC10;
	v8 =	vld [tilespmem:s17+$0xFFFFFFF0];
	v1 =	vsub.f32 $0.0e+00, v1;
	v2 =	vmul.f32 $1.442695020e+00, v2  }
0x6b: {  	v10 =	vld [tilespmem:s8+$0x10];
	v9 =	vmul.f32 $2.000000030e-01, v5;
	v3 =	vmax.f32 v4, v3  }
0x6c: {  	v7 =	vld [tilespmem:s11+$0x0];
	v1 =	vmul.f32 $1.442695020e+00, v1;
	(erf) = vpow2.f32 v2;
	v2 =	vsub.f32 $0.0e+00, v3  }
0x6d: {  	v4 =	vld [tilespmem:s11+$0xFFFFFFE0];
	v13 =	vadd.f32 v11, v6  }
0x6e: {  	s11 =	simm.s32 $0x1580;
	v3 =	vld [tilespmem:s8+$0xFFFFFFF0];
	(erf) = vpow2.f32 v1;
	v1 =	vmax.f32 v5, v9;
	v2 =	vmul.f32 $1.442695020e+00, v2  }
0x6f: {  	v6 =	vld [tilespmem:s11+$0x0];
	v5 =	vadd.f32 v12, v8;
	v1 =	vsub.f32 $0.0e+00, v1;
	v11 =	vpop (erf)  }
0x70: {  	s10 =	simm.s32 $0x70;
	v8 =	vld [tilespmem:s11+$0xFFFFFFF0];
	v14 =	vmul.f32 $2.000000030e-01, v13;
	v15 =	vnsel vm0, $0x0, v11;
	v16 =	vpop (erf);
	(erf) = vpow2.f32 v2  }
0x71: {  	v9 =	vperm.xlane v11, v0;
	v12 =	vmul.f32 $1.442695020e+00, v1;
	v1 =	vld [tilespmem:s12+$0x0];
	v17 =	vnsel vm0, $0x0, v16;
	[tilespmem:s10+$0x10] =	vst v15  }
0x72: {  	s13 =	simm.s32 $0x8;
	s16 =	simm.s32 $0xC50;
	v11 =	vmul.f32 $2.000000030e-01, v5;
	v14 =	vmax.f32 v13, v14;
	v2 =	vld [tilespmem:s12+$0xFFFFFFE0];
	s12 =	simm.s32 $0x70;
	v13 =	vperm.xlane v16, v0;
	[tilespmem:s10+$0xFFFFFFF0] =	vst v17  }
.LBB2_3:
0x73: {  	s13 =	sadd.s32 $0x2, s13  }
0x74: {  	v15 =	vld [tilespmem:s16+$0x10];
	s11 =	sadd.s32 $0x20, s11;
	v14 =	vsub.f32 $0.0e+00, v14;
	(erf) = vpow2.f32 v12;
	v7 =	vmul.f32 v7, v9;
	s10 =	sadd.s32 $0x40, s10;
	v9 =	vmovc v3;
	p2 =	slt.u32 s13, $0x4E  }
.Ltmp3:
0x75: {  	v17 =	vmax.f32 v5, v11;
	s17 =	smov.u32 s8;
	v3 =	vld [tilespmem:s16+$0xFFFFFFF0];
	v10 =	vadd.f32 v10, v6;
	v19 =	vmul.f32 v4, v13;
	(pc) =	sbr.rel @p2 .LBB2_3-.Ltmp3, $4  }
0x76: {  	s8 =	smov.u32 s16;
	v12 =	vsub.f32 $0.0e+00, v17;
	v6 =	vld [tilespmem:s11+$0x0];
	v5 =	vadd.f32 v9, v8;
	v13 =	vmul.f32 $1.442695020e+00, v14;
	v11 =	vpop (erf);
	[tilespmem:s12+$0x0] =	vst v7  }
0x77: {  	v8 =	vld [tilespmem:s11+$0xFFFFFFF0];
	v14 =	vmul.f32 $2.000000030e-01, v10;
	v9 =	vperm.xlane v11, v0;
	v18 =	vnsel vm0, $0x0, v11;
	v16 =	vpop (erf);
	[tilespmem:s12+$0xFFFFFFE0] =	vst v19;
	s12 =	smov.u32 s10  }
0x78: {  	v12 =	vmul.f32 $1.442695020e+00, v12;
	v11 =	vmul.f32 $2.000000030e-01, v5;
	v17 =	vnsel vm0, $0x0, v16;
	[tilespmem:s10+$0x10] =	vst v18;
	v7 =	vmovc v1;
	v1 =	vld [tilespmem:s23+$0x0];
	v4 =	vmovc v2  }
0x79: {  	s16 =	sadd.s32 $0x40, s16;
	v14 =	vmax.f32 v10, v14;
	(erf) = vpow2.f32 v13;
	v2 =	vld [tilespmem:s23+$0xFFFFFFE0];
	v13 =	vperm.xlane v16, v0;
	[tilespmem:s10+$0xFFFFFFF0] =	vst v17;
	v10 =	vmovc v15;
	s23 =	smov.u32 s22;
	s22 =	smov.u32 s17  }
0x7a: {  	_ = 	snop  }
0x7b: {  	v46 =	vsub.f32 $0.0e+00, v14  }
0x7c: {  	v6 =	vadd.f32 v10, v6;
	v3 =	vadd.f32 v3, v8  }
0x7d: {  	v5 =	vmax.f32 v5, v11;
	(erf) = vpow2.f32 v12;
	v7 =	vmul.f32 v7, v9  }
0x7e: {  	v5 =	vsub.f32 $0.0e+00, v5;
	v47 =	vmul.f32 $2.000000030e-01, v6;
	v48 =	vmul.f32 $2.000000030e-01, v3  }
0x7f: {  	v4 =	vmul.f32 v4, v13;
	v10 =	vmul.f32 $1.442695020e+00, v46  }
0x80: {  	v5 =	vmul.f32 $1.442695020e+00, v5;
	v6 =	vmax.f32 v6, v47;
	v3 =	vmax.f32 v3, v48  }
0x81: {  	v49 =	vpop (erf);
	(erf) = vpow2.f32 v10;
	v6 =	vsub.f32 $0.0e+00, v6;
	v3 =	vsub.f32 $0.0e+00, v3  }
0x82: {  	v50 =	vperm.xlane v49, v0;
	(erf) = vpow2.f32 v5  }
0x83: {  	[tilespmem:s12+$0x0] =	vst v7;
	v51 =	vpop (erf);
	v6 =	vmul.f32 $1.442695020e+00, v6;
	v3 =	vmul.f32 $1.442695020e+00, v3  }
0x84: {  	s10 =	sadd.s32 $0x40, s10;
	v52 =	vld [tilespmem:s23+$0x0];
	v8 =	vnsel vm0, $0x0, v49;
	[tilespmem:s12+$0xFFFFFFE0] =	vst v4;
	v53 =	vperm.xlane v51, v0  }
0x85: {  	v54 =	vld [tilespmem:s23+$0xFFFFFFE0];
	[tilespmem:s10+$0x10] =	vst v8;
	v1 =	vmul.f32 v1, v50;
	v7 =	vnsel vm0, $0x0, v51;
	(erf) = vpow2.f32 v6  }
0x86: {  	[tilespmem:s10+$0xFFFFFFF0] =	vst v7;
	v2 =	vmul.f32 v2, v53;
	v55 =	vpop (erf);
	(erf) = vpow2.f32 v3  }
0x87: {  	[tilespmem:s10+$0x0] =	vst v1;
	v1 =	vperm.xlane v55, v0;
	v3 =	vpop (erf)  }
0x88: {  	s11 =	sadd.s32 $0x40, s10;
	[tilespmem:s10+$0xFFFFFFE0] =	vst v2;
	v2 =	vld [tilespmem:s22+$0x0];
	v5 =	vnsel vm0, $0x0, v55;
	v56 =	vperm.xlane v3, v0  }
0x89: {  	v57 =	vld [tilespmem:s22+$0xFFFFFFE0];
	[tilespmem:s11+$0x10] =	vst v5;
	v1 =	vmul.f32 v52, v1;
	v3 =	vnsel vm0, $0x0, v3  }
0x8a: {  	v58 =	vpop (erf);
	[tilespmem:s11+$0xFFFFFFF0] =	vst v3;
	v3 =	vmul.f32 v54, v56  }
0x8b: {  	[tilespmem:s11+$0x0] =	vst v1;
	v1 =	vperm.xlane v58, v0;
	v59 =	vpop (erf)  }
0x8c: {  	s22 =	sadd.s32 $0x40, s11;
	v4 =	vnsel vm0, $0x0, v58;
	v60 =	vperm.xlane v59, v0;
	[tilespmem:s11+$0xFFFFFFE0] =	vst v3;
	v3 =	vld [tilespmem:s8+$0x0]  }
0x8d: {  	v61 =	vld [tilespmem:s8+$0xFFFFFFE0];
	v6 =	vnsel vm0, $0x0, v59;
	[tilespmem:s22+$0x10] =	vst v4;
	v1 =	vmul.f32 v2, v1  }
0x8e: {  	[tilespmem:s22+$0xFFFFFFF0] =	vst v6;
	v2 =	vmul.f32 v57, v60;
	v62 =	vpop (erf)  }
0x8f: {  	[tilespmem:s22+$0x0] =	vst v1;
	v1 =	vperm.xlane v62, v0;
	v63 =	vpop (erf)  }
0x90: {  	s23 =	sadd.s32 $0x40, s22;
	v5 =	vnsel vm0, $0x0, v62;
	[tilespmem:s22+$0xFFFFFFE0] =	vst v2;
	v2 =	vperm.xlane v63, v0  }
0x91: {  	v6 =	vnsel vm0, $0x0, v63;
	[tilespmem:s23+$0x10] =	vst v5;
	v1 =	vmul.f32 v3, v1  }
0x92: {  	[tilespmem:s23+$0xFFFFFFF0] =	vst v6;
	v2 =	vmul.f32 v61, v2  }
0x93: {  	[tilespmem:s23+$0x0] =	vst v1  }
.Ltmp4:
0x94: {  	[tilespmem:s23+$0xFFFFFFE0] =	vst v2;
	(pc) =	sbr.rel @p1 .LBB2_10-.Ltmp4, $4  }
0x95: {  	[spmem:s2] =	stream.indirect.scatter.add.f32 [tilespmem:s25], [sflag:$0x6], $0x20, s3, s25, $0xb8;
	[tilespmem:$0x7890] =	vst v63  }
0x96: {  	_ =	swait.ge [sflag:s30], $0xA00  }
0x97: {  	[sflag:s30] =	ssyncset.done $0x0  }
0x98: {  	[sflag:s30] =	ssyncadd.s32 $0xFFFFF600  }
0x99: {  	_ =	swait.ge [sflag:s24], $0x50  }
0x9a: {  	[sflag:s24] =	ssyncset.done $0x0  }
0x9b: {  	[sflag:s24] =	ssyncadd.s32 $0xFFFFFFB0  }
0x9c: {  	_ =	swait.ge [sflag:s24], $0x50  }
.Ltmp5:
0x9d: {  	[sflag:s24] =	ssyncset.done $0x0;
	(pc) =	sbr.rel @p0 .LBB2_9-.Ltmp5, $4  }
0x9e: {  	[sflag:s24] =	ssyncadd.s32 $0xFFFFFFB0  }
0x9f: {  	[tilespmem:s26], [sflag:$0x1] =	stream.indirect.gather [hbm4b:s5+s25], $0x20, s21, s25, $0xb8;
	[tilespmem:$0x7890] =	vst v63  }
0xa0: {  	_ = 	snop  }
0xa1: {  	[tilespmem:s28], [sflag:$0x1] =	stream.indirect.gather [hbm4b:s1+s25], $0x10, s20, s25, $0xb8;
	[tilespmem:$0x7890] =	vst v63  }
0xa2: {  	_ =	swait.ge [sflag:s31], $0xA00  }
0xa3: {  	[sflag:s31] =	ssyncset.done $0x0  }
0xa4: {  	[sflag:s31] =	ssyncadd.s32 $0xFFFFF600  }
0xa5: {  	_ =	swait.ge [sflag:s31], $0x500  }
0xa6: {  	[sflag:s31] =	ssyncset.done $0x0  }
0xa7: {  	[sflag:s31] =	ssyncadd.s32 $0xFFFFFB00  }
0xa8: {  	v1 =	vld [tilespmem:$0x19F0]  }
0xa9: {  	v2 =	vld [tilespmem:$0x1A00]  }
0xaa: {  	v3 =	vld [tilespmem:$0x1A10]  }
0xab: {  	v4 =	vld [tilespmem:$0x1A20]  }
0xac: {  	p0 =	seq.s32 s4, $0x3D;
	v5 =	vld [tilespmem:$0x1A30]  }
0xad: {  	s8 =	smul.u32 @!p0 $0xA0, s4;
	[tilespmem:$0x0] =	vst v1  }
0xae: {  	[tilespmem:$0x10] =	vst v2  }
0xaf: {  	s8 =	sadd.s32 @!p0 s8, s15;
	[tilespmem:$0x20] =	vst v3  }
0xb0: {  	s8 =	sshrl.u32 @!p0 s8, $0x3;
	[tilespmem:$0x30] =	vst v4  }
0xb1: {  	s11 =	simm.s32 @!p0 $0x0;
	s12 =	simm.s32 @!p0 $0x19F0;
	s10 =	sadd.s32 @!p0 s6, s8;
	[tilespmem:$0x40] =	vst v5  }
0xb2: {  	[tilespmem:s12], [sflag:$0x4] =	stream.linear.gather @!p0 [hbm4b:s10+s11], $0x50, $0x38;
	[tilespmem:$0x7890] =	vst v63  }
0xb3: {  	s8 =	sadd.s32 @!p0 s7, s8;
	s10 =	simm.s32 @!p0 $0x1A40  }
0xb4: {  	[tilespmem:s10], [sflag:$0x4] =	stream.linear.gather @!p0 [hbm4b:s8+s11], $0x50, $0x38;
	[tilespmem:$0x7890] =	vst v63  }
0xb5: {  	s11 =	simm.s32 $0x1AB0  }
0xb6: {  	v1 =	vld [tilespmem:s11+$0x10]  }
0xb7: {  	s12 =	simm.s32 $0x24A0;
	v2 =	vld [tilespmem:s11+$0xFFFFFFF0]  }
0xb8: {  	v3 =	vld [tilespmem:s12+$0x0]  }
0xb9: {  	v4 =	vld [tilespmem:s12+$0xFFFFFFF0];
	_ =	sdelay $0x1  }
0xba: {  	s13 =	simm.s32 $0x24C0  }
0xbb: {  	s12 =	simm.s32 $0x1AF0;
	v7 =	vld [tilespmem:s13+$0xFFFFFFF0]  }
0xbc: {  	v5 =	vld [tilespmem:s12+$0x10];
	v1 =	vadd.f32 v1, v3  }
0xbd: {  	v2 =	vadd.f32 v2, v4;
	v4 =	vld [tilespmem:s13+$0x0]  }
0xbe: {  	v3 =	vld [tilespmem:s12+$0xFFFFFFF0];
	v6 =	vmul.f32 $2.000000030e-01, v1  }
0xbf: {  	s23 =	simm.s32 $0x1B30;
	v8 =	vmul.f32 $2.000000030e-01, v2  }
0xc0: {  	s16 =	simm.s32 $0x24E0;
	v1 =	vmax.f32 v1, v6;
	v6 =	vld [tilespmem:s23+$0x10]  }
0xc1: {  	v2 =	vmax.f32 v2, v8;
	v8 =	vld [tilespmem:s16+$0x0];
	v1 =	vsub.f32 $0.0e+00, v1  }
0xc2: {  	v9 =	vld [tilespmem:s23+$0xFFFFFFF0];
	v2 =	vsub.f32 $0.0e+00, v2;
	v4 =	vadd.f32 v5, v4  }
0xc3: {  	v5 =	vld [tilespmem:s16+$0xFFFFFFF0];
	v3 =	vadd.f32 v3, v7;
	v1 =	vmul.f32 $1.442695020e+00, v1  }
0xc4: {  	v2 =	vmul.f32 $1.442695020e+00, v2;
	v7 =	vmul.f32 $2.000000030e-01, v4  }
0xc5: {  	s22 =	simm.s32 $0x1B70;
	(erf) = vpow2.f32 v1;
	v1 =	vmul.f32 $2.000000030e-01, v3  }
0xc6: {  	s17 =	simm.s32 $0x2500;
	v11 =	vld [tilespmem:s22+$0x10];
	(erf) = vpow2.f32 v2;
	v2 =	vmax.f32 v4, v7;
	v4 =	vadd.f32 v6, v8  }
0xc7: {  	v6 =	vld [tilespmem:s17+$0x0];
	v2 =	vsub.f32 $0.0e+00, v2  }
0xc8: {  	v12 =	vld [tilespmem:s22+$0xFFFFFFF0];
	v5 =	vadd.f32 v9, v5;
	v1 =	vmax.f32 v3, v1;
	v3 =	vmul.f32 $2.000000030e-01, v4  }
0xc9: {  	s8 =	simm.s32 $0x1BB0;
	v8 =	vld [tilespmem:s17+$0xFFFFFFF0];
	v1 =	vsub.f32 $0.0e+00, v1;
	v2 =	vmul.f32 $1.442695020e+00, v2  }
0xca: {  	v10 =	vld [tilespmem:s8+$0x10];
	v9 =	vmul.f32 $2.000000030e-01, v5;
	v3 =	vmax.f32 v4, v3  }
0xcb: {  	v7 =	vld [tilespmem:s11+$0x0];
	v1 =	vmul.f32 $1.442695020e+00, v1;
	(erf) = vpow2.f32 v2;
	v2 =	vsub.f32 $0.0e+00, v3  }
0xcc: {  	v4 =	vld [tilespmem:s11+$0xFFFFFFE0];
	v13 =	vadd.f32 v11, v6  }
0xcd: {  	s11 =	simm.s32 $0x2520;
	v3 =	vld [tilespmem:s8+$0xFFFFFFF0];
	(erf) = vpow2.f32 v1;
	v1 =	vmax.f32 v5, v9;
	v2 =	vmul.f32 $1.442695020e+00, v2  }
0xce: {  	v6 =	vld [tilespmem:s11+$0x0];
	v5 =	vadd.f32 v12, v8;
	v1 =	vsub.f32 $0.0e+00, v1;
	v11 =	vpop (erf)  }
0xcf: {  	s10 =	simm.s32 $0x70;
	v8 =	vld [tilespmem:s11+$0xFFFFFFF0];
	v14 =	vmul.f32 $2.000000030e-01, v13;
	v15 =	vnsel vm0, $0x0, v11;
	v16 =	vpop (erf);
	(erf) = vpow2.f32 v2  }
0xd0: {  	v9 =	vperm.xlane v11, v0;
	v12 =	vmul.f32 $1.442695020e+00, v1;
	v1 =	vld [tilespmem:s12+$0x0];
	v17 =	vnsel vm0, $0x0, v16;
	[tilespmem:s10+$0x10] =	vst v15  }
0xd1: {  	s13 =	simm.s32 $0x8;
	s16 =	simm.s32 $0x1BF0;
	v11 =	vmul.f32 $2.000000030e-01, v5;
	v14 =	vmax.f32 v13, v14;
	v2 =	vld [tilespmem:s12+$0xFFFFFFE0];
	s12 =	simm.s32 $0x70;
	v13 =	vperm.xlane v16, v0;
	[tilespmem:s10+$0xFFFFFFF0] =	vst v17  }
.LBB2_7:
0xd2: {  	s13 =	sadd.s32 $0x2, s13  }
0xd3: {  	v15 =	vld [tilespmem:s16+$0x10];
	s11 =	sadd.s32 $0x20, s11;
	v14 =	vsub.f32 $0.0e+00, v14;
	(erf) = vpow2.f32 v12;
	v7 =	vmul.f32 v7, v9;
	s10 =	sadd.s32 $0x40, s10;
	v9 =	vmovc v3;
	p0 =	slt.u32 s13, $0x4E  }
.Ltmp6:
0xd4: {  	v17 =	vmax.f32 v5, v11;
	s17 =	smov.u32 s8;
	v3 =	vld [tilespmem:s16+$0xFFFFFFF0];
	v10 =	vadd.f32 v10, v6;
	v19 =	vmul.f32 v4, v13;
	(pc) =	sbr.rel @p0 .LBB2_7-.Ltmp6, $4  }
0xd5: {  	s8 =	smov.u32 s16;
	v12 =	vsub.f32 $0.0e+00, v17;
	v6 =	vld [tilespmem:s11+$0x0];
	v5 =	vadd.f32 v9, v8;
	v13 =	vmul.f32 $1.442695020e+00, v14;
	v11 =	vpop (erf);
	[tilespmem:s12+$0x0] =	vst v7  }
0xd6: {  	v8 =	vld [tilespmem:s11+$0xFFFFFFF0];
	v14 =	vmul.f32 $2.000000030e-01, v10;
	v9 =	vperm.xlane v11, v0;
	v18 =	vnsel vm0, $0x0, v11;
	v16 =	vpop (erf);
	[tilespmem:s12+$0xFFFFFFE0] =	vst v19;
	s12 =	smov.u32 s10  }
0xd7: {  	v12 =	vmul.f32 $1.442695020e+00, v12;
	v11 =	vmul.f32 $2.000000030e-01, v5;
	v17 =	vnsel vm0, $0x0, v16;
	[tilespmem:s10+$0x10] =	vst v18;
	v7 =	vmovc v1;
	v1 =	vld [tilespmem:s23+$0x0];
	v4 =	vmovc v2  }
0xd8: {  	s16 =	sadd.s32 $0x40, s16;
	v14 =	vmax.f32 v10, v14;
	(erf) = vpow2.f32 v13;
	v2 =	vld [tilespmem:s23+$0xFFFFFFE0];
	v13 =	vperm.xlane v16, v0;
	[tilespmem:s10+$0xFFFFFFF0] =	vst v17;
	v10 =	vmovc v15;
	s23 =	smov.u32 s22;
	s22 =	smov.u32 s17  }
0xd9: {  	_ = 	snop  }
0xda: {  	v46 =	vsub.f32 $0.0e+00, v14  }
0xdb: {  	v6 =	vadd.f32 v10, v6;
	v3 =	vadd.f32 v3, v8  }
0xdc: {  	v5 =	vmax.f32 v5, v11;
	(erf) = vpow2.f32 v12;
	v7 =	vmul.f32 v7, v9  }
0xdd: {  	v5 =	vsub.f32 $0.0e+00, v5;
	v47 =	vmul.f32 $2.000000030e-01, v6;
	v48 =	vmul.f32 $2.000000030e-01, v3  }
0xde: {  	v4 =	vmul.f32 v4, v13;
	v10 =	vmul.f32 $1.442695020e+00, v46  }
0xdf: {  	v5 =	vmul.f32 $1.442695020e+00, v5;
	v6 =	vmax.f32 v6, v47;
	v3 =	vmax.f32 v3, v48  }
0xe0: {  	v49 =	vpop (erf);
	(erf) = vpow2.f32 v10;
	v6 =	vsub.f32 $0.0e+00, v6;
	v3 =	vsub.f32 $0.0e+00, v3  }
0xe1: {  	v50 =	vperm.xlane v49, v0;
	(erf) = vpow2.f32 v5  }
0xe2: {  	[tilespmem:s12+$0x0] =	vst v7;
	v51 =	vpop (erf);
	v6 =	vmul.f32 $1.442695020e+00, v6;
	v3 =	vmul.f32 $1.442695020e+00, v3  }
0xe3: {  	s10 =	sadd.s32 $0x40, s10;
	v52 =	vld [tilespmem:s23+$0x0];
	v8 =	vnsel vm0, $0x0, v49;
	[tilespmem:s12+$0xFFFFFFE0] =	vst v4;
	v53 =	vperm.xlane v51, v0  }
0xe4: {  	v54 =	vld [tilespmem:s23+$0xFFFFFFE0];
	[tilespmem:s10+$0x10] =	vst v8;
	v1 =	vmul.f32 v1, v50;
	v7 =	vnsel vm0, $0x0, v51;
	(erf) = vpow2.f32 v6  }
0xe5: {  	[tilespmem:s10+$0xFFFFFFF0] =	vst v7;
	v2 =	vmul.f32 v2, v53;
	v55 =	vpop (erf);
	(erf) = vpow2.f32 v3  }
0xe6: {  	[tilespmem:s10+$0x0] =	vst v1;
	v1 =	vperm.xlane v55, v0;
	v3 =	vpop (erf)  }
0xe7: {  	s11 =	sadd.s32 $0x40, s10;
	[tilespmem:s10+$0xFFFFFFE0] =	vst v2;
	v2 =	vld [tilespmem:s22+$0x0];
	v5 =	vnsel vm0, $0x0, v55;
	v56 =	vperm.xlane v3, v0  }
0xe8: {  	v57 =	vld [tilespmem:s22+$0xFFFFFFE0];
	[tilespmem:s11+$0x10] =	vst v5;
	v1 =	vmul.f32 v52, v1;
	v3 =	vnsel vm0, $0x0, v3  }
0xe9: {  	v58 =	vpop (erf);
	[tilespmem:s11+$0xFFFFFFF0] =	vst v3;
	v3 =	vmul.f32 v54, v56  }
0xea: {  	[tilespmem:s11+$0x0] =	vst v1;
	v1 =	vperm.xlane v58, v0;
	v59 =	vpop (erf)  }
0xeb: {  	s22 =	sadd.s32 $0x40, s11;
	v4 =	vnsel vm0, $0x0, v58;
	v60 =	vperm.xlane v59, v0;
	[tilespmem:s11+$0xFFFFFFE0] =	vst v3;
	v3 =	vld [tilespmem:s8+$0x0]  }
0xec: {  	v61 =	vld [tilespmem:s8+$0xFFFFFFE0];
	v6 =	vnsel vm0, $0x0, v59;
	[tilespmem:s22+$0x10] =	vst v4;
	v1 =	vmul.f32 v2, v1  }
0xed: {  	[tilespmem:s22+$0xFFFFFFF0] =	vst v6;
	v2 =	vmul.f32 v57, v60;
	v62 =	vpop (erf)  }
0xee: {  	[tilespmem:s22+$0x0] =	vst v1;
	v1 =	vperm.xlane v62, v0;
	v63 =	vpop (erf)  }
0xef: {  	s23 =	sadd.s32 $0x40, s22;
	v5 =	vnsel vm0, $0x0, v62;
	[tilespmem:s22+$0xFFFFFFE0] =	vst v2;
	v2 =	vperm.xlane v63, v0  }
0xf0: {  	v6 =	vnsel vm0, $0x0, v63;
	[tilespmem:s23+$0x10] =	vst v5;
	v1 =	vmul.f32 v3, v1  }
0xf1: {  	[tilespmem:s23+$0xFFFFFFF0] =	vst v6;
	v2 =	vmul.f32 v61, v2  }
0xf2: {  	[tilespmem:s23+$0x0] =	vst v1  }
.Ltmp7:
0xf3: {  	[tilespmem:s23+$0xFFFFFFE0] =	vst v2;
	(pc) =	sbr.rel .LBB2_9-.Ltmp7, $4  }
0xf4: {  	[spmem:s2] =	stream.indirect.scatter.add.f32 [tilespmem:s25], [sflag:$0x5], $0x20, s3, s25, $0xb8;
	[tilespmem:$0x7890] =	vst v63  }
0xf5: {  	_ =	swait.ge [sflag:s19], $0xA00  }
0xf6: {  	[sflag:s19] =	ssyncset.done $0x0  }
0xf7: {  	[sflag:s19] =	ssyncadd.s32 $0xFFFFF600  }
.LBB2_11:
0xf8: {  	_ =	sfence.sel $0x180000  }
0xf9: {  	[bflag:$0x0] =	sbarrier.arrive $0xFFFF  }
0xfa: {  	_ =	strace $0x9000004A  }
0xfb: {  	s0 =	stileid.u32;
	[bflag:$0x2] =	sbarrier.arrive $0xFFFF  }
0xfc: {  	p0 =	sne.s32 s0, $0x0;
	s0 =	rddreg [dreg:$0x3]  }
0xfd: {  	s0 =	sadd.s32 @!p0 $0x100000, s0  }
0xfe: {  	[sflag:s0] =	ssyncadd.tile.s32 @!p0 $0x1;
	_ =	shalt  }
.Lfunc_end2:
_tile_overlayer_lowered:
.L_overlay_start_2:
0xff: {  	(tag) =	ssettag $0x2  }
0x100: {  	s0 =	rddreg [dreg:$0x0];
	s2 =	stileid.u32  }
0x101: {  	s1 =	rddreg [dreg:$0x1];
	p0 =	sne.s32 s2, $0x0  }
0x102: {  	s3 =	rddreg [dreg:$0x2];
	[bflag:$0x3] =	sbarrier.arrive $0xFFFF;
	s2 =	simm.s32 @!p0 $0x1C05  }
0x103: {  	[timem:s3], [sflag:s2] =	dma.local @!p0 [hbm:s0], s1  }
0x104: {  	s0 =	simm.s32 @!p0 $0x5  }
0x105: {  	_ =	swait.ge @!p0 [sflag:s0], s1  }
0x106: {  	s1 =	ssub.s32 @!p0 $0x0, s1;
	[sflag:s0] =	ssyncset.done @!p0 $0x0  }
0x107: {  	[sflag:s0] =	ssyncadd.s32 @!p0 s1  }
0x108: {  	[bflag:$0x3] =	sbarrier.arrive $0xFFFF  }
0x109: {  	_ =	shalt  }

// kernel: kernel.7.cloned.1.call-start
scs
__scs_entry_jumppad:
0x0: {  	(pc) =	sbr.rel $0x88, $3  }
0x1: {  	(tag) =	ssettag $0x0;
	lr =	simm.s32 $0x1  }
0x2: {  	[smem:$0x3F95] =	sst lr;
	_ =	strace $0xD0000000  }
0x3: {  	_ = 	snop  }
0x4: {  	_ = 	snop  }
0x5: {  	_ = 	snop  }
0x6: {  	_ = 	snop  }
0x7: {  	_ = 	snop  }
__scs_overlays_trampoline_lowered:
0x8: {  	[smem:$0x3FA4] =	sst s0  }
0x9: {  	[smem:$0x3FA5] =	sst s1  }
0xa: {  	[smem:$0x3FA6] =	sst s2  }
0xb: {  	[smem:$0x3FA7] =	sst s3  }
0xc: {  	[smem:$0x3FA8] =	sst s4  }
0xd: {  	[smem:$0x3FA9] =	sst s5  }
0xe: {  	[smem:$0x3FAA] =	sst s6  }
0xf: {  	[smem:$0x3FAB] =	sst s7  }
0x10: {  	[smem:$0x3FAC] =	sst s8  }
0x11: {  	[smem:$0x3FAD] =	sst s9;
	s0 =	simm.s32 @!p0 $0x0  }
0x12: {  	s1 =	sld [smem:$0x3F93];
	s0 =	simm.s32 @p0 $0x1  }
0x13: {  	[smem:$0x3FAE] =	sst s0;
	s0 =	simm.s32 @!p1 $0x0  }
0x14: {  	s2 =	sld [smem:$0x3F92];
	s0 =	simm.s32 @p1 $0x1  }
0x15: {  	[smem:$0x3FAF] =	sst s0;
	s0 =	simm.s32 @!p2 $0x0  }
0x16: {  	s3 =	sld [smem:$0x3FDB];
	s0 =	simm.s32 @p2 $0x1  }
0x17: {  	s4 =	simm.s32 $0x1BF5;
	[smem:$0x3FB1] =	sst s0  }
0x18: {  	s0 =	sld [smem:$0x3F94];
	_ =	swait.ge [sflag:s4], $0x0  }
0x19: {  	s7 =	sld [smem:$0x3F95]  }
0x1a: {  	s8 =	sadd.s32 $0xFFFFE003, lr  }
0x1b: {  	s9 =	sadd.s32 $0xFFFFFEF7, lr;
	s5 =	simm.s32 $0xFFFFFFFF;
	p2 =	slt.u32 s8, $0xFFFFF086  }
0x1c: {  	p1 =	slt.u32 s9, $0xF7A;
	s5 =	simm.s32 @!p2 $0x0  }
0x1d: {  	s5 =	simm.s32 @p1 $0x1;
	p0 =	seq.s32 s7, s2  }
0x1e: {  	s7 =	smul.u32 @!p0 $0xF7A, s2;
	p2 =	seq.s32 @!p0 s5, $0x0  }
0x1f: {  	s9 =	smul.u32 $0xF7A, s1;
	s8 =	simm.s32 @!p0 $0x1BF5;
	p2 =	por !p2, p0  }
0x20: {  	[sflag:s8] =	ssyncset.s32 @!p0 $0xFFFFF086;
	s6 =	sadd.s32 @!p0 s3, s7;
	s7 =	simm.s32 @!p0 $0x108  }
0x21: {  	s3 =	sadd.s32 s3, s9;
	s6 =	sadd.s32 @!p0 $0x88, s6;
	s7 =	simm.s32 @p2 $0x1082  }
0x22: {  	[simem:s7], [sflag:s8] =	dma.local @!p0 [hbm:s6], $0xF7A  }
0x23: {  	s9 =	sor.u32 $0xD0000000, s2;
	s6 =	simm.s32 $0x108;
	_ =	swait.ge @!p0 [sflag:s8], $0x0  }
0x24: {  	s3 =	sadd.s32 $0x88, s3;
	s6 =	simm.s32 @!p1 $0x1082;
	[sflag:s4] =	ssyncset.s32 $0xFFFFF086  }
0x25: {  	[simem:s6], [sflag:s4] =	dma.local [hbm:s3], $0xF7A  }
0x26: {  	[smem:$0x3F95] =	sst s1;
	(tag) =	ssettag s2;
	_ =	strace s9  }
0x27: {  	s1 =	sld [smem:$0x3FA5]  }
0x28: {  	s2 =	sld [smem:$0x3FA6]  }
0x29: {  	s4 =	sld [smem:$0x3FA8]  }
0x2a: {  	p0 =	seq.s32 s5, $0x0;
	s5 =	sld [smem:$0x3FA9]  }
0x2b: {  	s6 =	sld [smem:$0x3FAA]  }
0x2c: {  	s7 =	sld [smem:$0x3FAB]  }
0x2d: {  	s3 =	simm.s32 $0x108;
	s8 =	sld [smem:$0x3FAC]  }
0x2e: {  	s3 =	simm.s32 @!p0 $0x1082;
	s9 =	sld [smem:$0x3FAD]  }
0x2f: {  	lr =	sadd.s32 s0, s3;
	s0 =	sld [smem:$0x3FA4]  }
0x30: {  	s3 =	sld [smem:$0x3FA7]  }
0x31: {  	[smem:$0x3FB0] =	sst s10  }
0x32: {  	s10 =	sld [smem:$0x3FAE];
	_ =	sdelay $0x3  }
0x33: {  	p0 =	seq.s32 s10, $0x1;
	s10 =	sld [smem:$0x3FB0];
	_ =	sdelay $0x3  }
0x34: {  	[smem:$0x3FB0] =	sst s10  }
0x35: {  	s10 =	sld [smem:$0x3FAF];
	_ =	sdelay $0x3  }
0x36: {  	p1 =	seq.s32 s10, $0x1;
	s10 =	sld [smem:$0x3FB0];
	_ =	sdelay $0x3  }
0x37: {  	[smem:$0x3FB0] =	sst s10  }
0x38: {  	s10 =	sld [smem:$0x3FB1]  }
0x39: {  	_ = 	snop;
	(pc) =	sbr.ind lr, $3  }
0x3a: {  	_ = 	snop  }
0x3b: {  	_ = 	snop  }
0x3c: {  	p2 =	seq.s32 s10, $0x1;
	s10 =	sld [smem:$0x3FB0]  }
0x3d: {  	_ =	shalt  }
0x3e: {  	_ =	shalt  }
0x3f: {  	_ =	shalt  }
0x40: {  	_ =	shalt  }
0x41: {  	_ =	shalt  }
0x42: {  	_ =	shalt  }
0x43: {  	_ =	shalt  }
0x44: {  	_ =	shalt  }
0x45: {  	_ =	shalt  }
0x46: {  	_ =	shalt  }
0x47: {  	_ =	shalt  }
0x48: {  	_ =	shalt  }
0x49: {  	_ =	shalt  }
0x4a: {  	_ =	shalt  }
0x4b: {  	_ =	shalt  }
0x4c: {  	_ =	shalt  }
0x4d: {  	_ =	shalt  }
0x4e: {  	_ =	shalt  }
0x4f: {  	_ =	shalt  }
0x50: {  	_ =	shalt  }
0x51: {  	_ =	shalt  }
0x52: {  	_ =	shalt  }
0x53: {  	_ =	shalt  }
0x54: {  	_ =	shalt  }
0x55: {  	_ =	shalt  }
0x56: {  	_ =	shalt  }
0x57: {  	_ =	shalt  }
0x58: {  	_ =	shalt  }
0x59: {  	_ =	shalt  }
0x5a: {  	_ =	shalt  }
0x5b: {  	_ =	shalt  }
0x5c: {  	_ =	shalt  }
0x5d: {  	_ =	shalt  }
0x5e: {  	_ =	shalt  }
0x5f: {  	_ =	shalt  }
0x60: {  	_ =	shalt  }
0x61: {  	_ =	shalt  }
0x62: {  	_ =	shalt  }
0x63: {  	_ =	shalt  }
0x64: {  	_ =	shalt  }
0x65: {  	_ =	shalt  }
0x66: {  	_ =	shalt  }
0x67: {  	_ =	shalt  }
0x68: {  	_ =	shalt  }
0x69: {  	_ =	shalt  }
0x6a: {  	_ =	shalt  }
0x6b: {  	_ =	shalt  }
0x6c: {  	_ =	shalt  }
0x6d: {  	_ =	shalt  }
0x6e: {  	_ =	shalt  }
0x6f: {  	_ =	shalt  }
0x70: {  	_ =	shalt  }
0x71: {  	_ =	shalt  }
0x72: {  	_ =	shalt  }
0x73: {  	_ =	shalt  }
0x74: {  	_ =	shalt  }
0x75: {  	_ =	shalt  }
0x76: {  	_ =	shalt  }
0x77: {  	_ =	shalt  }
0x78: {  	_ =	shalt  }
0x79: {  	_ =	shalt  }
0x7a: {  	_ =	shalt  }
0x7b: {  	_ =	shalt  }
0x7c: {  	_ =	shalt  }
0x7d: {  	_ =	shalt  }
0x7e: {  	_ =	shalt  }
0x7f: {  	_ =	shalt  }
0x80: {  	_ =	shalt  }
0x81: {  	_ =	shalt  }
0x82: {  	_ =	shalt  }
0x83: {  	_ =	shalt  }
0x84: {  	_ =	shalt  }
0x85: {  	_ =	shalt  }
0x86: {  	_ =	shalt  }
0x87: {  	_ =	shalt  }
.Lfunc_end0:
.L_simem_size_0:
called_computation_lowered:
.L_overlay_start_0:
0x88: {  	s2 =	sld [smem:$0x3FD9]  }
0x89: {  	s3 =	sld [smem:$0x3FFE];
	_ =	sdelay $0x1  }
0x8a: {  	s1 =	srdreg.scid  }
0x8b: {  	s0 =	sand.u32 $0x1, s1  }
0x8c: {  	s17 =	sshll.u32 s0, $0xA;
	s2 =	sadd.s32 s3, s2  }
0x8d: {  	s2 =	sadd.s32 s2, s17  }
0x8e: {  	[smem:$0x3FBC] =	sst s2  }
0x8f: {  	_ = 	snop  }
0x90: {  	s2 =	sld [smem:$0x3FD0];
	(tm) =	ssettm $0x1  }
0x91: {  	s18 =	sld [smem:$0x3FFB];
	_ =	sdelay $0x3  }
0x92: {  	_ =	strace s18  }
0x93: {  	s3 =	sld [smem:$0x3FFC];
	_ =	sdelay $0x3  }
0x94: {  	_ =	strace s3  }
0x95: {  	s3 =	sld [smem:$0x3FFD];
	_ =	sdelay $0x3  }
0x96: {  	_ =	strace s3  }
0x97: {  	_ =	strace $0x8FFFFFFF  }
0x98: {  	s19 =	sld [smem:$0x3FDB];
	_ =	sdelay $0x1  }
0x99: {  	s4 =	simm.s32 $_scs_section_size  }
0x9a: {  	s5 =	simm.s32 $_size__tile_overlayer_lowered;
	s6 =	simm.s32 $_tile_overlayer_lowered  }
0x9b: {  	s22 =	simm.s32 $0x1BFF;
	s21 =	sshll.u32 s6, $0x1;
	s3 =	sadd.s32 s4, s19  }
0x9c: {  	s7 =	simm.s32 $0x0;
	s20 =	sshll.u32 s5, $0x1;
	s5 =	sadd.s32 s21, s3  }
0x9d: {  	[timem:s7], [sflag:s22] =	dma.local [hbm:s5], s20  }
0x9e: {  	_ =	swait.ge [sflag:s22], s20  }
0x9f: {  	s4 =	ssub.s32 $0x0, s20;
	[sflag:s22] =	ssyncset.done $0x0  }
0xa0: {  	[sflag:s22] =	ssyncadd.s32 s4;
	_ =	sdelay $0x1  }
0xa1: {  	s23 =	simm.s32 $0x1B8B  }
0xa2: {  	_ =	swait.ge [sflag:s23], $0x1  }
0xa3: {  	[sflag:s23] =	ssyncset.done $0x0  }
0xa4: {  	s25 =	simm.s32 $0x1B8E;
	s24 =	sld [smem:$0x3FFE];
	[sflag:s23] =	ssyncadd.s32 $0xFFFFFFFF  }
0xa5: {  	s26 =	simm.s32 $execute0_lowered;
	[smem:$0x3FD2] =	sst s25  }
0xa6: {  	s5 =	sshll.u32 s26, $0x1;
	_ =	strace $0x80000046;
	[dreg:$0x1] =	wrdreg $0xFFFFFFFF  }
0xa7: {  	s28 =	simm.s32 $_size_execute0_lowered;
	s3 =	sadd.s32 s3, s5;
	[dreg:$0x0] =	wrdreg $0x0  }
0xa8: {  	s5 =	sshll.u32 s28, $0x1;
	[dreg:$0x2] =	wrdreg s3  }
0xa9: {  	[dreg:$0x3] =	wrdreg s5  }
0xaa: {  	[dreg:$0x4] =	wrdreg $0xC0  }
0xab: {  	_ =	task [dreg:s7], $0x5FFFF  }
0xac: {  	[dreg:$0x1] =	wrdreg $0xFFFFFFFF  }
0xad: {  	[dreg:$0x0] =	wrdreg $0x60  }
0xae: {  	[dreg:$0x2] =	wrdreg s24  }
0xaf: {  	[dreg:$0x3] =	wrdreg s2  }
0xb0: {  	[dreg:$0x4] =	wrdreg $0x93300  }
0xb1: {  	[dreg:$0x5] =	wrdreg $0x1CF300  }
0xb2: {  	[dreg:$0x6] =	wrdreg $0x9  }
0xb3: {  	_ =	task.clear_ibuf [dreg:s7], $0x7FFFF;
	_ =	strace $0x90000046  }
0xb4: {  	s29 =	simm.s32 $0x9;
	_ =	strace $0x80000048  }
0xb5: {  	_ =	swait.ge [sflag:s29], $0x1  }
0xb6: {  	[sflag:s29] =	ssyncadd.s32 $0xFFFFFFFF  }
0xb7: {  	_ =	strace $0x90000048  }
0xb8: {  	_ =	sfence  }
0xb9: {  	s30 =	sld [smem:$0x0];
	_ =	sdelay $0x2  }
0xba: {  	s31 =	sshll.u32 s1, $0xD;
	s1 =	sshrl.u32 s1, $0x2  }
0xbb: {  	s3 =	sand.u32 $0x4000, s31;
	s1 =	sadd.s32 s1, s30  }
0xbc: {  	s0 =	sor.u32 s3, s0;
	s1 =	sshll.u32 s1, $0x11  }
0xbd: {  	s0 =	sor.u32 s1, s0  }
0xbe: {  	s0 =	sadd.s32 $0x8F2B, s0  }
0xbf: {  	[sflag:s0] =	ssyncadd.remote.s32 $0x1  }
0xc0: {  	_ =	sfence.sel $0xFFFF  }
0xc1: {  	[dreg:$0x0] =	wrdreg $0xFFFFFFFF;
	(pc) =	sbr.abs _section_cstart, $3  }
0xc2: {  	[dreg:$0x1] =	wrdreg $0xFFFFFFFF  }
0xc3: {  	_ =	task.clear_ibuf [dreg:s7], $0x2FFFF;
	_ =	strace $0x9FFFFFFF  }
0xc4: {  	(tm) =	ssettm $0x7FFFFFFF  }
0xc5: {  	_ =	shalt  }
tec
execute0_lowered:
.L_overlay_start_1:
0x0: {  	(tag) =	ssettag $0x1  }
0x1: {  	s0 =	rddreg [dreg:$0x0]  }
0x2: {  	s31 =	rddreg [dreg:$0x2]  }
0x3: {  	s8 =	rddreg [dreg:$0x3]  }
0x4: {  	s1 =	srdreg.scid;
	s13 =	stileid.u32  }
0x5: {  	s5 =	simm.s32 $0x0;
	s30 =	simm.s32 $0x50;
	s1 =	sand.u32 $0x1, s1  }
0x6: {  	s2 =	smul.u32 $0x278, s13;
	[smem:$0x7FF] =	sst s5;
	s4 =	sadd.s32 $0x51800, s0  }
0x7: {  	s7 =	sadd.s32 $0xA1800, s0;
	s9 =	sadd.s32 $0xB600, s0;
	s17 =	smul.u32 $0x4F000, s13  }
0x8: {  	s14 =	sadd.s32 $0x1800, s0;
	s15 =	sadd.s32 $0x15400, s0;
	s10 =	smul.u32 $0x9E00, s13  }
0x9: {  	s12 =	smul.u32 $0x4E20, s13;
	_ =	strace $0x80000047;
	[dreg:$0x5] =	wrdreg s4  }
0xa: {  	s19 =	sshll.u32 s13, $0x6;
	s3 =	smul.u32 $0x2780, s1;
	[dreg:$0x7] =	wrdreg s15  }
0xb: {  	s18 =	ssub.s32 $0x2, s1;
	s13 =	sor.u32 $0x1C05, s19;
	s1 =	smul.u32 $0x2800, s1  }
0xc: {  	[dreg:$0x6] =	wrdreg s9;
	s11 =	sshrl.u32 s18, $0x1;
	s4 =	sshrl.u32 s17, $0x2  }
0xd: {  	s10 =	sshrl.u32 s10, $0x2;
	s20 =	sshrl.u32 s12, $0x3;
	s26 =	sadd.s32 $0xA0, s12  }
0xe: {  	s28 =	sadd.s32 $0xF0, s12;
	s12 =	simm.s32 $0x2;
	[dreg:$0x8] =	wrdreg s13  }
0xf: {  	s2 =	sadd.s32 s2, s3;
	s4 =	sadd.s32 s4, s31;
	[dreg:$0xe] =	wrdreg s26  }
0x10: {  	s6 =	sadd.s32 s10, s8;
	s21 =	sadd.s32 $0xA, s20;
	[dreg:$0xf] =	wrdreg s28  }
0x11: {  	s22 =	sadd.s32 s9, s20;
	s23 =	sadd.s32 s14, s20;
	[dreg:$0x9] =	wrdreg s6  }
0x12: {  	v0 =	vimm.s32 $0x10FEDCBA;
	v1 =	vimm.s32 $0x98765432;
	s16 =	sshll.u32 s2, $0x4;
	s2 =	sshll.u32 s2, $0x1;
	[dreg:$0xa] =	wrdreg s22  }
0x13: {  	v0 =	vunpack.c.l.s4.s8 v0;
	v1 =	vunpack.c.l.s4.s8 v1;
	[dreg:$0xb] =	wrdreg s23;
	s24 =	sadd.s32 s9, s21;
	s6 =	smov.u32 s14  }
0x14: {  	s25 =	sadd.s32 s14, s21;
	s3 =	sadd.s32 s16, s0;
	[dreg:$0xc] =	wrdreg s24  }
0x15: {  	v0 =	vunpack.c.0.s8.s32 v0;
	v1 =	vunpack.c.0.s8.s32 v1;
	s0 =	sadd.s32 s2, s0;
	[dreg:$0xd] =	wrdreg s25;
	s3 =	sadd.s32 $0xAB800, s3  }
0x16: {  	s2 =	ssub.s32 s18, s11;
	s0 =	sadd.s32 $0x15A00, s0;
	[dreg:$0x10] =	wrdreg s3  }
0x17: {  	s23 =	simm.s32 $0x5;
	v1 =	vcombine.low v1, v0;
	s29 =	smax.u32 s2, $0x1;
	[dreg:$0x11] =	wrdreg s0  }
0x18: {  	v2 =	vimm.s32 $0x0;
	v0 =	vmov s1;
	s1 =	simm.s32 $0x1;
	s2 =	sshrl.u32 s4, $0x3;
	[dreg:$0x12] =	wrdreg s29  }
0x19: {  	v3 =	vimm.s32 $0x1;
	vm0 =	vmmov $0x3;
	s24 =	simm.s32 $0x4;
	v1 =	vand.u32 $0xF, v1;
	s3 =	simm.s32 $0x0;
	[dreg:$0x13] =	wrdreg s2  }
.LBB2_1:
0x1a: {  	[dreg:$0x14] =	wrdreg s3  }
0x1b: {  	s0 =	rddreg [dreg:$0x1]  }
0x1c: {  	[spmem:s2], [sflag:s13] =	dma.local [hbm:s0], $0x2780  }
0x1d: {  	_ =	swait.ge [sflag:s23], $0x2780  }
0x1e: {  	s9 =	rddreg [dreg:$0x9]  }
0x1f: {  	[sflag:s23] =	ssyncset.done $0x0;
	s11 =	rddreg [dreg:$0x7];
	s10 =	sshrl.u32 s9, $0x3  }
0x20: {  	[sflag:s23] =	ssyncadd.s32 $0xFFFFD880;
	[dreg:$0x15] =	wrdreg s10  }
0x21: {  	[spmem:s10], [sflag:s13] =	dma.local [hbm:s11], $0x4F0  }
0x22: {  	_ =	swait.ge [sflag:s23], $0x4F0  }
0x23: {  	[sflag:s23] =	ssyncset.done $0x0  }
0x24: {  	[sflag:s23] =	ssyncadd.s32 $0xFFFFFB10  }
0x25: {  	[bflag:$0x0] =	sbarrier.arrive $0xFFFF  }
0x26: {  	s14 =	simm.s32 $0x2D50;
	s13 =	rddreg [dreg:$0xa]  }
0x27: {  	[tilespmem:s14], [sflag:$0x3] =	stream.linear.gather [hbm4b:s13+s5], $0x50, $0x38;
	[tilespmem:$0x1F6B0] =	vst v63  }
0x28: {  	s16 =	simm.s32 $0x2DA0;
	s15 =	rddreg [dreg:$0xb]  }
0x29: {  	[tilespmem:s16], [sflag:$0x3] =	stream.linear.gather [hbm4b:s15+s5], $0x50, $0x38;
	[tilespmem:$0x1F6B0] =	vst v63  }
0x2a: {  	s18 =	simm.s32 $0x6040;
	s17 =	rddreg [dreg:$0xc]  }
0x2b: {  	[tilespmem:s18], [sflag:$0x4] =	stream.linear.gather [hbm4b:s17+s5], $0x50, $0x38;
	[tilespmem:$0x1F6B0] =	vst v63  }
0x2c: {  	s20 =	simm.s32 $0x6090;
	s21 =	simm.s32 $0x3;
	s19 =	rddreg [dreg:$0xd]  }
0x2d: {  	[tilespmem:s20], [sflag:$0x4] =	stream.linear.gather [hbm4b:s19+s5], $0x50, $0x38;
	[tilespmem:$0x1F6B0] =	vst v63  }
0x2e: {  	_ =	swait.ge [sflag:s21], $0x50  }
0x2f: {  	[sflag:s21] =	ssyncset.done $0x0  }
0x30: {  	[sflag:s21] =	ssyncadd.s32 $0xFFFFFFB0  }
0x31: {  	_ =	swait.ge [sflag:s21], $0x50  }
0x32: {  	[sflag:s21] =	ssyncset.done $0x0  }
0x33: {  	[sflag:s21] =	ssyncadd.s32 $0xFFFFFFB0  }
0x34: {  	v4 =	vld [tilespmem:$0x2D50]  }
0x35: {  	v5 =	vld [tilespmem:$0x2DA0]  }
0x36: {  	v6 =	vld [tilespmem:$0x2D60]  }
0x37: {  	v7 =	vld [tilespmem:$0x2DB0]  }
0x38: {  	v8 =	vld [tilespmem:$0x2D70]  }
0x39: {  	v9 =	vld [tilespmem:$0x2DC0];
	v4 =	vadd.s32 v0, v4  }
0x3a: {  	[tilespmem:$0x2DF0] =	vst v4;
	v4 =	vadd.s32 v0, v5;
	v5 =	vld [tilespmem:$0x2D80]  }
0x3b: {  	v61 =	vld [tilespmem:$0x2DD0];
	[tilespmem:$0x2DA0] =	vst v4;
	v4 =	vadd.s32 v0, v6  }
0x3c: {  	v62 =	vld [tilespmem:$0x2D90];
	[tilespmem:$0x2E00] =	vst v4;
	v4 =	vadd.s32 v0, v7  }
0x3d: {  	v63 =	vld [tilespmem:$0x2DE0];
	[tilespmem:$0x2DB0] =	vst v4;
	v4 =	vadd.s32 v0, v8  }
0x3e: {  	[tilespmem:$0x2E10] =	vst v4;
	v4 =	vadd.s32 v0, v9  }
0x3f: {  	[tilespmem:$0x2DC0] =	vst v4;
	v4 =	vadd.s32 v0, v5  }
0x40: {  	[tilespmem:$0x2E20] =	vst v4;
	v4 =	vadd.s32 v0, v61  }
0x41: {  	[tilespmem:$0x2DD0] =	vst v4;
	v4 =	vadd.s32 v0, v62  }
0x42: {  	[tilespmem:$0x2E30] =	vst v4;
	v4 =	vadd.s32 v0, v63  }
0x43: {  	s25 =	simm.s32 $0x2E40;
	s22 =	rddreg [dreg:$0x5];
	[tilespmem:$0x2DE0] =	vst v4  }
0x44: {  	[tilespmem:s25], [sflag:$0x1] =	stream.indirect.gather [hbm4b:s22+s30], $0x80, s16, s30, $0xb8;
	[tilespmem:$0x1F6B0] =	vst v63  }
0x45: {  	s26 =	simm.s32 $0x2DF0;
	s28 =	simm.s32 $0x5640  }
0x46: {  	[tilespmem:s28], [sflag:$0x1] =	stream.indirect.gather [hbm4b:s7+s30], $0x10, s26, s30, $0xb8;
	[tilespmem:$0x1F6B0] =	vst v63  }
0x47: {  	s29 =	simm.s32 $0x5B40;
	s15 =	simm.s32 $0x0  }
0x48: {  	[tilespmem:s29], [sflag:$0x1] =	stream.indirect.gather [hbm4b:s7+s30], $0x10, s16, s30, $0xb8;
	[tilespmem:$0x1F6B0] =	vst v63  }
.LBB2_2:
0x49: {  	_ =	swait.ge [sflag:s24], $0x50  }
0x4a: {  	[sflag:s24] =	ssyncset.done $0x0  }
0x4b: {  	[sflag:s24] =	ssyncadd.s32 $0xFFFFFFB0  }
0x4c: {  	_ =	swait.ge [sflag:s24], $0x50  }
0x4d: {  	[sflag:s24] =	ssyncset.done $0x0  }
0x4e: {  	[sflag:s24] =	ssyncadd.s32 $0xFFFFFFB0  }
0x4f: {  	v4 =	vld [tilespmem:$0x6040]  }
0x50: {  	v5 =	vld [tilespmem:$0x6090]  }
0x51: {  	v6 =	vld [tilespmem:$0x6050]  }
0x52: {  	v7 =	vld [tilespmem:$0x60A0]  }
0x53: {  	v8 =	vld [tilespmem:$0x6060]  }
0x54: {  	v9 =	vld [tilespmem:$0x60B0];
	v4 =	vadd.s32 v0, v4  }
0x55: {  	[tilespmem:$0x60E0] =	vst v4;
	v4 =	vadd.s32 v0, v5;
	v5 =	vld [tilespmem:$0x6070]  }
0x56: {  	[tilespmem:$0x6090] =	vst v4;
	v4 =	vadd.s32 v0, v6;
	v6 =	vld [tilespmem:$0x60C0]  }
0x57: {  	[tilespmem:$0x60F0] =	vst v4;
	v4 =	vadd.s32 v0, v7;
	v7 =	vld [tilespmem:$0x6080]  }
0x58: {  	[tilespmem:$0x60A0] =	vst v4;
	v4 =	vadd.s32 v0, v8;
	v8 =	vld [tilespmem:$0x60D0]  }
0x59: {  	[tilespmem:$0x6100] =	vst v4;
	v4 =	vadd.s32 v0, v9  }
0x5a: {  	[tilespmem:$0x60B0] =	vst v4;
	v4 =	vadd.s32 v0, v5  }
0x5b: {  	[tilespmem:$0x6110] =	vst v4;
	v4 =	vadd.s32 v0, v6  }
0x5c: {  	[tilespmem:$0x60C0] =	vst v4;
	v4 =	vadd.s32 v0, v7  }
0x5d: {  	[tilespmem:$0x6120] =	vst v4;
	v4 =	vadd.s32 v0, v8  }
0x5e: {  	s2 =	simm.s32 $0x6090;
	s3 =	simm.s32 $0x6130;
	s0 =	rddreg [dreg:$0x5];
	[tilespmem:$0x60D0] =	vst v4  }
0x5f: {  	[tilespmem:s3], [sflag:$0x2] =	stream.indirect.gather [hbm4b:s0+s30], $0x80, s2, s30, $0xb8;
	[tilespmem:$0x1F6B0] =	vst v63  }
0x60: {  	s13 =	simm.s32 $0x60E0;
	s14 =	simm.s32 $0x8930  }
0x61: {  	[tilespmem:s14], [sflag:$0x2] =	stream.indirect.gather [hbm4b:s7+s30], $0x10, s13, s30, $0xb8;
	[tilespmem:$0x1F6B0] =	vst v63  }
0x62: {  	s16 =	simm.s32 $0x8E30  }
0x63: {  	[tilespmem:s16], [sflag:$0x2] =	stream.indirect.gather [hbm4b:s7+s30], $0x10, s2, s30, $0xb8;
	[tilespmem:$0x1F6B0] =	vst v63  }
0x64: {  	_ =	swait.ge [sflag:s1], $0x2800  }
0x65: {  	[sflag:s1] =	ssyncset.done $0x0  }
0x66: {  	[sflag:s1] =	ssyncadd.s32 $0xFFFFD800  }
0x67: {  	_ =	swait.ge [sflag:s1], $0x500  }
0x68: {  	[sflag:s1] =	ssyncset.done $0x0  }
0x69: {  	[sflag:s1] =	ssyncadd.s32 $0xFFFFFB00  }
0x6a: {  	_ =	swait.ge [sflag:s1], $0x500  }
0x6b: {  	[sflag:s1] =	ssyncset.done $0x0  }
0x6c: {  	[sflag:s1] =	ssyncadd.s32 $0xFFFFFB00  }
0x6d: {  	v4 =	vld [tilespmem:$0x2D50]  }
0x6e: {  	v5 =	vld [tilespmem:$0x2D60]  }
0x6f: {  	v6 =	vld [tilespmem:$0x2D70]  }
0x70: {  	v7 =	vld [tilespmem:$0x2D80]  }
0x71: {  	p0 =	seq.s32 s15, $0x7C;
	v8 =	vld [tilespmem:$0x2D90]  }
0x72: {  	s16 =	smul.u32 @!p0 $0xA0, s15;
	[tilespmem:$0x0] =	vst v4  }
0x73: {  	s0 =	rddreg [dreg:$0xe];
	[tilespmem:$0x10] =	vst v5  }
0x74: {  	s0 =	sadd.s32 @!p0 s16, s0;
	[tilespmem:$0x20] =	vst v6  }
0x75: {  	s2 =	rddreg [dreg:$0x6];
	s0 =	sshrl.u32 @!p0 s0, $0x3;
	[tilespmem:$0x30] =	vst v7  }
0x76: {  	s4 =	simm.s32 @!p0 $0x2D50;
	s3 =	simm.s32 @!p0 $0x0;
	s2 =	sadd.s32 @!p0 s2, s0;
	[tilespmem:$0x40] =	vst v8  }
0x77: {  	[tilespmem:s4], [sflag:$0x3] =	stream.linear.gather @!p0 [hbm4b:s2+s3], $0x50, $0x38;
	[tilespmem:$0x1F6B0] =	vst v63  }
0x78: {  	s17 =	simm.s32 $0x5B50;
	s0 =	sadd.s32 @!p0 s6, s0;
	s2 =	simm.s32 @!p0 $0x2DA0  }
0x79: {  	[tilespmem:s2], [sflag:$0x3] =	stream.linear.gather @!p0 [hbm4b:s0+s3], $0x50, $0x38;
	[tilespmem:$0x1F6B0] =	vst v63  }
0x7a: {  	v4 =	vld [tilespmem:s17+$0x0]  }
0x7b: {  	s18 =	simm.s32 $0x5650  }
0x7c: {  	v5 =	vld [tilespmem:s18+$0x0];
	_ =	sdelay $0x2  }
0x7d: {  	v4 =	vperm.xlane v4, v1;
	_ =	sdelay $0x1  }
0x7e: {  	v4 =	vadd.f32 v4, v5;
	_ =	sdelay $0x1  }
0x7f: {  	v5 =	vmul.f32 $2.000000030e-01, v4;
	_ =	sdelay $0x1  }
0x80: {  	v4 =	vmax.f32 v4, v5  }
0x81: {  	v4 =	vsub.f32 $0.0e+00, v4;
	_ =	sdelay $0x1  }
0x82: {  	v5 =	vld [tilespmem:s17+$0xFFFFFFF0];
	v4 =	vmul.f32 $1.442695020e+00, v4;
	_ =	sdelay $0x1  }
0x83: {  	v6 =	vld [tilespmem:s18+$0xFFFFFFF0];
	(erf) = vpow2.f32 v4  }
0x84: {  	s19 =	simm.s32 $0x5B70  }
0x85: {  	v4 =	vld [tilespmem:s19+$0x0]  }
0x86: {  	s20 =	simm.s32 $0x5670;
	v5 =	vperm.xlane v5, v1  }
0x87: {  	v7 =	vld [tilespmem:s20+$0x0]  }
0x88: {  	v5 =	vadd.f32 v5, v6  }
0x89: {  	s26 =	simm.s32 $0x2EC0  }
0x8a: {  	v9 =	vld [tilespmem:s26+$0x0];
	v6 =	vmul.f32 $2.000000030e-01, v5;
	v4 =	vperm.xlane v4, v1;
	_ =	sdelay $0x1  }
0x8b: {  	v5 =	vmax.f32 v5, v6;
	v4 =	vadd.f32 v4, v7;
	v8 =	vpop (erf)  }
0x8c: {  	v5 =	vsub.f32 $0.0e+00, v5;
	v6 =	vperm.xlane v8, v2  }
0x8d: {  	v7 =	vld [tilespmem:s19+$0xFFFFFFF0];
	v10 =	vmul.f32 $2.000000030e-01, v4  }
0x8e: {  	v5 =	vmul.f32 $1.442695020e+00, v5;
	v9 =	vmul.f32 v9, v6  }
0x8f: {  	s21 =	simm.s32 $0xD0;
	v11 =	vld [tilespmem:s20+$0xFFFFFFF0];
	v4 =	vmax.f32 v4, v10  }
0x90: {  	(erf) = vpow2.f32 v5;
	v4 =	vsub.f32 $0.0e+00, v4;
	[tilespmem:s21+$0x0] =	vst v9  }
0x91: {  	v5 =	vld [tilespmem:s26+$0x10]  }
0x92: {  	v7 =	vperm.xlane v7, v1;
	v4 =	vmul.f32 $1.442695020e+00, v4;
	_ =	sdelay $0x1  }
0x93: {  	v7 =	vadd.f32 v7, v11;
	(erf) = vpow2.f32 v4;
	_ =	sdelay $0x1  }
0x94: {  	v4 =	vmul.f32 $2.000000030e-01, v7;
	v5 =	vmul.f32 v5, v6  }
0x95: {  	s22 =	simm.s32 $0x5B90;
	v9 =	vld [tilespmem:s26+$0xFFFFFF80]  }
0x96: {  	v4 =	vmax.f32 v7, v4;
	v7 =	vld [tilespmem:s22+$0x0];
	[tilespmem:s21+$0x10] =	vst v5  }
0x97: {  	s25 =	simm.s32 $0x5690;
	v4 =	vsub.f32 $0.0e+00, v4;
	v10 =	vpop (erf);
	v5 =	vld [tilespmem:s26+$0x20]  }
0x98: {  	s20 =	simm.s32 $0x2FC0;
	v11 =	vld [tilespmem:s25+$0x0];
	v14 =	vperm.xlane v10, v2  }
0x99: {  	v12 =	vld [tilespmem:s20+$0x0];
	v4 =	vmul.f32 $1.442695020e+00, v4  }
0x9a: {  	v15 =	vld [tilespmem:s22+$0xFFFFFFF0];
	v13 =	vmul.f32 v9, v14  }
0x9b: {  	(erf) = vpow2.f32 v4;
	v4 =	vperm.xlane v7, v1;
	v9 =	vpop (erf)  }
0x9c: {  	v7 =	vld [tilespmem:s25+$0xFFFFFFF0];
	v16 =	vperm.xlane v9, v2;
	v5 =	vmul.f32 v5, v6  }
0x9d: {  	[tilespmem:s21+$0xFFFFFF80] =	vst v13;
	v4 =	vadd.f32 v4, v11  }
0x9e: {  	v11 =	vld [tilespmem:s26+$0xFFFFFF90];
	[tilespmem:s21+$0x20] =	vst v5;
	v5 =	vmul.f32 v12, v16  }
0x9f: {  	s19 =	simm.s32 $0x1D0;
	v12 =	vperm.xlane v15, v1;
	v15 =	vmul.f32 $2.000000030e-01, v4  }
0xa0: {  	v13 =	vld [tilespmem:s26+$0x30];
	[tilespmem:s19+$0x0] =	vst v5  }
0xa1: {  	v5 =	vadd.f32 v12, v7;
	v4 =	vmax.f32 v4, v15;
	v7 =	vld [tilespmem:s20+$0x10]  }
0xa2: {  	v4 =	vsub.f32 $0.0e+00, v4  }
0xa3: {  	v12 =	vmul.f32 v11, v14;
	v15 =	vld [tilespmem:s20+$0xFFFFFF80]  }
0xa4: {  	v11 =	vpop (erf);
	v17 =	vmul.f32 $2.000000030e-01, v5;
	v4 =	vmul.f32 $1.442695020e+00, v4  }
0xa5: {  	v19 =	vperm.xlane v11, v2;
	v6 =	vmul.f32 v13, v6  }
0xa6: {  	s3 =	simm.s32 $0x5BB0;
	[tilespmem:s21+$0xFFFFFF90] =	vst v12;
	v5 =	vmax.f32 v5, v17;
	(erf) = vpow2.f32 v4;
	v4 =	vmul.f32 v7, v16  }
0xa7: {  	v12 =	vld [tilespmem:s3+$0x0];
	v5 =	vsub.f32 $0.0e+00, v5;
	[tilespmem:s21+$0x30] =	vst v6  }
0xa8: {  	v7 =	vmul.f32 v15, v19;
	v6 =	vld [tilespmem:s26+$0x40];
	[tilespmem:s19+$0x10] =	vst v4  }
0xa9: {  	s4 =	simm.s32 $0x56B0;
	v4 =	vmul.f32 $1.442695020e+00, v5;
	v5 =	vld [tilespmem:s20+$0x20]  }
0xaa: {  	[tilespmem:s19+$0xFFFFFF80] =	vst v7;
	v7 =	vld [tilespmem:s4+$0x0]  }
0xab: {  	v15 =	vperm.xlane v8, v3;
	v17 =	vld [tilespmem:s20+$0xFFFFFF90]  }
0xac: {  	s25 =	simm.s32 $0x30C0;
	(erf) = vpow2.f32 v4;
	v4 =	vld [tilespmem:s3+$0xFFFFFFF0]  }
0xad: {  	v18 =	vld [tilespmem:s25+$0x0];
	v6 =	vmul.f32 v6, v15  }
0xae: {  	v20 =	vperm.xlane v12, v1;
	v5 =	vmul.f32 v5, v16  }
0xaf: {  	[tilespmem:s21+$0x40] =	vst v6;
	v6 =	vld [tilespmem:s4+$0xFFFFFFF0];
	v12 =	vpop (erf)  }
0xb0: {  	v13 =	vld [tilespmem:s26+$0xFFFFFFA0];
	v7 =	vadd.f32 v20, v7;
	v20 =	vperm.xlane v12, v2;
	[tilespmem:s19+$0x20] =	vst v5  }
0xb1: {  	v17 =	vmul.f32 v17, v19;
	v4 =	vperm.xlane v4, v1;
	v5 =	vld [tilespmem:s20+$0x30]  }
0xb2: {  	v22 =	vmul.f32 $2.000000030e-01, v7;
	v18 =	vmul.f32 v18, v20  }
0xb3: {  	s22 =	simm.s32 $0x2D0;
	[tilespmem:s19+$0xFFFFFF90] =	vst v17;
	v17 =	vld [tilespmem:s25+$0xFFFFFF80]  }
0xb4: {  	v21 =	vld [tilespmem:s26+$0x50];
	v4 =	vadd.f32 v4, v6;
	v6 =	vmax.f32 v7, v22;
	[tilespmem:s22+$0x0] =	vst v18  }
0xb5: {  	v7 =	vmul.f32 v13, v14;
	v13 =	vpop (erf);
	v6 =	vsub.f32 $0.0e+00, v6;
	v18 =	vld [tilespmem:s25+$0x10]  }
0xb6: {  	s29 =	simm.s32 $0x31C0;
	v23 =	vld [tilespmem:s20+$0xFFFFFFA0];
	v22 =	vperm.xlane v13, v2;
	v5 =	vmul.f32 v5, v16  }
0xb7: {  	v25 =	vld [tilespmem:s29+$0x0];
	v24 =	vmul.f32 $2.000000030e-01, v4;
	v6 =	vmul.f32 $1.442695020e+00, v6  }
0xb8: {  	v29 =	vld [tilespmem:s29+$0xFFFFFF80];
	v16 =	vmul.f32 v17, v22;
	[tilespmem:s19+$0x30] =	vst v5  }
0xb9: {  	v21 =	vmul.f32 v21, v15;
	[tilespmem:s21+$0xFFFFFFA0] =	vst v7;
	v4 =	vmax.f32 v4, v24;
	(erf) = vpow2.f32 v6;
	v5 =	vld [tilespmem:s20+$0x40]  }
0xba: {  	s10 =	simm.s32 $0x5BD0;
	v7 =	vld [tilespmem:s26+$0xFFFFFFB0];
	[tilespmem:s22+$0xFFFFFF80] =	vst v16;
	v4 =	vsub.f32 $0.0e+00, v4;
	v16 =	vmul.f32 v18, v20  }
0xbb: {  	[tilespmem:s21+$0x50] =	vst v21;
	v21 =	vmul.f32 v23, v19;
	v23 =	vld [tilespmem:s10+$0x0]  }
0xbc: {  	v17 =	vld [tilespmem:s26+$0x60];
	v18 =	vperm.xlane v9, v3;
	v4 =	vmul.f32 $1.442695020e+00, v4;
	[tilespmem:s22+$0x10] =	vst v16  }
0xbd: {  	v16 =	vld [tilespmem:s25+$0x20]  }
0xbe: {  	s11 =	simm.s32 $0x56D0;
	v6 =	vld [tilespmem:s25+$0xFFFFFF90];
	(erf) = vpow2.f32 v4;
	v4 =	vmul.f32 v5, v18  }
0xbf: {  	v24 =	vld [tilespmem:s11+$0x0]  }
0xc0: {  	[tilespmem:s19+$0xFFFFFFA0] =	vst v21;
	v5 =	vmul.f32 v7, v14;
	v7 =	vld [tilespmem:s10+$0xFFFFFFF0]  }
0xc1: {  	v21 =	vld [tilespmem:s20+$0xFFFFFFB0]  }
0xc2: {  	v14 =	vperm.xlane v23, v1;
	v23 =	vld [tilespmem:s11+$0xFFFFFFF0];
	[tilespmem:s19+$0x40] =	vst v4;
	v16 =	vmul.f32 v16, v20;
	v4 =	vpop (erf)  }
0xc3: {  	v6 =	vmul.f32 v6, v22;
	[tilespmem:s21+$0xFFFFFFB0] =	vst v5;
	v26 =	vld [tilespmem:s20+$0x50];
	v27 =	vperm.xlane v4, v2  }
0xc4: {  	v17 =	vmul.f32 v17, v15;
	v24 =	vadd.f32 v14, v24;
	v28 =	vld [tilespmem:s26+$0xFFFFFFC0];
	[tilespmem:s22+$0x20] =	vst v16  }
0xc5: {  	[tilespmem:s22+$0xFFFFFF90] =	vst v6;
	v6 =	vperm.xlane v7, v1;
	v7 =	vld [tilespmem:s25+$0x30];
	v16 =	vmul.f32 v25, v27  }
0xc6: {  	s14 =	simm.s32 $0x3D0;
	s13 =	simm.s32 $0x5BF0;
	v19 =	vmul.f32 v21, v19;
	v21 =	vld [tilespmem:s25+$0xFFFFFFA0];
	v25 =	vmul.f32 $2.000000030e-01, v24  }
0xc7: {  	v30 =	vld [tilespmem:s13+$0xFFFFFFF0];
	v5 =	vperm.xlane v10, v3;
	[tilespmem:s14+$0x0] =	vst v16  }
0xc8: {  	s17 =	simm.s32 $0x56F0;
	[tilespmem:s21+$0x60] =	vst v17;
	v14 =	vpop (erf);
	v6 =	vadd.f32 v6, v23;
	v26 =	vmul.f32 v26, v18;
	v17 =	vmax.f32 v24, v25;
	v23 =	vld [tilespmem:s29+$0x10]  }
0xc9: {  	v33 =	vld [tilespmem:s17+$0xFFFFFFF0];
	[tilespmem:s19+$0xFFFFFFB0] =	vst v19;
	v16 =	vperm.xlane v14, v2;
	v24 =	vmul.f32 v28, v5;
	v17 =	vsub.f32 $0.0e+00, v17  }
0xca: {  	v25 =	vld [tilespmem:s26+$0x70];
	v19 =	vmul.f32 $2.000000030e-01, v6;
	[tilespmem:s19+$0x50] =	vst v26;
	v7 =	vmul.f32 v7, v20  }
0xcb: {  	v21 =	vmul.f32 v21, v22;
	v28 =	vld [tilespmem:s20+$0x60];
	[tilespmem:s21+$0xFFFFFFC0] =	vst v24;
	v17 =	vmul.f32 $1.442695020e+00, v17  }
0xcc: {  	v26 =	vmul.f32 v29, v16;
	v24 =	vld [tilespmem:s20+$0xFFFFFFC0];
	v6 =	vmax.f32 v6, v19;
	[tilespmem:s22+$0x30] =	vst v7  }
0xcd: {  	[tilespmem:s22+$0xFFFFFFA0] =	vst v21;
	v6 =	vsub.f32 $0.0e+00, v6;
	(erf) = vpow2.f32 v17;
	v17 =	vld [tilespmem:s25+$0x40];
	v7 =	vmul.f32 v23, v27  }
0xce: {  	v21 =	vld [tilespmem:s25+$0xFFFFFFB0];
	[tilespmem:s14+$0xFFFFFF80] =	vst v26  }
0xcf: {  	v26 =	vld [tilespmem:s13+$0x0];
	v6 =	vmul.f32 $1.442695020e+00, v6;
	[tilespmem:s14+$0x10] =	vst v7  }
0xd0: {  	v23 =	vmul.f32 v28, v18;
	v28 =	vperm.xlane v12, v3;
	v7 =	vld [tilespmem:s29+$0x20]  }
0xd1: {  	v19 =	vld [tilespmem:s29+$0xFFFFFF90];
	v15 =	vmul.f32 v25, v15  }
0xd2: {  	(erf) = vpow2.f32 v6;
	[tilespmem:s19+$0x60] =	vst v23;
	v6 =	vmul.f32 v17, v28;
	v17 =	vld [tilespmem:s17+$0x0]  }
0xd3: {  	s2 =	simm.s32 $0x2860;
	s11 =	simm.s32 $0x32C0;
	v25 =	vnsel vm0, $0x0, v8;
	v21 =	vmul.f32 v21, v22;
	[tilespmem:s21+$0x70] =	vst v15;
	v23 =	vld [tilespmem:s20+$0x70]  }
0xd4: {  	v29 =	vld [tilespmem:s11+$0x0];
	[tilespmem:s2+$0x0] =	vst v25  }
0xd5: {  	s4 =	simm.s32 $0x33C0;
	v20 =	vld [tilespmem:s26+$0xFFFFFFD0];
	v26 =	vperm.xlane v26, v1;
	[tilespmem:s22+$0xFFFFFFB0] =	vst v21;
	v31 =	vmul.f32 v7, v27  }
0xd6: {  	v25 =	vld [tilespmem:s4+$0x0];
	v21 =	vperm.xlane v30, v1;
	[tilespmem:s22+$0x40] =	vst v6  }
0xd7: {  	v19 =	vmul.f32 v19, v16;
	v32 =	vld [tilespmem:s25+$0x50];
	v7 =	vperm.xlane v11, v3;
	v6 =	vpop (erf);
	v22 =	vadd.f32 v26, v17;
	[tilespmem:s14+$0x20] =	vst v31  }
0xd8: {  	v34 =	vperm.xlane v6, v2;
	v15 =	vmul.f32 v23, v18;
	v26 =	vld [tilespmem:s29+$0x30]  }
0xd9: {  	[tilespmem:s14+$0xFFFFFF90] =	vst v19;
	v19 =	vld [tilespmem:s11+$0xFFFFFF80];
	v17 =	vmul.f32 v24, v7;
	v30 =	vmul.f32 $2.000000030e-01, v22  }
0xda: {  	s18 =	simm.s32 $0x5C10;
	v24 =	vmul.f32 v29, v34;
	v29 =	vld [tilespmem:s29+$0xFFFFFFA0];
	[tilespmem:s19+$0x70] =	vst v15  }
0xdb: {  	s13 =	simm.s32 $0x4D0;
	v20 =	vmul.f32 v20, v5;
	v21 =	vadd.f32 v21, v33;
	v15 =	vld [tilespmem:s18+$0xFFFFFFF0];
	v31 =	vpop (erf);
	[tilespmem:s19+$0xFFFFFFC0] =	vst v17;
	v22 =	vmax.f32 v22, v30  }
0xdc: {  	v32 =	vmul.f32 v32, v28;
	[tilespmem:s13+$0x0] =	vst v24;
	v24 =	vld [tilespmem:s25+$0xFFFFFFC0];
	v17 =	vperm.xlane v31, v2;
	v22 =	vsub.f32 $0.0e+00, v22  }
0xdd: {  	[tilespmem:s21+$0xFFFFFFD0] =	vst v20;
	v20 =	vmul.f32 $2.000000030e-01, v21;
	v30 =	vld [tilespmem:s11+$0x10];
	v26 =	vmul.f32 v26, v27  }
0xde: {  	v59 =	vld [tilespmem:s20+$0xFFFFFFD0];
	[tilespmem:s22+$0x50] =	vst v32;
	v19 =	vmul.f32 v19, v17;
	v22 =	vmul.f32 $1.442695020e+00, v22  }
0xdf: {  	v27 =	vld [tilespmem:s25+$0x60];
	[tilespmem:s14+$0x30] =	vst v26  }
0xe0: {  	v20 =	vmax.f32 v21, v20;
	[tilespmem:s13+$0xFFFFFF80] =	vst v19;
	(erf) = vpow2.f32 v22;
	v19 =	vld [tilespmem:s29+$0x40]  }
0xe1: {  	s0 =	simm.s32 $0x2880;
	v9 =	vnsel vm0, $0x0, v9;
	v20 =	vsub.f32 $0.0e+00, v20;
	v29 =	vmul.f32 v29, v16;
	v26 =	vld [tilespmem:s26+$0xFFFFFFE0]  }
0xe2: {  	v8 =	vperm.xlane v13, v3;
	[tilespmem:s0+$0x0] =	vst v9;
	v21 =	vld [tilespmem:s11+$0xFFFFFF90];
	v22 =	vmul.f32 v30, v34  }
0xe3: {  	v18 =	vperm.xlane v4, v3;
	v20 =	vmul.f32 $1.442695020e+00, v20;
	[tilespmem:s14+$0xFFFFFFA0] =	vst v29;
	v29 =	vld [tilespmem:s18+$0x0]  }
0xe4: {  	v9 =	vmul.f32 v24, v8;
	v23 =	vld [tilespmem:s29+$0xFFFFFFB0];
	[tilespmem:s13+$0x10] =	vst v22;
	v24 =	vmul.f32 v27, v28  }
0xe5: {  	s18 =	simm.s32 $0x5710;
	(erf) = vpow2.f32 v20;
	v22 =	vld [tilespmem:s11+$0x20];
	v19 =	vmul.f32 v19, v18  }
0xe6: {  	v20 =	vld [tilespmem:s18+$0x0];
	[tilespmem:s22+$0x60] =	vst v24  }
0xe7: {  	v21 =	vmul.f32 v21, v17;
	v24 =	vld [tilespmem:s18+$0xFFFFFFF0];
	[tilespmem:s14+$0x40] =	vst v19  }
0xe8: {  	[tilespmem:s22+$0xFFFFFFC0] =	vst v9;
	v26 =	vmul.f32 v26, v5;
	v27 =	vld [tilespmem:s29+$0x50]  }
0xe9: {  	v29 =	vperm.xlane v29, v1;
	v30 =	vld [tilespmem:s25+$0x70];
	v16 =	vmul.f32 v23, v16;
	[tilespmem:s13+$0xFFFFFF90] =	vst v21;
	v9 =	vpop (erf)  }
0xea: {  	[tilespmem:s21+$0xFFFFFFE0] =	vst v26;
	v22 =	vmul.f32 v22, v34;
	v21 =	vperm.xlane v9, v2  }
0xeb: {  	v23 =	vld [tilespmem:s4+$0xFFFFFF80];
	v20 =	vadd.f32 v29, v20;
	v19 =	vmul.f32 v59, v7;
	[tilespmem:s14+$0xFFFFFFB0] =	vst v16  }
0xec: {  	v60 =	vperm.xlane v15, v1;
	v15 =	vnsel vm0, $0x0, v11;
	v29 =	vld [tilespmem:s11+$0xFFFFFFA0];
	[tilespmem:s13+$0x20] =	vst v22;
	v11 =	vmul.f32 v25, v21  }
0xed: {  	s9 =	smov.u32 s8;
	s8 =	smov.u32 s31;
	s31 =	simm.s32 $0x5D0;
	[tilespmem:s19+$0xFFFFFFD0] =	vst v19;
	v16 =	vld [tilespmem:s11+$0x30];
	v25 =	vmul.f32 $2.000000030e-01, v20;
	v26 =	vmul.f32 v27, v18  }
0xee: {  	v13 =	vnsel vm0, $0x0, v13;
	v35 =	vld [tilespmem:s29+$0xFFFFFFC0];
	v61 =	vpop (erf);
	v24 =	vadd.f32 v60, v24;
	v27 =	vmul.f32 v30, v28;
	[tilespmem:s31+$0x0] =	vst v11  }
0xef: {  	v19 =	vnsel vm0, $0x0, v10;
	v22 =	vperm.xlane v61, v2;
	v28 =	vld [tilespmem:s25+$0xFFFFFFD0];
	v20 =	vmax.f32 v20, v25;
	[tilespmem:s14+$0x50] =	vst v26  }
0xf0: {  	v10 =	vperm.xlane v14, v3;
	v25 =	vmul.f32 $2.000000030e-01, v24;
	v62 =	vld [tilespmem:s4+$0x10];
	[tilespmem:s22+$0x70] =	vst v27;
	v27 =	vsub.f32 $0.0e+00, v20  }
0xf1: {  	v12 =	vnsel vm0, $0x0, v12;
	s17 =	simm.s32 $0x28A0;
	v23 =	vmul.f32 v23, v22;
	v11 =	vperm.xlane v31, v3;
	v36 =	vld [tilespmem:s29+$0x60]  }
0xf2: {  	v26 =	vld [tilespmem:s20+$0xFFFFFFE0];
	[tilespmem:s17+$0x0] =	vst v12;
	v16 =	vmul.f32 v16, v34;
	v12 =	vmax.f32 v24, v25;
	v30 =	vmul.f32 $1.442695020e+00, v27  }
0xf3: {  	v63 =	vmul.f32 v35, v10;
	[tilespmem:s31+$0xFFFFFF80] =	vst v23;
	v24 =	vmul.f32 v29, v17;
	v25 =	vld [tilespmem:s26+$0xFFFFFFF0];
	v23 =	vsub.f32 $0.0e+00, v12  }
0xf4: {  	v20 =	vperm.xlane v61, v3;
	v12 =	vnsel vm0, $0x0, v14;
	v27 =	vld [tilespmem:s4+$0xFFFFFF90];
	[tilespmem:s13+$0x30] =	vst v16;
	(erf) = vpow2.f32 v30  }
0xf5: {  	s28 =	simm.s32 $0x5C30;
	v14 =	vnsel vm0, $0x0, v31;
	[tilespmem:s13+$0xFFFFFFA0] =	vst v24;
	v30 =	vld [tilespmem:s11+$0x40];
	v24 =	vmul.f32 $1.442695020e+00, v23;
	v23 =	vmul.f32 v62, v21  }
0xf6: {  	s3 =	simm.s32 $0x28A0;
	s10 =	simm.s32 $0xC;
	[tilespmem:s14+$0xFFFFFFC0] =	vst v63;
	s26 =	simm.s32 $0x33C0;
	v29 =	vmul.f32 v28, v8;
	v16 =	vnsel vm0, $0x0, v61;
	v28 =	vld [tilespmem:s11+$0xFFFFFFB0];
	v31 =	vmul.f32 v36, v18  }
.LBB2_3:
0xf7: {  	v32 =	vld [tilespmem:s28+$0x0];
	[tilespmem:s31+$0x10] =	vst v23;
	v23 =	vmul.f32 v26, v7  }
0xf8: {  	v26 =	vperm.xlane v6, v3;
	(erf) = vpow2.f32 v24;
	v24 =	vld [tilespmem:s4+$0x20];
	[tilespmem:s14+$0x60] =	vst v31  }
0xf9: {  	v25 =	vmul.f32 v25, v5;
	v5 =	vmovc v7;
	v7 =	vmov v8;
	v27 =	vmul.f32 v27, v22;
	v31 =	vld [tilespmem:s29+$0x70];
	[tilespmem:s22+$0xFFFFFFD0] =	vst v29  }
0xfa: {  	s18 =	sadd.s32 $0x20, s18;
	v8 =	vmovc v10;
	v10 =	vmov v11;
	v11 =	vmov v20;
	v29 =	vld [tilespmem:s28+$0xFFFFFFF0];
	v30 =	vmul.f32 v30, v26;
	[tilespmem:s19+$0xFFFFFFE0] =	vst v23  }
0xfb: {  	s10 =	sadd.s32 $0x2, s10;
	s4 =	sadd.s32 $0x100, s4;
	v20 =	vld [tilespmem:s18+$0x0];
	[tilespmem:s31+$0xFFFFFF90] =	vst v27;
	v23 =	vmul.f32 v28, v17;
	v17 =	vmov v22  }
0xfc: {  	p1 =	slt.u32 s10, $0x4E;
	v22 =	vld [tilespmem:s4+$0x0];
	[tilespmem:s13+$0x40] =	vst v30  }
0xfd: {  	v24 =	vmul.f32 v24, v21;
	[tilespmem:s13+$0xFFFFFFB0] =	vst v23;
	v23 =	vld [tilespmem:s11+$0x50]  }
0xfe: {  	v28 =	vperm.xlane v32, v1;
	v27 =	vld [tilespmem:s18+$0xFFFFFFF0];
	v30 =	vpop (erf);
	v32 =	vmul.f32 v31, v18;
	[tilespmem:s21+$0xFFFFFFF0] =	vst v25;
	v18 =	vmov v26;
	s21 =	smov.u32 s19;
	s19 =	smov.u32 s22;
	s22 =	smov.u32 s14  }
0xff: {  	s14 =	smov.u32 s13;
	s13 =	smov.u32 s31;
	v25 =	vperm.xlane v29, v1;
	v26 =	vld [tilespmem:s4+$0xFFFFFF80];
	v29 =	vperm.xlane v30, v2;
	[tilespmem:s31+$0x20] =	vst v24  }
0x100: {  	s17 =	sadd.s32 $0x20, s17;
	v24 =	vadd.f32 v28, v20;
	v28 =	vld [tilespmem:s26+$0xFFFFFFA0];
	[tilespmem:s22+$0x70] =	vst v32;
	v20 =	vnsel vm0, $0x0, v4;
	v4 =	vmovc v6;
	v6 =	vmovc v9;
	v9 =	vmov v30  }
0x101: {  	v30 =	vmul.f32 v22, v29;
	v31 =	vpop (erf);
	v32 =	vld [tilespmem:s26+$0x30];
	[tilespmem:s17+$0x0] =	vst v20  }
0x102: {  	s31 =	sadd.s32 $0x100, s31;
	v33 =	vmul.f32 $2.000000030e-01, v24;
	v34 =	vnsel vm0, $0x0, v31;
	v35 =	vld [tilespmem:s11+$0xFFFFFFC0];
	v23 =	vmul.f32 v23, v18;
	[tilespmem:s2+$0xFFFFFFF0] =	vst v19;
	v19 =	vmovc v15;
	v15 =	vmovc v13;
	s2 =	smov.u32 s0;
	s0 =	smov.u32 s3  }
0x103: {  	v22 =	vperm.xlane v31, v2;
	v20 =	vperm.xlane v31, v3;
	s3 =	smov.u32 s17;
	v25 =	vadd.f32 v25, v27;
	[tilespmem:s31+$0x0] =	vst v30;
	v30 =	vld [tilespmem:s29+$0xFFFFFFD0]  }
0x104: {  	v13 =	vmovc v12;
	v12 =	vmovc v14;
	v14 =	vmov v16;
	v16 =	vmov v34;
	v24 =	vmax.f32 v24, v33;
	v31 =	vld [tilespmem:s4+$0x10];
	[tilespmem:s14+$0x50] =	vst v23  }
0x105: {  	v27 =	vmul.f32 v26, v22;
	v23 =	vmul.f32 $2.000000030e-01, v25;
	v24 =	vsub.f32 $0.0e+00, v24;
	v33 =	vld [tilespmem:s11+$0x60]  }
.Ltmp0:
0x106: {  	v28 =	vmul.f32 v28, v17;
	v32 =	vmul.f32 v32, v21;
	v26 =	vld [tilespmem:s25+$0xFFFFFFE0];
	v21 =	vmov v29;
	(pc) =	sbr.rel @p1 .LBB2_3-.Ltmp0, $4  }
0x107: {  	v23 =	vmax.f32 v25, v23;
	v24 =	vmul.f32 $1.442695020e+00, v24;
	[tilespmem:s31+$0xFFFFFF80] =	vst v27;
	v34 =	vmul.f32 v35, v10;
	v25 =	vld [tilespmem:s20+$0xFFFFFFF0];
	s20 =	smov.u32 s25;
	s25 =	smov.u32 s29;
	s29 =	smov.u32 s11  }
0x108: {  	s11 =	smov.u32 s26;
	s26 =	smov.u32 s4;
	v35 =	vsub.f32 $0.0e+00, v23;
	v27 =	vld [tilespmem:s4+$0xFFFFFF90];
	[tilespmem:s13+$0x30] =	vst v32;
	v29 =	vmul.f32 v30, v8  }
0x109: {  	(erf) = vpow2.f32 v24;
	v23 =	vmul.f32 v31, v21;
	[tilespmem:s13+$0xFFFFFFA0] =	vst v28;
	v30 =	vld [tilespmem:s11+$0x40]  }
0x10a: {  	s28 =	sadd.s32 $0x20, s28;
	v24 =	vmul.f32 $1.442695020e+00, v35;
	v28 =	vld [tilespmem:s11+$0xFFFFFFB0];
	[tilespmem:s14+$0xFFFFFFC0] =	vst v34;
	v31 =	vmul.f32 v33, v18  }
0x10b: {  	_ =	sdelay $0x3  }
0x10c: {  	s10 =	sadd.s32 $0x100, s4  }
0x10d: {  	(erf) = vpow2.f32 v24;
	v32 =	vld [tilespmem:s10+$0x0];
	_ =	sdelay $0x1  }
0x10e: {  	v24 =	vpop (erf)  }
0x10f: {  	v33 =	vperm.xlane v24, v2;
	_ =	sdelay $0x1  }
0x110: {  	v32 =	vmul.f32 v32, v33  }
0x111: {  	s18 =	sadd.s32 $0x100, s31  }
0x112: {  	v34 =	vld [tilespmem:s10+$0xFFFFFF80];
	[tilespmem:s18+$0x0] =	vst v32  }
0x113: {  	[tilespmem:s31+$0x10] =	vst v23;
	v32 =	vld [tilespmem:s10+$0x10]  }
0x114: {  	v35 =	vld [tilespmem:s4+$0x20];
	v23 =	vpop (erf)  }
0x115: {  	v36 =	vperm.xlane v23, v2;
	_ =	sdelay $0x1  }
0x116: {  	v34 =	vmul.f32 v34, v36  }
0x117: {  	[tilespmem:s14+$0x60] =	vst v31;
	v31 =	vmul.f32 v32, v33  }
0x118: {  	v52 =	vmul.f32 v35, v21;
	[tilespmem:s18+$0xFFFFFF80] =	vst v34  }
0x119: {  	v53 =	vperm.xlane v6, v3;
	[tilespmem:s18+$0x10] =	vst v31;
	v31 =	vld [tilespmem:s10+$0xFFFFFF90]  }
0x11a: {  	v26 =	vmul.f32 v26, v7;
	[tilespmem:s31+$0x20] =	vst v52;
	v54 =	vld [tilespmem:s10+$0x20]  }
0x11b: {  	[tilespmem:s22+$0xFFFFFFD0] =	vst v29;
	v29 =	vmul.f32 v30, v53;
	v30 =	vld [tilespmem:s26+$0x30]  }
0x11c: {  	[tilespmem:s19+$0xFFFFFFE0] =	vst v26;
	v26 =	vmul.f32 v27, v22  }
0x11d: {  	v27 =	vld [tilespmem:s29+$0x70];
	v17 =	vmul.f32 v28, v17;
	[tilespmem:s13+$0x40] =	vst v29  }
0x11e: {  	[tilespmem:s31+$0xFFFFFF90] =	vst v26;
	v26 =	vld [tilespmem:s11+$0x50];
	v28 =	vmul.f32 v31, v36  }
0x11f: {  	[tilespmem:s13+$0xFFFFFFB0] =	vst v17;
	v17 =	vld [tilespmem:s26+$0xFFFFFFA0];
	v29 =	vmul.f32 v54, v33  }
0x120: {  	v21 =	vmul.f32 v30, v21;
	[tilespmem:s18+$0xFFFFFF90] =	vst v28  }
0x121: {  	v5 =	vmul.f32 v25, v5;
	[tilespmem:s18+$0x20] =	vst v29;
	v25 =	vld [tilespmem:s10+$0xFFFFFFA0]  }
0x122: {  	v18 =	vmul.f32 v27, v18;
	[tilespmem:s31+$0x30] =	vst v21;
	v21 =	vld [tilespmem:s10+$0x30]  }
0x123: {  	[tilespmem:s21+$0xFFFFFFF0] =	vst v5;
	v5 =	vmul.f32 v26, v53;
	v26 =	vld [tilespmem:s26+$0x40]  }
0x124: {  	[tilespmem:s14+$0x70] =	vst v18;
	v17 =	vmul.f32 v17, v22  }
0x125: {  	v18 =	vld [tilespmem:s11+$0xFFFFFFC0];
	[tilespmem:s13+$0x50] =	vst v5  }
0x126: {  	v4 =	vnsel vm0, $0x0, v4;
	s17 =	sadd.s32 $0x20, s17;
	[tilespmem:s31+$0xFFFFFFA0] =	vst v17;
	v17 =	vperm.xlane v9, v3;
	v5 =	vld [tilespmem:s11+$0x60];
	v25 =	vmul.f32 v25, v36  }
0x127: {  	[tilespmem:s17+$0x0] =	vst v4;
	v4 =	vld [tilespmem:s26+$0xFFFFFFB0];
	v21 =	vmul.f32 v21, v33  }
0x128: {  	v27 =	vld [tilespmem:s29+$0xFFFFFFD0];
	v26 =	vmul.f32 v26, v17;
	[tilespmem:s18+$0xFFFFFFA0] =	vst v25  }
0x129: {  	[tilespmem:s18+$0x30] =	vst v21;
	v21 =	vld [tilespmem:s10+$0xFFFFFFB0]  }
0x12a: {  	v18 =	vmul.f32 v18, v11;
	[tilespmem:s31+$0x40] =	vst v26;
	v25 =	vld [tilespmem:s10+$0x40]  }
0x12b: {  	[tilespmem:s2+$0xFFFFFFF0] =	vst v19;
	v5 =	vmul.f32 v5, v53;
	v19 =	vld [tilespmem:s26+$0x50]  }
0x12c: {  	[tilespmem:s13+$0xFFFFFFC0] =	vst v18;
	v4 =	vmul.f32 v4, v22;
	v26 =	vld [tilespmem:s25+$0xFFFFFFE0]  }
0x12d: {  	v18 =	vld [tilespmem:s20+$0xFFFFFFF0];
	v22 =	vmul.f32 v27, v10;
	[tilespmem:s13+$0x60] =	vst v5;
	v5 =	vperm.xlane v24, v3  }
0x12e: {  	[tilespmem:s31+$0xFFFFFFB0] =	vst v4;
	v27 =	vld [tilespmem:s11+$0x70];
	v4 =	vmul.f32 v21, v36  }
0x12f: {  	[tilespmem:s14+$0xFFFFFFD0] =	vst v22;
	v21 =	vld [tilespmem:s26+$0xFFFFFFC0];
	v22 =	vmul.f32 v25, v5  }
0x130: {  	v19 =	vmul.f32 v19, v17;
	[tilespmem:s18+$0xFFFFFFB0] =	vst v4  }
0x131: {  	v4 =	vmul.f32 v26, v8;
	[tilespmem:s18+$0x40] =	vst v22;
	v22 =	vld [tilespmem:s10+$0xFFFFFFC0]  }
0x132: {  	v7 =	vmul.f32 v18, v7;
	[tilespmem:s31+$0x50] =	vst v19;
	v18 =	vld [tilespmem:s10+$0x50]  }
0x133: {  	v19 =	vld [tilespmem:s26+$0x60];
	[tilespmem:s22+$0xFFFFFFE0] =	vst v4;
	v4 =	vmul.f32 v27, v53  }
0x134: {  	[tilespmem:s19+$0xFFFFFFF0] =	vst v7;
	v25 =	vperm.xlane v23, v3;
	v7 =	vmul.f32 v21, v20  }
0x135: {  	[tilespmem:s13+$0x70] =	vst v4;
	v4 =	vld [tilespmem:s11+$0xFFFFFFD0]  }
0x136: {  	v6 =	vnsel vm0, $0x0, v6;
	s21 =	sadd.s32 $0x20, s17;
	v21 =	vld [tilespmem:s29+$0xFFFFFFE0];
	[tilespmem:s31+$0xFFFFFFC0] =	vst v7;
	v7 =	vmul.f32 v22, v25  }
0x137: {  	[tilespmem:s21+$0x0] =	vst v6;
	v6 =	vmul.f32 v18, v5;
	v18 =	vld [tilespmem:s26+$0xFFFFFFD0]  }
0x138: {  	v19 =	vmul.f32 v19, v17;
	v22 =	vld [tilespmem:s25+$0xFFFFFFF0];
	[tilespmem:s18+$0xFFFFFFC0] =	vst v7  }
0x139: {  	[tilespmem:s18+$0x50] =	vst v6;
	v6 =	vld [tilespmem:s10+$0xFFFFFFD0]  }
0x13a: {  	[tilespmem:s31+$0x60] =	vst v19;
	v4 =	vmul.f32 v4, v11;
	v7 =	vld [tilespmem:s10+$0x60]  }
0x13b: {  	[tilespmem:s0+$0xFFFFFFF0] =	vst v15;
	v19 =	vld [tilespmem:s26+$0x70];
	v15 =	vmul.f32 v21, v10  }
0x13c: {  	[tilespmem:s13+$0xFFFFFFD0] =	vst v4;
	v4 =	vmul.f32 v18, v20  }
0x13d: {  	[tilespmem:s14+$0xFFFFFFE0] =	vst v15;
	v8 =	vmul.f32 v22, v8;
	v15 =	vld [tilespmem:s11+$0xFFFFFFE0]  }
0x13e: {  	[tilespmem:s31+$0xFFFFFFD0] =	vst v4;
	v4 =	vmul.f32 v6, v25  }
0x13f: {  	[tilespmem:s22+$0xFFFFFFF0] =	vst v8;
	v6 =	vmul.f32 v7, v5;
	v7 =	vld [tilespmem:s26+$0xFFFFFFE0]  }
0x140: {  	v8 =	vmul.f32 v19, v17;
	v17 =	vld [tilespmem:s29+$0xFFFFFFF0];
	[tilespmem:s18+$0xFFFFFFD0] =	vst v4  }
0x141: {  	[tilespmem:s18+$0x60] =	vst v6;
	v4 =	vld [tilespmem:s10+$0xFFFFFFE0]  }
0x142: {  	s25 =	sadd.s32 $0x20, s21;
	[tilespmem:s31+$0x70] =	vst v8;
	v6 =	vnsel vm0, $0x0, v9;
	v8 =	vmul.f32 v15, v11;
	v9 =	vld [tilespmem:s10+$0x70]  }
0x143: {  	[tilespmem:s25+$0x0] =	vst v6  }
0x144: {  	[tilespmem:s13+$0xFFFFFFE0] =	vst v8;
	v6 =	vmul.f32 v7, v20  }
0x145: {  	[tilespmem:s3+$0xFFFFFFF0] =	vst v13;
	v7 =	vmul.f32 v17, v10;
	v8 =	vld [tilespmem:s11+$0xFFFFFFF0]  }
0x146: {  	[tilespmem:s31+$0xFFFFFFE0] =	vst v6;
	v4 =	vmul.f32 v4, v25  }
0x147: {  	[tilespmem:s14+$0xFFFFFFF0] =	vst v7;
	v5 =	vmul.f32 v9, v5;
	v6 =	vld [tilespmem:s26+$0xFFFFFFF0]  }
0x148: {  	[tilespmem:s18+$0xFFFFFFE0] =	vst v4  }
0x149: {  	s14 =	sadd.s32 $0x20, s25;
	v4 =	vnsel vm0, $0x0, v24;
	[tilespmem:s18+$0x70] =	vst v5;
	v5 =	vld [tilespmem:s10+$0xFFFFFFF0]  }
0x14a: {  	[tilespmem:s14+$0x0] =	vst v4;
	v4 =	vmul.f32 v8, v11  }
0x14b: {  	[tilespmem:s17+$0xFFFFFFF0] =	vst v12  }
0x14c: {  	[tilespmem:s13+$0xFFFFFFF0] =	vst v4;
	v4 =	vmul.f32 v6, v20  }
0x14d: {  	[tilespmem:s21+$0xFFFFFFF0] =	vst v14  }
0x14e: {  	[tilespmem:s31+$0xFFFFFFF0] =	vst v4;
	v4 =	vmul.f32 v5, v25  }
0x14f: {  	[tilespmem:s25+$0xFFFFFFF0] =	vst v16  }
0x150: {  	v5 =	vnsel vm0, $0x0, v23;
	[tilespmem:s18+$0xFFFFFFF0] =	vst v4  }
0x151: {  	[tilespmem:s14+$0xFFFFFFF0] =	vst v5  }
0x152: {  	[spmem:s8] =	stream.indirect.scatter.add.f32 [tilespmem:s30], [sflag:$0x5], $0x80, s5, s30, $0xb8;
	[tilespmem:$0x1F6B0] =	vst v63  }
0x153: {  	_ =	swait.ge [sflag:s23], $0x2800  }
0x154: {  	s31 =	smov.u32 s8;
	[sflag:s23] =	ssyncset.done $0x0  }
0x155: {  	s8 =	smov.u32 s9;
	s9 =	simm.s32 $0x2850;
	[sflag:s23] =	ssyncadd.s32 $0xFFFFD800  }
0x156: {  	[spmem:s8] =	stream.indirect.scatter.add.f32 [tilespmem:s9], [sflag:$0x5], $0x10, s5, s30, $0xb8;
	[tilespmem:$0x1F6B0] =	vst v63  }
0x157: {  	_ =	swait.ge [sflag:s23], $0x500  }
0x158: {  	[sflag:s23] =	ssyncset.done $0x0  }
0x159: {  	s0 =	simm.s32 @!p0 $0x3;
	[sflag:s23] =	ssyncadd.s32 $0xFFFFFB00  }
0x15a: {  	_ =	swait.ge @!p0 [sflag:s0], $0x50  }
0x15b: {  	[sflag:s0] =	ssyncset.done @!p0 $0x0  }
0x15c: {  	[sflag:s0] =	ssyncadd.s32 @!p0 $0xFFFFFFB0  }
0x15d: {  	_ =	swait.ge @!p0 [sflag:s0], $0x50  }
0x15e: {  	[sflag:s0] =	ssyncset.done @!p0 $0x0  }
0x15f: {  	[sflag:s0] =	ssyncadd.s32 @!p0 $0xFFFFFFB0  }
0x160: {  	v4 =	vld @!p0 [tilespmem:$0x2D50]  }
0x161: {  	v5 =	vld @!p0 [tilespmem:$0x2DA0]  }
0x162: {  	v6 =	vld @!p0 [tilespmem:$0x2D60]  }
0x163: {  	v7 =	vld @!p0 [tilespmem:$0x2DB0]  }
0x164: {  	v8 =	vld @!p0 [tilespmem:$0x2D70]  }
0x165: {  	v9 =	vld @!p0 [tilespmem:$0x2DC0];
	v4 =	vadd.s32 @!p0 v0, v4  }
0x166: {  	[tilespmem:$0x2DF0] =	vst @!p0 v4;
	v4 =	vadd.s32 @!p0 v0, v5;
	v5 =	vld @!p0 [tilespmem:$0x2D80]  }
0x167: {  	[tilespmem:$0x2DA0] =	vst @!p0 v4;
	v4 =	vadd.s32 @!p0 v0, v6;
	v6 =	vld @!p0 [tilespmem:$0x2DD0]  }
0x168: {  	[tilespmem:$0x2E00] =	vst @!p0 v4;
	v4 =	vadd.s32 @!p0 v0, v7;
	v7 =	vld @!p0 [tilespmem:$0x2D90]  }
0x169: {  	[tilespmem:$0x2DB0] =	vst @!p0 v4;
	v4 =	vadd.s32 @!p0 v0, v8;
	v8 =	vld @!p0 [tilespmem:$0x2DE0]  }
0x16a: {  	[tilespmem:$0x2E10] =	vst @!p0 v4;
	v4 =	vadd.s32 @!p0 v0, v9  }
0x16b: {  	[tilespmem:$0x2DC0] =	vst @!p0 v4;
	v4 =	vadd.s32 @!p0 v0, v5  }
0x16c: {  	[tilespmem:$0x2E20] =	vst @!p0 v4;
	v4 =	vadd.s32 @!p0 v0, v6  }
0x16d: {  	[tilespmem:$0x2DD0] =	vst @!p0 v4;
	v4 =	vadd.s32 @!p0 v0, v7  }
0x16e: {  	s2 =	simm.s32 @!p0 $0x2DA0;
	[tilespmem:$0x2E30] =	vst @!p0 v4;
	v4 =	vadd.s32 @!p0 v0, v8  }
0x16f: {  	s3 =	simm.s32 @!p0 $0x2E40;
	s4 =	rddreg [dreg:$0x5];
	s0 =	simm.s32 @!p0 $0x50;
	[tilespmem:$0x2DE0] =	vst @!p0 v4  }
0x170: {  	[tilespmem:s3], [sflag:$0x1] =	stream.indirect.gather @!p0 [hbm4b:s4+s0], $0x80, s2, s0, $0xb8;
	[tilespmem:$0x1F6B0] =	vst v63  }
0x171: {  	s3 =	simm.s32 @!p0 $0x2DF0;
	s4 =	simm.s32 @!p0 $0x5640  }
0x172: {  	[tilespmem:s4], [sflag:$0x1] =	stream.indirect.gather @!p0 [hbm4b:s7+s0], $0x10, s3, s0, $0xb8;
	[tilespmem:$0x1F6B0] =	vst v63  }
0x173: {  	s3 =	simm.s32 @!p0 $0x5B40  }
0x174: {  	[tilespmem:s3], [sflag:$0x1] =	stream.indirect.gather @!p0 [hbm4b:s7+s0], $0x10, s2, s0, $0xb8;
	[tilespmem:$0x1F6B0] =	vst v63  }
0x175: {  	_ =	swait.ge [sflag:s12], $0x2800  }
0x176: {  	[sflag:s12] =	ssyncset.done $0x0  }
0x177: {  	[sflag:s12] =	ssyncadd.s32 $0xFFFFD800  }
0x178: {  	_ =	swait.ge [sflag:s12], $0x500  }
0x179: {  	[sflag:s12] =	ssyncset.done $0x0  }
0x17a: {  	[sflag:s12] =	ssyncadd.s32 $0xFFFFFB00  }
0x17b: {  	_ =	swait.ge [sflag:s12], $0x500  }
0x17c: {  	[sflag:s12] =	ssyncset.done $0x0  }
0x17d: {  	[sflag:s12] =	ssyncadd.s32 $0xFFFFFB00  }
0x17e: {  	v4 =	vld [tilespmem:$0x6040]  }
0x17f: {  	v5 =	vld [tilespmem:$0x6050]  }
0x180: {  	v6 =	vld [tilespmem:$0x6060]  }
0x181: {  	v7 =	vld [tilespmem:$0x6070]  }
0x182: {  	v8 =	vld [tilespmem:$0x6080]  }
0x183: {  	[tilespmem:$0x0] =	vst v4  }
0x184: {  	s0 =	rddreg [dreg:$0xf];
	[tilespmem:$0x10] =	vst v5  }
0x185: {  	s0 =	sadd.s32 @!p0 s16, s0;
	[tilespmem:$0x20] =	vst v6  }
0x186: {  	s2 =	rddreg [dreg:$0x6];
	s0 =	sshrl.u32 @!p0 s0, $0x3;
	[tilespmem:$0x30] =	vst v7  }
0x187: {  	s4 =	simm.s32 @!p0 $0x6040;
	s3 =	simm.s32 @!p0 $0x0;
	s2 =	sadd.s32 @!p0 s2, s0;
	[tilespmem:$0x40] =	vst v8  }
0x188: {  	[tilespmem:s4], [sflag:$0x4] =	stream.linear.gather @!p0 [hbm4b:s2+s3], $0x50, $0x38;
	[tilespmem:$0x1F6B0] =	vst v63  }
0x189: {  	s17 =	simm.s32 $0x8E40;
	s0 =	sadd.s32 @!p0 s6, s0;
	s2 =	simm.s32 @!p0 $0x6090  }
0x18a: {  	[tilespmem:s2], [sflag:$0x4] =	stream.linear.gather @!p0 [hbm4b:s0+s3], $0x50, $0x38;
	[tilespmem:$0x1F6B0] =	vst v63  }
0x18b: {  	v4 =	vld [tilespmem:s17+$0x0]  }
0x18c: {  	s18 =	simm.s32 $0x8940  }
0x18d: {  	v5 =	vld [tilespmem:s18+$0x0];
	_ =	sdelay $0x2  }
0x18e: {  	v4 =	vperm.xlane v4, v1;
	_ =	sdelay $0x1  }
0x18f: {  	v4 =	vadd.f32 v4, v5;
	_ =	sdelay $0x1  }
0x190: {  	v5 =	vmul.f32 $2.000000030e-01, v4;
	_ =	sdelay $0x1  }
0x191: {  	v4 =	vmax.f32 v4, v5  }
0x192: {  	v4 =	vsub.f32 $0.0e+00, v4;
	_ =	sdelay $0x1  }
0x193: {  	v5 =	vld [tilespmem:s17+$0xFFFFFFF0];
	v4 =	vmul.f32 $1.442695020e+00, v4;
	_ =	sdelay $0x1  }
0x194: {  	v6 =	vld [tilespmem:s18+$0xFFFFFFF0];
	(erf) = vpow2.f32 v4  }
0x195: {  	s19 =	simm.s32 $0x8E60  }
0x196: {  	v4 =	vld [tilespmem:s19+$0x0]  }
0x197: {  	s20 =	simm.s32 $0x8960;
	v5 =	vperm.xlane v5, v1  }
0x198: {  	v7 =	vld [tilespmem:s20+$0x0]  }
0x199: {  	v5 =	vadd.f32 v5, v6  }
0x19a: {  	s26 =	simm.s32 $0x61B0  }
0x19b: {  	v9 =	vld [tilespmem:s26+$0x0];
	v6 =	vmul.f32 $2.000000030e-01, v5;
	v4 =	vperm.xlane v4, v1;
	_ =	sdelay $0x1  }
0x19c: {  	v5 =	vmax.f32 v5, v6;
	v4 =	vadd.f32 v4, v7;
	v8 =	vpop (erf)  }
0x19d: {  	v5 =	vsub.f32 $0.0e+00, v5;
	v6 =	vperm.xlane v8, v2  }
0x19e: {  	v7 =	vld [tilespmem:s19+$0xFFFFFFF0];
	v10 =	vmul.f32 $2.000000030e-01, v4  }
0x19f: {  	v5 =	vmul.f32 $1.442695020e+00, v5;
	v9 =	vmul.f32 v9, v6  }
0x1a0: {  	s22 =	simm.s32 $0xD0;
	v11 =	vld [tilespmem:s20+$0xFFFFFFF0];
	v4 =	vmax.f32 v4, v10  }
0x1a1: {  	(erf) = vpow2.f32 v5;
	v4 =	vsub.f32 $0.0e+00, v4;
	[tilespmem:s22+$0x0] =	vst v9  }
0x1a2: {  	v5 =	vld [tilespmem:s26+$0x10]  }
0x1a3: {  	v7 =	vperm.xlane v7, v1;
	v4 =	vmul.f32 $1.442695020e+00, v4;
	_ =	sdelay $0x1  }
0x1a4: {  	v7 =	vadd.f32 v7, v11;
	(erf) = vpow2.f32 v4;
	_ =	sdelay $0x1  }
0x1a5: {  	v4 =	vmul.f32 $2.000000030e-01, v7;
	v5 =	vmul.f32 v5, v6  }
0x1a6: {  	s21 =	simm.s32 $0x8E80;
	v9 =	vld [tilespmem:s26+$0xFFFFFF80]  }
0x1a7: {  	v4 =	vmax.f32 v7, v4;
	v7 =	vld [tilespmem:s21+$0x0];
	[tilespmem:s22+$0x10] =	vst v5  }
0x1a8: {  	s25 =	simm.s32 $0x8980;
	v4 =	vsub.f32 $0.0e+00, v4;
	v10 =	vpop (erf);
	v5 =	vld [tilespmem:s26+$0x20]  }
0x1a9: {  	s19 =	simm.s32 $0x62B0;
	v11 =	vld [tilespmem:s25+$0x0];
	v14 =	vperm.xlane v10, v2  }
0x1aa: {  	v12 =	vld [tilespmem:s19+$0x0];
	v4 =	vmul.f32 $1.442695020e+00, v4  }
0x1ab: {  	v15 =	vld [tilespmem:s21+$0xFFFFFFF0];
	v13 =	vmul.f32 v9, v14  }
0x1ac: {  	(erf) = vpow2.f32 v4;
	v4 =	vperm.xlane v7, v1;
	v9 =	vpop (erf)  }
0x1ad: {  	v7 =	vld [tilespmem:s25+$0xFFFFFFF0];
	v16 =	vperm.xlane v9, v2;
	v5 =	vmul.f32 v5, v6  }
0x1ae: {  	[tilespmem:s22+$0xFFFFFF80] =	vst v13;
	v4 =	vadd.f32 v4, v11  }
0x1af: {  	v11 =	vld [tilespmem:s26+$0xFFFFFF90];
	[tilespmem:s22+$0x20] =	vst v5;
	v5 =	vmul.f32 v12, v16  }
0x1b0: {  	s16 =	simm.s32 $0x1D0;
	v12 =	vperm.xlane v15, v1;
	v15 =	vmul.f32 $2.000000030e-01, v4  }
0x1b1: {  	v13 =	vld [tilespmem:s26+$0x30];
	[tilespmem:s16+$0x0] =	vst v5  }
0x1b2: {  	v5 =	vadd.f32 v12, v7;
	v4 =	vmax.f32 v4, v15;
	v7 =	vld [tilespmem:s19+$0x10]  }
0x1b3: {  	v4 =	vsub.f32 $0.0e+00, v4  }
0x1b4: {  	v12 =	vmul.f32 v11, v14;
	v15 =	vld [tilespmem:s19+$0xFFFFFF80]  }
0x1b5: {  	v11 =	vpop (erf);
	v17 =	vmul.f32 $2.000000030e-01, v5;
	v4 =	vmul.f32 $1.442695020e+00, v4  }
0x1b6: {  	v19 =	vperm.xlane v11, v2;
	v6 =	vmul.f32 v13, v6  }
0x1b7: {  	s3 =	simm.s32 $0x8EA0;
	[tilespmem:s22+$0xFFFFFF90] =	vst v12;
	v5 =	vmax.f32 v5, v17;
	(erf) = vpow2.f32 v4;
	v4 =	vmul.f32 v7, v16  }
0x1b8: {  	v12 =	vld [tilespmem:s3+$0x0];
	v5 =	vsub.f32 $0.0e+00, v5;
	[tilespmem:s22+$0x30] =	vst v6  }
0x1b9: {  	v7 =	vmul.f32 v15, v19;
	v6 =	vld [tilespmem:s26+$0x40];
	[tilespmem:s16+$0x10] =	vst v4  }
0x1ba: {  	s4 =	simm.s32 $0x89A0;
	v4 =	vmul.f32 $1.442695020e+00, v5;
	v5 =	vld [tilespmem:s19+$0x20]  }
0x1bb: {  	[tilespmem:s16+$0xFFFFFF80] =	vst v7;
	v7 =	vld [tilespmem:s4+$0x0]  }
0x1bc: {  	v15 =	vperm.xlane v8, v3;
	v17 =	vld [tilespmem:s19+$0xFFFFFF90];
	(erf) = vpow2.f32 v4  }
0x1bd: {  	s20 =	simm.s32 $0x63B0;
	v4 =	vld [tilespmem:s3+$0xFFFFFFF0]  }
0x1be: {  	v18 =	vld [tilespmem:s20+$0x0];
	v6 =	vmul.f32 v6, v15  }
0x1bf: {  	v13 =	vld [tilespmem:s26+$0xFFFFFFA0];
	v20 =	vperm.xlane v12, v1;
	v5 =	vmul.f32 v5, v16  }
0x1c0: {  	[tilespmem:s22+$0x40] =	vst v6;
	v6 =	vld [tilespmem:s4+$0xFFFFFFF0];
	v12 =	vpop (erf)  }
0x1c1: {  	v7 =	vadd.f32 v20, v7;
	v20 =	vperm.xlane v12, v2;
	[tilespmem:s16+$0x20] =	vst v5  }
0x1c2: {  	v17 =	vmul.f32 v17, v19;
	v4 =	vperm.xlane v4, v1;
	v5 =	vld [tilespmem:s19+$0x30]  }
0x1c3: {  	v21 =	vld [tilespmem:s26+$0x50];
	v22 =	vmul.f32 $2.000000030e-01, v7;
	v18 =	vmul.f32 v18, v20  }
0x1c4: {  	s21 =	simm.s32 $0x2D0;
	[tilespmem:s16+$0xFFFFFF90] =	vst v17;
	v17 =	vld [tilespmem:s20+$0xFFFFFF80]  }
0x1c5: {  	v23 =	vld [tilespmem:s19+$0xFFFFFFA0];
	v4 =	vadd.f32 v4, v6;
	v6 =	vmax.f32 v7, v22;
	v7 =	vmul.f32 v13, v14;
	v13 =	vpop (erf);
	[tilespmem:s21+$0x0] =	vst v18  }
0x1c6: {  	s11 =	simm.s32 $0x89C0;
	v6 =	vsub.f32 $0.0e+00, v6;
	v22 =	vperm.xlane v13, v2;
	v18 =	vld [tilespmem:s20+$0x10]  }
0x1c7: {  	s13 =	simm.s32 $0x8EE0;
	v26 =	vld [tilespmem:s11+$0xFFFFFFF0];
	v24 =	vmul.f32 $2.000000030e-01, v4;
	v5 =	vmul.f32 v5, v16  }
0x1c8: {  	v30 =	vld [tilespmem:s13+$0xFFFFFFF0];
	v21 =	vmul.f32 v21, v15;
	[tilespmem:s22+$0xFFFFFFA0] =	vst v7;
	v6 =	vmul.f32 $1.442695020e+00, v6  }
0x1c9: {  	v7 =	vld [tilespmem:s26+$0xFFFFFFB0];
	v16 =	vmul.f32 v17, v22;
	v4 =	vmax.f32 v4, v24;
	[tilespmem:s16+$0x30] =	vst v5  }
0x1ca: {  	s10 =	simm.s32 $0x8EC0;
	[tilespmem:s22+$0x50] =	vst v21;
	(erf) = vpow2.f32 v6;
	v4 =	vsub.f32 $0.0e+00, v4;
	v5 =	vld [tilespmem:s19+$0x40]  }
0x1cb: {  	v21 =	vmul.f32 v23, v19;
	v23 =	vld [tilespmem:s10+$0x0];
	[tilespmem:s21+$0xFFFFFF80] =	vst v16;
	v16 =	vmul.f32 v18, v20  }
0x1cc: {  	s25 =	simm.s32 $0x64B0;
	v17 =	vld [tilespmem:s26+$0x60];
	v4 =	vmul.f32 $1.442695020e+00, v4  }
0x1cd: {  	v24 =	vld [tilespmem:s25+$0x0];
	v18 =	vperm.xlane v9, v3;
	[tilespmem:s21+$0x10] =	vst v16  }
0x1ce: {  	(erf) = vpow2.f32 v4;
	v16 =	vld [tilespmem:s20+$0x20]  }
0x1cf: {  	v6 =	vld [tilespmem:s20+$0xFFFFFF90];
	v4 =	vmul.f32 v5, v18  }
0x1d0: {  	v5 =	vld [tilespmem:s11+$0x0]  }
0x1d1: {  	v7 =	vmul.f32 v7, v14;
	v14 =	vld [tilespmem:s10+$0xFFFFFFF0];
	[tilespmem:s16+$0x40] =	vst v4  }
0x1d2: {  	[tilespmem:s16+$0xFFFFFFA0] =	vst v21;
	v25 =	vld [tilespmem:s19+$0x50]  }
0x1d3: {  	v21 =	vld [tilespmem:s19+$0xFFFFFFB0];
	v23 =	vperm.xlane v23, v1;
	[tilespmem:s22+$0xFFFFFFB0] =	vst v7;
	v16 =	vmul.f32 v16, v20;
	v4 =	vpop (erf)  }
0x1d4: {  	v28 =	vld [tilespmem:s26+$0xFFFFFFC0];
	v6 =	vmul.f32 v6, v22;
	v27 =	vperm.xlane v4, v2  }
0x1d5: {  	v17 =	vmul.f32 v17, v15;
	v7 =	vperm.xlane v10, v3;
	v5 =	vadd.f32 v23, v5;
	v23 =	vld [tilespmem:s25+$0xFFFFFF80];
	[tilespmem:s21+$0x20] =	vst v16  }
0x1d6: {  	s17 =	simm.s32 $0x89E0;
	[tilespmem:s21+$0xFFFFFF90] =	vst v6;
	v6 =	vperm.xlane v14, v1;
	v16 =	vmul.f32 v24, v27;
	v24 =	vld [tilespmem:s20+$0x30]  }
0x1d7: {  	s14 =	simm.s32 $0x3D0;
	v56 =	vld [tilespmem:s17+$0xFFFFFFF0];
	[tilespmem:s22+$0x60] =	vst v17;
	v29 =	vmul.f32 $2.000000030e-01, v5;
	v14 =	vpop (erf);
	v25 =	vmul.f32 v25, v18  }
0x1d8: {  	v19 =	vmul.f32 v21, v19;
	v21 =	vld [tilespmem:s20+$0xFFFFFFA0];
	[tilespmem:s14+$0x0] =	vst v16;
	v16 =	vperm.xlane v14, v2  }
0x1d9: {  	v6 =	vadd.f32 v6, v26;
	v26 =	vmul.f32 v28, v7;
	v5 =	vmax.f32 v5, v29;
	v17 =	vld [tilespmem:s25+$0x10];
	[tilespmem:s16+$0x50] =	vst v25  }
0x1da: {  	[tilespmem:s16+$0xFFFFFFB0] =	vst v19;
	v5 =	vsub.f32 $0.0e+00, v5;
	v23 =	vmul.f32 v23, v16;
	v25 =	vld [tilespmem:s19+$0x60]  }
0x1db: {  	v28 =	vld [tilespmem:s26+$0x70];
	v19 =	vmul.f32 $2.000000030e-01, v6;
	[tilespmem:s22+$0xFFFFFFC0] =	vst v26;
	v20 =	vmul.f32 v24, v20  }
0x1dc: {  	v5 =	vmul.f32 $1.442695020e+00, v5;
	v24 =	vld [tilespmem:s26+$0xFFFFFFD0];
	[tilespmem:s14+$0xFFFFFF80] =	vst v23  }
0x1dd: {  	v21 =	vmul.f32 v21, v22;
	v6 =	vmax.f32 v6, v19;
	v19 =	vld [tilespmem:s25+$0xFFFFFF90];
	[tilespmem:s21+$0x30] =	vst v20  }
0x1de: {  	v6 =	vsub.f32 $0.0e+00, v6;
	(erf) = vpow2.f32 v5;
	v5 =	vmul.f32 v17, v27;
	v17 =	vld [tilespmem:s20+$0x40]  }
0x1df: {  	[tilespmem:s21+$0xFFFFFFA0] =	vst v21;
	v23 =	vld [tilespmem:s13+$0x0];
	v21 =	vmul.f32 v25, v18  }
0x1e0: {  	v20 =	vld [tilespmem:s20+$0xFFFFFFB0];
	[tilespmem:s14+$0x10] =	vst v5;
	v5 =	vmul.f32 $1.442695020e+00, v6  }
0x1e1: {  	v25 =	vperm.xlane v12, v3;
	v6 =	vld [tilespmem:s25+$0x20];
	[tilespmem:s16+$0x60] =	vst v21  }
0x1e2: {  	v15 =	vmul.f32 v28, v15;
	(erf) = vpow2.f32 v5;
	v21 =	vld [tilespmem:s19+$0x70]  }
0x1e3: {  	v19 =	vmul.f32 v19, v16;
	v5 =	vmul.f32 v17, v25;
	v17 =	vld [tilespmem:s17+$0x0]  }
0x1e4: {  	s11 =	simm.s32 $0x65B0;
	v26 =	vld [tilespmem:s19+$0xFFFFFFC0];
	[tilespmem:s22+$0x70] =	vst v15  }
0x1e5: {  	v29 =	vld [tilespmem:s11+$0x0];
	v24 =	vmul.f32 v24, v7;
	v20 =	vmul.f32 v20, v22;
	[tilespmem:s14+$0xFFFFFF90] =	vst v19  }
0x1e6: {  	v23 =	vperm.xlane v23, v1;
	[tilespmem:s21+$0x40] =	vst v5;
	v31 =	vmul.f32 v6, v27  }
0x1e7: {  	[tilespmem:s21+$0xFFFFFFB0] =	vst v20;
	v20 =	vperm.xlane v30, v1;
	v6 =	vperm.xlane v11, v3;
	v55 =	vld [tilespmem:s20+$0x50];
	v5 =	vpop (erf)  }
0x1e8: {  	v19 =	vld [tilespmem:s11+$0xFFFFFF80];
	v15 =	vmul.f32 v21, v18;
	v57 =	vperm.xlane v5, v2;
	[tilespmem:s14+$0x20] =	vst v31;
	v22 =	vadd.f32 v23, v17  }
0x1e9: {  	s18 =	simm.s32 $0x8F00;
	[tilespmem:s22+$0xFFFFFFD0] =	vst v24;
	v20 =	vadd.f32 v20, v56;
	v17 =	vmul.f32 v26, v6;
	v23 =	vld [tilespmem:s25+$0x30]  }
0x1ea: {  	[tilespmem:s16+$0x70] =	vst v15;
	v15 =	vld [tilespmem:s18+$0xFFFFFFF0];
	v26 =	vmul.f32 v29, v57;
	v30 =	vmul.f32 $2.000000030e-01, v22  }
0x1eb: {  	s13 =	simm.s32 $0x4D0;
	v24 =	vmul.f32 $2.000000030e-01, v20;
	v29 =	vld [tilespmem:s25+$0xFFFFFFA0];
	[tilespmem:s16+$0xFFFFFFC0] =	vst v17  }
0x1ec: {  	v31 =	vpop (erf);
	v32 =	vmul.f32 v55, v25;
	v58 =	vld [tilespmem:s19+$0xFFFFFFD0];
	[tilespmem:s13+$0x0] =	vst v26;
	v22 =	vmax.f32 v22, v30  }
0x1ed: {  	v20 =	vmax.f32 v20, v24;
	v17 =	vperm.xlane v31, v2;
	v30 =	vld [tilespmem:s11+$0x10];
	v22 =	vsub.f32 $0.0e+00, v22  }
0x1ee: {  	v20 =	vsub.f32 $0.0e+00, v20;
	v26 =	vld [tilespmem:s20+$0xFFFFFFC0];
	[tilespmem:s21+$0x50] =	vst v32;
	v23 =	vmul.f32 v23, v27  }
0x1ef: {  	v19 =	vmul.f32 v19, v17;
	v27 =	vld [tilespmem:s20+$0x60];
	v22 =	vmul.f32 $1.442695020e+00, v22  }
0x1f0: {  	v20 =	vmul.f32 $1.442695020e+00, v20;
	[tilespmem:s14+$0x30] =	vst v23;
	v23 =	vld [tilespmem:s26+$0xFFFFFFE0]  }
0x1f1: {  	s0 =	simm.s32 $0x2880;
	v9 =	vnsel vm0, $0x0, v9;
	v29 =	vmul.f32 v29, v16;
	[tilespmem:s13+$0xFFFFFF80] =	vst v19;
	v19 =	vld [tilespmem:s25+$0x40];
	(erf) = vpow2.f32 v22  }
0x1f2: {  	v28 =	vnsel vm0, $0x0, v8;
	v8 =	vperm.xlane v13, v3;
	[tilespmem:s0+$0x0] =	vst v9;
	v24 =	vld [tilespmem:s11+$0xFFFFFF90];
	v22 =	vmul.f32 v30, v57  }
0x1f3: {  	[tilespmem:s14+$0xFFFFFFA0] =	vst v29;
	v29 =	vld [tilespmem:s18+$0x0];
	(erf) = vpow2.f32 v20  }
0x1f4: {  	s2 =	simm.s32 $0x2860;
	v18 =	vperm.xlane v4, v3;
	v9 =	vmul.f32 v26, v8;
	v21 =	vld [tilespmem:s25+$0xFFFFFFB0];
	[tilespmem:s13+$0x10] =	vst v22  }
0x1f5: {  	[tilespmem:s2+$0x0] =	vst v28;
	s18 =	simm.s32 $0x8A00;
	v26 =	vmul.f32 v27, v25;
	v22 =	vld [tilespmem:s11+$0x20]  }
0x1f6: {  	s4 =	simm.s32 $0x66B0;
	v20 =	vld [tilespmem:s18+$0x0];
	[tilespmem:s21+$0xFFFFFFC0] =	vst v9;
	v19 =	vmul.f32 v19, v18  }
0x1f7: {  	v27 =	vld [tilespmem:s4+$0x0];
	[tilespmem:s21+$0x60] =	vst v26;
	v23 =	vmul.f32 v23, v7  }
0x1f8: {  	v26 =	vld [tilespmem:s18+$0xFFFFFFF0];
	v24 =	vmul.f32 v24, v17;
	[tilespmem:s14+$0x40] =	vst v19  }
0x1f9: {  	v16 =	vmul.f32 v21, v16;
	[tilespmem:s22+$0xFFFFFFE0] =	vst v23;
	v28 =	vld [tilespmem:s25+$0x50]  }
0x1fa: {  	v30 =	vld [tilespmem:s20+$0x70];
	v29 =	vperm.xlane v29, v1;
	[tilespmem:s13+$0xFFFFFF90] =	vst v24;
	v22 =	vmul.f32 v22, v57;
	v9 =	vpop (erf)  }
0x1fb: {  	v13 =	vnsel vm0, $0x0, v13;
	v24 =	vld [tilespmem:s4+$0xFFFFFF80];
	[tilespmem:s14+$0xFFFFFFB0] =	vst v16;
	v21 =	vperm.xlane v9, v2  }
0x1fc: {  	v59 =	vperm.xlane v15, v1;
	v19 =	vmul.f32 v58, v6;
	v20 =	vadd.f32 v29, v20;
	v60 =	vld [tilespmem:s25+$0xFFFFFFC0];
	v23 =	vpop (erf);
	[tilespmem:s13+$0x20] =	vst v22  }
0x1fd: {  	v15 =	vnsel vm0, $0x0, v11;
	v22 =	vperm.xlane v23, v2;
	v11 =	vmul.f32 v27, v21;
	v16 =	vld [tilespmem:s11+$0x30]  }
0x1fe: {  	s29 =	simm.s32 $0x5D0;
	v29 =	vld [tilespmem:s11+$0xFFFFFFA0];
	[tilespmem:s16+$0xFFFFFFD0] =	vst v19;
	v19 =	vnsel vm0, $0x0, v10;
	v27 =	vmul.f32 $2.000000030e-01, v20;
	v28 =	vmul.f32 v28, v18  }
0x1ff: {  	v10 =	vperm.xlane v14, v3;
	v26 =	vadd.f32 v59, v26;
	v25 =	vmul.f32 v30, v25;
	v30 =	vld [tilespmem:s20+$0xFFFFFFD0];
	[tilespmem:s29+$0x0] =	vst v11  }
0x200: {  	v24 =	vmul.f32 v24, v22;
	v11 =	vperm.xlane v31, v3;
	v20 =	vmax.f32 v20, v27;
	v61 =	vld [tilespmem:s4+$0x10];
	[tilespmem:s14+$0x50] =	vst v28  }
0x201: {  	[tilespmem:s21+$0x70] =	vst v25;
	v27 =	vmul.f32 $2.000000030e-01, v26;
	v33 =	vmul.f32 v60, v10;
	v28 =	vsub.f32 $0.0e+00, v20;
	v62 =	vld [tilespmem:s25+$0x60]  }
0x202: {  	v12 =	vnsel vm0, $0x0, v12;
	s17 =	simm.s32 $0x28A0;
	v25 =	vld [tilespmem:s19+$0xFFFFFFE0];
	v20 =	vperm.xlane v23, v3;
	[tilespmem:s29+$0xFFFFFF80] =	vst v24;
	v16 =	vmul.f32 v16, v57  }
0x203: {  	[tilespmem:s17+$0x0] =	vst v12;
	v12 =	vmax.f32 v26, v27;
	v26 =	vmul.f32 v29, v17;
	v27 =	vld [tilespmem:s4+$0xFFFFFF90];
	v63 =	vmul.f32 $1.442695020e+00, v28  }
0x204: {  	v29 =	vmul.f32 v30, v8;
	v28 =	vld [tilespmem:s26+$0xFFFFFFF0];
	v24 =	vsub.f32 $0.0e+00, v12;
	v12 =	vnsel vm0, $0x0, v14;
	[tilespmem:s13+$0x30] =	vst v16  }
0x205: {  	s28 =	simm.s32 $0x8F20;
	s3 =	simm.s32 $0x28A0;
	[tilespmem:s13+$0xFFFFFFA0] =	vst v26;
	(erf) = vpow2.f32 v63;
	v16 =	vnsel vm0, $0x0, v23;
	v30 =	vld [tilespmem:s11+$0x40];
	v23 =	vmul.f32 v61, v21  }
0x206: {  	s10 =	simm.s32 $0xC;
	[tilespmem:s14+$0xFFFFFFC0] =	vst v33;
	v14 =	vnsel vm0, $0x0, v31;
	s26 =	simm.s32 $0x66B0;
	v24 =	vmul.f32 $1.442695020e+00, v24;
	v26 =	vld [tilespmem:s11+$0xFFFFFFB0];
	v31 =	vmul.f32 v62, v18  }
.LBB2_5:
0x207: {  	v32 =	vld [tilespmem:s28+$0x0];
	[tilespmem:s29+$0x10] =	vst v23;
	v23 =	vmul.f32 v25, v6  }
0x208: {  	v25 =	vperm.xlane v5, v3;
	(erf) = vpow2.f32 v24;
	v24 =	vld [tilespmem:s4+$0x20];
	[tilespmem:s14+$0x60] =	vst v31  }
0x209: {  	v28 =	vmul.f32 v28, v7;
	v7 =	vmovc v6;
	v6 =	vmov v8;
	v27 =	vmul.f32 v27, v22;
	v31 =	vld [tilespmem:s25+$0x70];
	[tilespmem:s21+$0xFFFFFFD0] =	vst v29  }
0x20a: {  	s18 =	sadd.s32 $0x20, s18;
	v8 =	vmovc v10;
	v10 =	vmov v11;
	v11 =	vmov v20;
	v29 =	vld [tilespmem:s28+$0xFFFFFFF0];
	v30 =	vmul.f32 v30, v25;
	[tilespmem:s16+$0xFFFFFFE0] =	vst v23  }
0x20b: {  	s10 =	sadd.s32 $0x2, s10;
	s4 =	sadd.s32 $0x100, s4;
	v20 =	vld [tilespmem:s18+$0x0];
	[tilespmem:s29+$0xFFFFFF90] =	vst v27;
	v23 =	vmul.f32 v26, v17;
	v17 =	vmov v22  }
0x20c: {  	p0 =	slt.u32 s10, $0x4E;
	v22 =	vld [tilespmem:s4+$0x0];
	[tilespmem:s13+$0x40] =	vst v30  }
0x20d: {  	v24 =	vmul.f32 v24, v21;
	[tilespmem:s13+$0xFFFFFFB0] =	vst v23;
	v23 =	vld [tilespmem:s11+$0x50]  }
0x20e: {  	v27 =	vperm.xlane v32, v1;
	v26 =	vld [tilespmem:s18+$0xFFFFFFF0];
	v30 =	vpop (erf);
	v32 =	vmul.f32 v31, v18;
	[tilespmem:s22+$0xFFFFFFF0] =	vst v28;
	v18 =	vmov v25;
	s22 =	smov.u32 s16;
	s16 =	smov.u32 s21;
	s21 =	smov.u32 s14  }
0x20f: {  	s14 =	smov.u32 s13;
	s13 =	smov.u32 s29;
	v25 =	vperm.xlane v29, v1;
	v28 =	vld [tilespmem:s4+$0xFFFFFF80];
	v29 =	vperm.xlane v30, v2;
	[tilespmem:s29+$0x20] =	vst v24  }
0x210: {  	s17 =	sadd.s32 $0x20, s17;
	v24 =	vadd.f32 v27, v20;
	v27 =	vld [tilespmem:s26+$0xFFFFFFA0];
	[tilespmem:s21+$0x70] =	vst v32;
	v20 =	vnsel vm0, $0x0, v4;
	v4 =	vmovc v5;
	v5 =	vmovc v9;
	v9 =	vmov v30  }
0x211: {  	v30 =	vmul.f32 v22, v29;
	v31 =	vpop (erf);
	v32 =	vld [tilespmem:s26+$0x30];
	[tilespmem:s17+$0x0] =	vst v20  }
0x212: {  	s29 =	sadd.s32 $0x100, s29;
	v33 =	vmul.f32 $2.000000030e-01, v24;
	v34 =	vnsel vm0, $0x0, v31;
	v35 =	vld [tilespmem:s11+$0xFFFFFFC0];
	v23 =	vmul.f32 v23, v18;
	[tilespmem:s2+$0xFFFFFFF0] =	vst v19;
	v19 =	vmovc v15;
	v15 =	vmovc v13;
	s2 =	smov.u32 s0;
	s0 =	smov.u32 s3  }
0x213: {  	v22 =	vperm.xlane v31, v2;
	v20 =	vperm.xlane v31, v3;
	s3 =	smov.u32 s17;
	v26 =	vadd.f32 v25, v26;
	[tilespmem:s29+$0x0] =	vst v30;
	v30 =	vld [tilespmem:s25+$0xFFFFFFD0]  }
0x214: {  	v13 =	vmovc v12;
	v12 =	vmovc v14;
	v14 =	vmov v16;
	v16 =	vmov v34;
	v24 =	vmax.f32 v24, v33;
	v31 =	vld [tilespmem:s4+$0x10];
	[tilespmem:s14+$0x50] =	vst v23  }
0x215: {  	v28 =	vmul.f32 v28, v22;
	v23 =	vmul.f32 $2.000000030e-01, v26;
	v24 =	vsub.f32 $0.0e+00, v24;
	v33 =	vld [tilespmem:s11+$0x60]  }
.Ltmp1:
0x216: {  	v34 =	vmul.f32 v27, v17;
	v32 =	vmul.f32 v32, v21;
	v25 =	vld [tilespmem:s20+$0xFFFFFFE0];
	v21 =	vmov v29;
	(pc) =	sbr.rel @p0 .LBB2_5-.Ltmp1, $4  }
0x217: {  	v23 =	vmax.f32 v26, v23;
	v24 =	vmul.f32 $1.442695020e+00, v24;
	[tilespmem:s29+$0xFFFFFF80] =	vst v28;
	v35 =	vmul.f32 v35, v10;
	v28 =	vld [tilespmem:s19+$0xFFFFFFF0];
	s19 =	smov.u32 s20;
	s20 =	smov.u32 s25;
	s25 =	smov.u32 s11  }
0x218: {  	s11 =	smov.u32 s26;
	s26 =	smov.u32 s4;
	v26 =	vsub.f32 $0.0e+00, v23;
	v27 =	vld [tilespmem:s4+$0xFFFFFF90];
	[tilespmem:s13+$0x30] =	vst v32;
	v29 =	vmul.f32 v30, v8  }
0x219: {  	(erf) = vpow2.f32 v24;
	v23 =	vmul.f32 v31, v21;
	[tilespmem:s13+$0xFFFFFFA0] =	vst v34;
	v30 =	vld [tilespmem:s11+$0x40]  }
0x21a: {  	s28 =	sadd.s32 $0x20, s28;
	v24 =	vmul.f32 $1.442695020e+00, v26;
	v26 =	vld [tilespmem:s11+$0xFFFFFFB0];
	[tilespmem:s14+$0xFFFFFFC0] =	vst v35;
	v31 =	vmul.f32 v33, v18  }
0x21b: {  	_ =	sdelay $0x3  }
0x21c: {  	s10 =	sadd.s32 $0x100, s4;
	(erf) = vpow2.f32 v24  }
0x21d: {  	v32 =	vld [tilespmem:s10+$0x0];
	_ =	sdelay $0x1  }
0x21e: {  	v24 =	vpop (erf)  }
0x21f: {  	v33 =	vperm.xlane v24, v2;
	_ =	sdelay $0x1  }
0x220: {  	v32 =	vmul.f32 v32, v33  }
0x221: {  	s18 =	sadd.s32 $0x100, s29;
	[tilespmem:s29+$0x10] =	vst v23;
	v34 =	vld [tilespmem:s10+$0xFFFFFF80]  }
0x222: {  	v35 =	vld [tilespmem:s4+$0x20];
	[tilespmem:s18+$0x0] =	vst v32  }
0x223: {  	v23 =	vpop (erf);
	v32 =	vld [tilespmem:s10+$0x10]  }
0x224: {  	v36 =	vperm.xlane v23, v2;
	_ =	sdelay $0x1  }
0x225: {  	v44 =	vmul.f32 v34, v36  }
0x226: {  	v46 =	vmul.f32 v35, v21  }
0x227: {  	[tilespmem:s18+$0xFFFFFF80] =	vst v44;
	v45 =	vmul.f32 v32, v33  }
0x228: {  	v47 =	vperm.xlane v5, v3;
	[tilespmem:s29+$0x20] =	vst v46;
	v48 =	vld [tilespmem:s10+$0xFFFFFF90]  }
0x229: {  	v7 =	vmul.f32 v28, v7;
	v50 =	vld [tilespmem:s26+$0x30];
	[tilespmem:s18+$0x10] =	vst v45  }
0x22a: {  	[tilespmem:s14+$0x60] =	vst v31;
	v30 =	vmul.f32 v30, v47;
	v49 =	vld [tilespmem:s10+$0x20]  }
0x22b: {  	v27 =	vmul.f32 v27, v22;
	[tilespmem:s22+$0xFFFFFFF0] =	vst v7  }
0x22c: {  	v51 =	vld [tilespmem:s25+$0x70];
	[tilespmem:s13+$0x40] =	vst v30  }
0x22d: {  	[tilespmem:s29+$0xFFFFFF90] =	vst v27;
	v52 =	vld [tilespmem:s11+$0x50];
	v7 =	vmul.f32 v48, v36  }
0x22e: {  	[tilespmem:s21+$0xFFFFFFD0] =	vst v29;
	v53 =	vld [tilespmem:s26+$0xFFFFFFA0];
	v55 =	vmul.f32 v50, v21  }
0x22f: {  	[tilespmem:s18+$0xFFFFFF90] =	vst v7;
	v54 =	vmul.f32 v49, v33  }
0x230: {  	v25 =	vmul.f32 v25, v6;
	[tilespmem:s29+$0x30] =	vst v55;
	v57 =	vld [tilespmem:s10+$0xFFFFFFA0]  }
0x231: {  	v18 =	vmul.f32 v51, v18;
	v60 =	vld [tilespmem:s26+$0x40];
	[tilespmem:s18+$0x20] =	vst v54  }
0x232: {  	[tilespmem:s16+$0xFFFFFFE0] =	vst v25;
	v59 =	vmul.f32 v52, v47;
	v58 =	vld [tilespmem:s10+$0x30]  }
0x233: {  	[tilespmem:s14+$0x70] =	vst v18;
	v61 =	vmul.f32 v53, v22  }
0x234: {  	v63 =	vperm.xlane v9, v3;
	v30 =	vld [tilespmem:s25+$0xFFFFFFD0];
	[tilespmem:s13+$0x50] =	vst v59  }
0x235: {  	v4 =	vnsel vm0, $0x0, v4;
	s17 =	sadd.s32 $0x20, s17;
	v56 =	vmul.f32 v26, v17;
	[tilespmem:s29+$0xFFFFFFA0] =	vst v61;
	v7 =	vld [tilespmem:s11+$0x60];
	v17 =	vmul.f32 v57, v36  }
0x236: {  	[tilespmem:s17+$0x0] =	vst v4;
	v4 =	vld [tilespmem:s26+$0xFFFFFFB0];
	v26 =	vmul.f32 v60, v63  }
0x237: {  	[tilespmem:s18+$0xFFFFFFA0] =	vst v17;
	v21 =	vmul.f32 v58, v33  }
0x238: {  	[tilespmem:s29+$0x40] =	vst v26;
	v17 =	vld [tilespmem:s10+$0xFFFFFFB0]  }
0x239: {  	v37 =	vmul.f32 v30, v10;
	v33 =	vld [tilespmem:s26+$0x50];
	[tilespmem:s18+$0x30] =	vst v21  }
0x23a: {  	[tilespmem:s13+$0xFFFFFFB0] =	vst v56;
	v7 =	vmul.f32 v7, v47;
	v32 =	vld [tilespmem:s10+$0x40]  }
0x23b: {  	[tilespmem:s14+$0xFFFFFFD0] =	vst v37;
	v34 =	vld [tilespmem:s20+$0xFFFFFFE0];
	v4 =	vmul.f32 v4, v22  }
0x23c: {  	v62 =	vld [tilespmem:s11+$0xFFFFFFC0];
	[tilespmem:s13+$0x60] =	vst v7  }
0x23d: {  	v38 =	vperm.xlane v24, v3;
	[tilespmem:s29+$0xFFFFFFB0] =	vst v4;
	v39 =	vld [tilespmem:s11+$0x70];
	v4 =	vmul.f32 v17, v36  }
0x23e: {  	[tilespmem:s2+$0xFFFFFFF0] =	vst v19;
	v48 =	vld [tilespmem:s25+$0xFFFFFFE0];
	v19 =	vmul.f32 v33, v63  }
0x23f: {  	v40 =	vld [tilespmem:s26+$0xFFFFFFC0];
	[tilespmem:s18+$0xFFFFFFB0] =	vst v4;
	v41 =	vmul.f32 v32, v38  }
0x240: {  	v4 =	vmul.f32 v34, v8;
	[tilespmem:s29+$0x50] =	vst v19  }
0x241: {  	v31 =	vmul.f32 v62, v11;
	v42 =	vld [tilespmem:s10+$0xFFFFFFC0];
	[tilespmem:s18+$0x40] =	vst v41  }
0x242: {  	[tilespmem:s21+$0xFFFFFFE0] =	vst v4;
	v4 =	vmul.f32 v39, v47;
	v44 =	vld [tilespmem:s10+$0x50]  }
0x243: {  	[tilespmem:s13+$0xFFFFFFC0] =	vst v31;
	v53 =	vmul.f32 v48, v10;
	v45 =	vld [tilespmem:s26+$0x60]  }
0x244: {  	v46 =	vperm.xlane v23, v3;
	v47 =	vmul.f32 v40, v20;
	[tilespmem:s13+$0x70] =	vst v4;
	v4 =	vld [tilespmem:s11+$0xFFFFFFD0]  }
0x245: {  	v35 =	vld [tilespmem:s19+$0xFFFFFFF0];
	[tilespmem:s14+$0xFFFFFFE0] =	vst v53  }
0x246: {  	v5 =	vnsel vm0, $0x0, v5;
	s22 =	sadd.s32 $0x20, s17;
	[tilespmem:s29+$0xFFFFFFC0] =	vst v47;
	v49 =	vmul.f32 v42, v46  }
0x247: {  	[tilespmem:s22+$0x0] =	vst v5;
	v50 =	vld [tilespmem:s26+$0xFFFFFFD0];
	v5 =	vmul.f32 v44, v38  }
0x248: {  	v59 =	vld [tilespmem:s25+$0xFFFFFFF0];
	v21 =	vmul.f32 v45, v63;
	[tilespmem:s18+$0xFFFFFFC0] =	vst v49  }
0x249: {  	v4 =	vmul.f32 v4, v11;
	[tilespmem:s18+$0x50] =	vst v5;
	v5 =	vld [tilespmem:s10+$0xFFFFFFD0]  }
0x24a: {  	v43 =	vmul.f32 v35, v6;
	[tilespmem:s29+$0x60] =	vst v21;
	v52 =	vld [tilespmem:s10+$0x60]  }
0x24b: {  	v54 =	vld [tilespmem:s26+$0x70];
	[tilespmem:s13+$0xFFFFFFD0] =	vst v4  }
0x24c: {  	[tilespmem:s16+$0xFFFFFFF0] =	vst v43;
	v4 =	vmul.f32 v50, v20;
	v56 =	vld [tilespmem:s11+$0xFFFFFFE0]  }
0x24d: {  	[tilespmem:s0+$0xFFFFFFF0] =	vst v15;
	v62 =	vmul.f32 v59, v10  }
0x24e: {  	[tilespmem:s29+$0xFFFFFFD0] =	vst v4;
	v4 =	vmul.f32 v5, v46  }
0x24f: {  	[tilespmem:s14+$0xFFFFFFF0] =	vst v62;
	v57 =	vld [tilespmem:s26+$0xFFFFFFE0];
	v5 =	vmul.f32 v52, v38  }
0x250: {  	v51 =	vld [tilespmem:s20+$0xFFFFFFF0];
	v58 =	vmul.f32 v54, v63;
	[tilespmem:s18+$0xFFFFFFD0] =	vst v4  }
0x251: {  	v60 =	vmul.f32 v56, v11;
	[tilespmem:s18+$0x60] =	vst v5;
	v4 =	vld [tilespmem:s10+$0xFFFFFFE0]  }
0x252: {  	[tilespmem:s29+$0x70] =	vst v58;
	v61 =	vld [tilespmem:s10+$0x70]  }
0x253: {  	s25 =	sadd.s32 $0x20, s22;
	[tilespmem:s13+$0xFFFFFFE0] =	vst v60;
	v5 =	vnsel vm0, $0x0, v9  }
0x254: {  	[tilespmem:s25+$0x0] =	vst v5;
	v5 =	vmul.f32 v57, v20  }
0x255: {  	[tilespmem:s17+$0xFFFFFFF0] =	vst v12;
	v55 =	vmul.f32 v51, v8;
	v8 =	vld [tilespmem:s11+$0xFFFFFFF0]  }
0x256: {  	[tilespmem:s29+$0xFFFFFFE0] =	vst v5;
	v4 =	vmul.f32 v4, v46  }
0x257: {  	[tilespmem:s21+$0xFFFFFFF0] =	vst v55;
	v63 =	vld [tilespmem:s26+$0xFFFFFFF0];
	v5 =	vmul.f32 v61, v38  }
0x258: {  	[tilespmem:s18+$0xFFFFFFE0] =	vst v4  }
0x259: {  	s28 =	sadd.s32 $0x20, s25;
	v4 =	vnsel vm0, $0x0, v24;
	[tilespmem:s18+$0x70] =	vst v5;
	v5 =	vld [tilespmem:s10+$0xFFFFFFF0]  }
0x25a: {  	[tilespmem:s28+$0x0] =	vst v4;
	v4 =	vmul.f32 v8, v11  }
0x25b: {  	[tilespmem:s3+$0xFFFFFFF0] =	vst v13  }
0x25c: {  	[tilespmem:s13+$0xFFFFFFF0] =	vst v4;
	v4 =	vmul.f32 v63, v20  }
0x25d: {  	[tilespmem:s22+$0xFFFFFFF0] =	vst v14  }
0x25e: {  	[tilespmem:s29+$0xFFFFFFF0] =	vst v4;
	v4 =	vmul.f32 v5, v46  }
0x25f: {  	[tilespmem:s25+$0xFFFFFFF0] =	vst v16  }
0x260: {  	v5 =	vnsel vm0, $0x0, v23;
	[tilespmem:s18+$0xFFFFFFF0] =	vst v4  }
0x261: {  	[tilespmem:s28+$0xFFFFFFF0] =	vst v5  }
0x262: {  	[spmem:s31] =	stream.indirect.scatter.add.f32 [tilespmem:s30], [sflag:$0x5], $0x80, s5, s30, $0xb8;
	[tilespmem:$0x1F6B0] =	vst v63  }
0x263: {  	s15 =	sadd.s32 $0x1, s15;
	_ =	swait.ge [sflag:s23], $0x2800  }
0x264: {  	p0 =	sne.s32 s15, $0x7D;
	[sflag:s23] =	ssyncset.done $0x0  }
.Ltmp2:
0x265: {  	[sflag:s23] =	ssyncadd.s32 $0xFFFFD800;
	(pc) =	sbr.rel @p0 .LBB2_2-.Ltmp2, $4  }
0x266: {  	[spmem:s8] =	stream.indirect.scatter.add.f32 [tilespmem:s9], [sflag:$0x5], $0x10, s5, s30, $0xb8;
	[tilespmem:$0x1F6B0] =	vst v63  }
0x267: {  	_ =	swait.ge [sflag:s23], $0x500  }
0x268: {  	[sflag:s23] =	ssyncset.done $0x0  }
0x269: {  	[sflag:s23] =	ssyncadd.s32 $0xFFFFFB00  }
0x26a: {  	[bflag:$0x0] =	sbarrier.arrive $0xFFFF  }
0x26b: {  	s13 =	rddreg [dreg:$0x8]  }
0x26c: {  	s0 =	rddreg [dreg:$0x10]  }
0x26d: {  	s2 =	rddreg [dreg:$0x13]  }
0x26e: {  	[hbm:s0], [sflag:s13] =	dma.local [spmem:s2], $0x2780  }
0x26f: {  	_ =	swait.ge [sflag:s23], $0x2780  }
0x270: {  	[sflag:s23] =	ssyncset.done $0x0;
	s26 =	rddreg [dreg:$0x11]  }
0x271: {  	s3 =	rddreg [dreg:$0x15];
	[sflag:s23] =	ssyncadd.s32 $0xFFFFD880  }
0x272: {  	[hbm:s26], [sflag:s13] =	dma.local [spmem:s3], $0x4F0  }
0x273: {  	_ =	swait.ge [sflag:s23], $0x4F0  }
0x274: {  	s28 =	rddreg [dreg:$0x14]  }
0x275: {  	s29 =	rddreg [dreg:$0x12];
	s3 =	sadd.s32 $0x1, s28  }
0x276: {  	p0 =	sne.s32 s3, s29  }
.Ltmp3:
0x277: {  	_ = 	snop;
	(pc) =	sbr.rel @p0 .LBB2_1-.Ltmp3, $3  }
0x278: {  	_ =	sdelay $0x1  }
0x279: {  	[sflag:s23] =	ssyncset.done $0x0  }
0x27a: {  	[sflag:s23] =	ssyncadd.s32 $0xFFFFFB10  }
0x27b: {  	_ =	sfence.sel $0x180000  }
0x27c: {  	[bflag:$0x0] =	sbarrier.arrive $0xFFFF  }
0x27d: {  	_ =	strace $0x90000047  }
0x27e: {  	s0 =	stileid.u32;
	[bflag:$0x2] =	sbarrier.arrive $0xFFFF  }
0x27f: {  	p0 =	sne.s32 s0, $0x0;
	s0 =	rddreg [dreg:$0x4]  }
0x280: {  	s0 =	sadd.s32 @!p0 $0x100000, s0  }
0x281: {  	[sflag:s0] =	ssyncadd.tile.s32 @!p0 $0x1;
	_ =	shalt  }
.Lfunc_end2:
_tile_overlayer_lowered:
.L_overlay_start_2:
0x282: {  	(tag) =	ssettag $0x2  }
0x283: {  	s0 =	rddreg [dreg:$0x0];
	s2 =	stileid.u32  }
0x284: {  	s1 =	rddreg [dreg:$0x1];
	p0 =	sne.s32 s2, $0x0  }
0x285: {  	s3 =	rddreg [dreg:$0x2];
	[bflag:$0x3] =	sbarrier.arrive $0xFFFF;
	s2 =	simm.s32 @!p0 $0x1C05  }
0x286: {  	[timem:s3], [sflag:s2] =	dma.local @!p0 [hbm:s0], s1  }
0x287: {  	s0 =	simm.s32 @!p0 $0x5  }
0x288: {  	_ =	swait.ge @!p0 [sflag:s0], s1  }
0x289: {  	s1 =	ssub.s32 @!p0 $0x0, s1;
	[sflag:s0] =	ssyncset.done @!p0 $0x0  }
0x28a: {  	[sflag:s0] =	ssyncadd.s32 @!p0 s1  }
0x28b: {  	[bflag:$0x3] =	sbarrier.arrive $0xFFFF  }
0x28c: {  	_ =	shalt  }

</sc_bundles>
